<compile_context>
chip_gen: v7x
topology: tpu7x:2x2x1
jax: 0.10.2.dev20260603
libtpu: 0.0.44.dev20260713+nightly
codegen_flags: <defaults>
</compile_context>

<pallas_src>
import functools

import jax
import jax.numpy as jnp
from jax import lax
from jax.experimental import pallas as pl
from jax.experimental.pallas import tpu as pltpu
from jax.experimental.pallas import tpu_sc as plsc

N = 10000
NPAD = 10240
E = 160000
CK = 128
ECHUNKS = 1280
EPAD = ECHUNKS * CK
NS = 16
NC = 2
ZR = NPAD // NS
CR = NPAD // NS

_mesh = plsc.VectorSubcoreMesh(
    core_axis_name="c", subcore_axis_name="s", num_cores=NC, num_subcores=NS)


def _wid():
    return lax.axis_index("c"), lax.axis_index("s")


@functools.partial(
    pl.kernel,
    out_type=jax.ShapeDtypeStruct((NC, NPAD, 128), jnp.float32),
    mesh=_mesh,
    scratch_types=[
        pltpu.VMEM((EPAD // NC // NS // CK, CK), jnp.int32),
        pltpu.VMEM((CK, 128), jnp.float32),
        pltpu.VMEM_SHARED((NPAD, 128), jnp.float32),
        pltpu.SemaphoreType.DMA,
    ],
)
def _k1_deg(dst_hbm, ones_hbm, zeros_hbm, deg_hbm, dstb, onesb, acc, ssem):
    c, t = _wid()
    nch = EPAD // NC // NS // CK
    pltpu.sync_copy(dst_hbm.at[pl.ds(c * (nch * NS) + t * nch, nch)], dstb)
    pltpu.sync_copy(ones_hbm, onesb)
    pltpu.sync_copy(zeros_hbm, acc.at[pl.ds(t * ZR, ZR)])
    plsc.subcore_barrier()

    @pl.loop(0, nch)
    def _(j):
        pltpu.async_copy(onesb, acc.at[dstb.at[j]], ssem, add=True)

    @pl.loop(0, nch)
    def _(j):
        pltpu.make_async_copy(onesb, acc.at[dstb.at[j]], ssem).wait()

    plsc.subcore_barrier()
    pltpu.sync_copy(acc.at[pl.ds(t * CR, CR)],
                    deg_hbm.at[c].at[pl.ds(t * CR, CR)])


def _k2_body(x_ref, w_ref, da_ref, db_ref, gp_ref, dis_ref):
    h = jnp.dot(x_ref[...], w_ref[...], preferred_element_type=jnp.float32)
    deg = 1.0 + da_ref[0, :, 0:1] + db_ref[0, :, 0:1]
    dis = lax.rsqrt(deg)
    g = h * dis
    for k in range(4):
        gp_ref[k] = g[:, k * 128:(k + 1) * 128]
    dis_ref[...] = dis


def _k2(x, wcat, dega, degb):
    blk = 1000
    return pl.pallas_call(
        _k2_body,
        grid=(N // blk,),
        in_specs=[pl.BlockSpec((blk, 256), lambda i: (i, 0)),
                  pl.BlockSpec((256, 512), lambda i: (0, 0)),
                  pl.BlockSpec((1, blk, 128), lambda i: (0, i, 0)),
                  pl.BlockSpec((1, blk, 128), lambda i: (1, i, 0))],
        out_specs=[pl.BlockSpec((4, blk, 128), lambda i: (0, i, 0)),
                   pl.BlockSpec((blk, 1), lambda i: (i, 0))],
        out_shape=[jax.ShapeDtypeStruct((4, NPAD, 128), jnp.float32),
                   jax.ShapeDtypeStruct((N, 1), jnp.float32)],
    )(x, wcat, dega, degb)


@functools.partial(
    pl.kernel,
    out_type=jax.ShapeDtypeStruct((4, NPAD, 128), jnp.float32),
    mesh=_mesh,
    scratch_types=[
        pltpu.VMEM((ECHUNKS // NS // 2, CK), jnp.int32),
        pltpu.VMEM((ECHUNKS // NS // 2, CK), jnp.int32),
        pltpu.VMEM((2, CK, 128), jnp.float32),
        pltpu.VMEM_SHARED((NPAD, 128), jnp.float32),
        pltpu.SemaphoreType.DMA,
        pltpu.SemaphoreType.DMA,
        pltpu.SemaphoreType.DMA,
        pltpu.SemaphoreType.DMA,
    ],
)
def _k3_agg(gp_hbm, src_hbm, dst_hbm, zeros_hbm, s_hbm,
            srcb, dstb, rowsb, acc, gs0, gs1, ss0, ss1):
    gsem = (gs0, gs1)
    ssem = (ss0, ss1)
    NB = 2
    c, t = _wid()
    nch = ECHUNKS // NS // 2
    for p in range(2):
        fp = c * 2 + p
        pltpu.sync_copy(zeros_hbm, acc.at[pl.ds(t * ZR, ZR)])
        plsc.subcore_barrier()
        for seg in range(2):
            base = t * (2 * nch) + seg * nch
            pltpu.sync_copy(src_hbm.at[pl.ds(base, nch)], srcb)
            pltpu.sync_copy(dst_hbm.at[pl.ds(base, nch)], dstb)
            for b in range(NB):
                pltpu.async_copy(gp_hbm.at[fp].at[srcb.at[b]], rowsb.at[b],
                                 gsem[b])

            @pl.loop(0, nch // NB)
            def _(g):
                for b in range(NB):
                    j = g * NB + b
                    pltpu.make_async_copy(gp_hbm.at[fp].at[srcb.at[j]],
                                          rowsb.at[b], gsem[b]).wait()
                    pltpu.async_copy(rowsb.at[b], acc.at[dstb.at[j]],
                                     ssem[b], add=True)
                for b in range(NB):
                    j = g * NB + b
                    pltpu.make_async_copy(rowsb.at[b], acc.at[dstb.at[j]],
                                          ssem[b]).wait()
                    nj = j + NB

                    @pl.when(nj < nch)
                    def _():
                        pltpu.async_copy(gp_hbm.at[fp].at[srcb.at[nj]],
                                         rowsb.at[b], gsem[b])

        plsc.subcore_barrier()
        pltpu.sync_copy(acc.at[pl.ds(t * CR, CR)],
                        s_hbm.at[fp].at[pl.ds(t * CR, CR)])
        plsc.subcore_barrier()


def _k4_body(gp_ref, sp_ref, dis_ref, w2_ref, bc_ref, g2_ref):
    dis = dis_ref[...]
    parts = []
    for k in range(4):
        parts.append(jnp.maximum(
            (gp_ref[k] + sp_ref[k]) * dis + bc_ref[:, k * 128:(k + 1) * 128],
            0.0))
    pcat = jnp.concatenate(parts, axis=1)
    z = jnp.dot(pcat, w2_ref[...], preferred_element_type=jnp.float32)
    g2_ref[0] = z * dis
    g2_ref[1] = z * dis


def _k4(gp, sp, dis, w2cat, bcat):
    blk = 1000
    return pl.pallas_call(
        _k4_body,
        grid=(N // blk,),
        in_specs=[pl.BlockSpec((4, blk, 128), lambda i: (0, i, 0)),
                  pl.BlockSpec((4, blk, 128), lambda i: (0, i, 0)),
                  pl.BlockSpec((blk, 1), lambda i: (i, 0)),
                  pl.BlockSpec((512, 128), lambda i: (0, 0)),
                  pl.BlockSpec((1, 512), lambda i: (0, 0))],
        out_specs=pl.BlockSpec((2, blk, 128), lambda i: (0, i, 0)),
        out_shape=jax.ShapeDtypeStruct((2, N, 128), jnp.float32),
    )(gp, sp, dis, w2cat, bcat)


@functools.partial(
    pl.kernel,
    out_type=jax.ShapeDtypeStruct((NC, NPAD, 128), jnp.float32),
    mesh=_mesh,
    scratch_types=[
        pltpu.VMEM((EPAD // NC // NS // CK, CK), jnp.int32),
        pltpu.VMEM((EPAD // NC // NS // CK, CK), jnp.int32),
        pltpu.VMEM((2, CK, 128), jnp.float32),
        pltpu.VMEM_SHARED((NPAD, 128), jnp.float32),
        pltpu.SemaphoreType.DMA,
        pltpu.SemaphoreType.DMA,
        pltpu.SemaphoreType.DMA,
        pltpu.SemaphoreType.DMA,
    ],
)
def _k5_agg2(g2_hbm, src_hbm, dst_hbm, zeros_hbm, s2_hbm,
             srcb, dstb, rowsb, acc,
             gs0, gs1, ss0, ss1):
    gsem = (gs0, gs1)
    ssem = (ss0, ss1)
    NB = 2
    c, t = _wid()
    nch = EPAD // NC // NS // CK
    pltpu.sync_copy(zeros_hbm, acc.at[pl.ds(t * ZR, ZR)])
    plsc.subcore_barrier()
    for seg in range(1):
        base = c * (nch * NS) + t * nch
        pltpu.sync_copy(src_hbm.at[pl.ds(base, nch)], srcb)
        pltpu.sync_copy(dst_hbm.at[pl.ds(base, nch)], dstb)
        for b in range(NB):
            pltpu.async_copy(g2_hbm.at[c].at[srcb.at[b]], rowsb.at[b], gsem[b])

        @pl.loop(0, nch // NB)
        def _(g):
            for b in range(NB):
                j = g * NB + b
                pltpu.make_async_copy(g2_hbm.at[c].at[srcb.at[j]],
                                      rowsb.at[b], gsem[b]).wait()
                pltpu.async_copy(rowsb.at[b], acc.at[dstb.at[j]], ssem[b],
                                 add=True)
            for b in range(NB):
                j = g * NB + b
                pltpu.make_async_copy(rowsb.at[b], acc.at[dstb.at[j]],
                                      ssem[b]).wait()
                nj = j + NB

                @pl.when(nj < nch)
                def _():
                    pltpu.async_copy(g2_hbm.at[c].at[srcb.at[nj]],
                                     rowsb.at[b], gsem[b])

    plsc.subcore_barrier()
    pltpu.sync_copy(acc.at[pl.ds(t * CR, CR)],
                    s2_hbm.at[c].at[pl.ds(t * CR, CR)])


def _k6_body(s2a_ref, s2b_ref, g2_ref, dis_ref, b2_ref, ob_ref, oy_ref):
    v = ((s2a_ref[0] + s2b_ref[0] + g2_ref[0])
         * dis_ref[...] + b2_ref[...])
    ob_ref[...] = v[:, 0:1]
    oy_ref[...] = v[:, 1:2]


def _k6(s2p, g2, dis, b2row):
    blk = 1000
    return pl.pallas_call(
        _k6_body,
        grid=(N // blk,),
        in_specs=[pl.BlockSpec((1, blk, 128), lambda i: (0, i, 0)),
                  pl.BlockSpec((1, blk, 128), lambda i: (1, i, 0)),
                  pl.BlockSpec((1, blk, 128), lambda i: (0, i, 0)),
                  pl.BlockSpec((blk, 1), lambda i: (i, 0)),
                  pl.BlockSpec((1, 128), lambda i: (0, 0))],
        out_specs=[pl.BlockSpec((blk, 1), lambda i: (i, 0)),
                   pl.BlockSpec((blk, 1), lambda i: (i, 0))],
        out_shape=[jax.ShapeDtypeStruct((N, 1), jnp.float32),
                   jax.ShapeDtypeStruct((N, 1), jnp.float32)],
    )(s2p, s2p, g2, dis, b2row)


def kernel(x, edge_index, W_B1, b_B1, W_B2, b_B2, W_Y1, b_Y1, W_Y2, b_Y2):
    src = edge_index[0].astype(jnp.int32)
    dst = edge_index[1].astype(jnp.int32)
    npad = EPAD - E
    srcp = jnp.concatenate([src, jnp.zeros((npad,), jnp.int32)]
                           ).reshape(ECHUNKS, CK)
    pad_dst = N + (jnp.arange(npad, dtype=jnp.int32) % (NPAD - N))
    dstp = jnp.concatenate([dst, pad_dst]).reshape(ECHUNKS, CK)

    wcat = jnp.concatenate([W_B1, W_Y1], axis=1)
    bcat = jnp.concatenate([b_B1, b_Y1]).reshape(1, 512)
    z256 = jnp.zeros((256, 1), jnp.float32)
    w2cat = jnp.concatenate(
        [jnp.concatenate([W_B2, z256]),
         jnp.concatenate([z256, W_Y2]),
         jnp.zeros((512, 126), jnp.float32)], axis=1)
    b2row = jnp.concatenate([b_B2, b_Y2, jnp.zeros((126,), jnp.float32)]
                            ).reshape(1, 128)

    ones128 = jnp.ones((CK, 128), jnp.float32)
    zeros128 = jnp.zeros((ZR, 128), jnp.float32)

    degp = _k1_deg(dstp, ones128, zeros128)
    gp, dis = _k2(x, wcat, degp, degp)
    sp = _k3_agg(gp, srcp, dstp, zeros128)
    g2 = _k4(gp, sp, dis, w2cat, bcat)
    s2p = _k5_agg2(g2, srcp, dstp, zeros128)
    ob, oy = _k6(s2p, g2, dis, b2row)
    return (ob, oy)

# --- scband reference (transcript-rebuilt; emitter-appended) ---
"""Pipeline reference for scband-gcn-bot-53919019434474 (READ-ONLY COPY).

The authoritative reference and input builder live on the scoring server;
editing this copy changes nothing except your own understanding.
"""

import jax, jax.numpy as jnp
import numpy as np

N_NODES = 10000
IN_DIM = 256
H_DIM1 = 256
H_DIM2 = 256
OUT_DIM1 = 1
OUT_DIM2 = 1
N_EDGES = 160000


def glorot(key, shape):
    fan_in, fan_out = shape[0], shape[1]
    limit = jnp.sqrt(6.0 / (fan_in + fan_out))
    return jax.random.uniform(key, shape, minval=-limit, maxval=limit, dtype=jnp.float32)


def setup_inputs(seed: int = 0) -> dict:
    key = jax.random.key(seed)
    ks = jax.random.split(key, 12)
    x = jax.random.normal(ks[0], (N_NODES, IN_DIM), dtype=jnp.float32)
    edge_index = jax.random.randint(ks[1], (2, N_EDGES), 0, N_NODES, dtype=jnp.int64 if jax.config.jax_enable_x64 else jnp.int32).astype(jnp.int32)
    W_B1 = glorot(ks[2], (IN_DIM, H_DIM1))
    b_B1 = jnp.zeros((H_DIM1,), dtype=jnp.float32)
    W_B2 = glorot(ks[3], (H_DIM1, OUT_DIM1))
    b_B2 = jnp.zeros((OUT_DIM1,), dtype=jnp.float32)
    W_Y1 = glorot(ks[4], (IN_DIM, H_DIM2))
    b_Y1 = jnp.zeros((H_DIM2,), dtype=jnp.float32)
    W_Y2 = glorot(ks[5], (H_DIM2, OUT_DIM2))
    b_Y2 = jnp.zeros((OUT_DIM2,), dtype=jnp.float32)
    return {"x": x, "edge_index": edge_index,
            "W_B1": W_B1, "b_B1": b_B1, "W_B2": W_B2, "b_B2": b_B2,
            "W_Y1": W_Y1, "b_Y1": b_Y1, "W_Y2": W_Y2, "b_Y2": b_Y2}


def gcn_conv(x, edge_index, W, b, num_nodes):
    # GCNConv: linear transform, add self-loops, symmetric normalization, scatter-add aggregation
    h = x @ W
    loop = jnp.arange(num_nodes, dtype=edge_index.dtype)
    src = jnp.concatenate([edge_index[0], loop])
    dst = jnp.concatenate([edge_index[1], loop])
    deg = jnp.zeros((num_nodes,), dtype=h.dtype).at[dst].add(1.0)
    deg_inv_sqrt = jnp.where(deg > 0, 1.0 / jnp.sqrt(deg), 0.0)
    norm = deg_inv_sqrt[src] * deg_inv_sqrt[dst]
    msg = h[src] * norm[:, None]
    out = jnp.zeros((num_nodes, h.shape[1]), dtype=h.dtype).at[dst].add(msg)
    return out + b


def reference(x, edge_index, W_B1, b_B1, W_B2, b_B2, W_Y1, b_Y1, W_Y2, b_Y2):
    n = x.shape[0]
    # Branch B
    xB1 = jax.nn.relu(gcn_conv(x, edge_index, W_B1, b_B1, n))
    # dropout(p=0.5, training=False) is identity in eval mode
    xB2 = gcn_conv(xB1, edge_index, W_B2, b_B2, n)
    # Branch Y
    xY1 = jax.nn.relu(gcn_conv(x, edge_index, W_Y1, b_Y1, n))
    xY2 = gcn_conv(xY1, edge_index, W_Y2, b_Y2, n)
    return (xB2, xY2)

if __name__ == "__main__":
    import jax
    _d = setup_inputs()
    print(jax.jit(kernel)(*tuple(_d.values())))

</pallas_src>

<mosaic_0001>
#map = affine_map<(d0, d1) -> (0, 0)>
#map1 = affine_map<(d0, d1) -> (0, 0, 0)>
module attributes {stable_mosaic.version = 14 : i64} {
  func.func @_k1_deg(%arg0: i32, %arg1: i32, %arg2: memref<1280x128xi32, #tpu.memory_space<hbm>>, %arg3: memref<128x128xf32, #tpu.memory_space<hbm>>, %arg4: memref<640x128xf32, #tpu.memory_space<hbm>>, %arg5: memref<2x10240x128xf32, #tpu.memory_space<hbm>>, %arg6: memref<40x128xi32, #tpu.memory_space<vmem>>, %arg7: memref<128x128xf32, #tpu.memory_space<vmem>>, %arg8: memref<10240x128xf32, #tpu.memory_space<vmem_shared>>, %arg9: memref<!tpu.dma_semaphore, #tpu.memory_space<semaphore_mem>>) attributes {dimension_semantics = [#tpu.dimension_semantics<core_parallel>, #tpu.dimension_semantics<subcore_parallel>], iteration_bounds = array<i64: 2, 16>, scalar_prefetch = 0 : i64, scratch_operands = 4 : i64, tpu.core_type = #tpu.core_type<sc_vector_subcore>, window_params = [{transform_indices = #map}, {transform_indices = #map}, {transform_indices = #map}, {transform_indices = #map1}]} {
    %mul3A = arith.constant 640 : i32
    %mul3A_0 = arith.muli %arg0, %mul3A : i32
    %mul3A_1 = arith.constant 40 : i32
    %mul3A_2 = arith.muli %arg1, %mul3A_1 : i32
    %add3A = arith.addi %mul3A_0, %mul3A_2 : i32
    "tpu.region"() ({
      %run_scoped3A = tpu.sem_alloc : memref<!tpu.dma_semaphore, #tpu.memory_space<semaphore_mem>>
      %dma_start3A = arith.constant 0 : i32
      %dma_start3A_19 = tpu.memref_slice %arg2[%add3A, %dma_start3A] : memref<1280x128xi32, #tpu.memory_space<hbm>> -> memref<40x128xi32, #tpu.memory_space<hbm>>
      %dma_start3A_20 = arith.constant 0 : i32
      %dma_start3A_21 = tpu.memref_slice %arg2[%add3A, %dma_start3A_20] : memref<1280x128xi32, #tpu.memory_space<hbm>> -> memref<40x128xi32, #tpu.memory_space<hbm>>
      tpu.enqueue_dma source(%dma_start3A_21 : memref<40x128xi32, #tpu.memory_space<hbm>>) target(%arg6 : memref<40x128xi32, #tpu.memory_space<vmem>>) target_semaphore(%run_scoped3A : memref<!tpu.dma_semaphore, #tpu.memory_space<semaphore_mem>>)
      %dma_wait3A = arith.constant 0 : i32
      %dma_wait3A_22 = tpu.memref_slice %arg2[%add3A, %dma_wait3A] : memref<1280x128xi32, #tpu.memory_space<hbm>> -> memref<40x128xi32, #tpu.memory_space<hbm>>
      %dma_wait3A_23 = arith.constant 0 : i32
      %dma_wait3A_24 = tpu.memref_slice %arg2[%add3A, %dma_wait3A_23] : memref<1280x128xi32, #tpu.memory_space<hbm>> -> memref<40x128xi32, #tpu.memory_space<hbm>>
      tpu.wait_dma2 semaphore(%run_scoped3A : memref<!tpu.dma_semaphore, #tpu.memory_space<semaphore_mem>>) src(%dma_wait3A_24 : memref<40x128xi32, #tpu.memory_space<hbm>>) dst(%arg6 : memref<40x128xi32, #tpu.memory_space<vmem>>)
      tpu.yield
    }) : () -> ()
    "tpu.region"() ({
      %run_scoped3A = tpu.sem_alloc : memref<!tpu.dma_semaphore, #tpu.memory_space<semaphore_mem>>
      tpu.enqueue_dma source(%arg3 : memref<128x128xf32, #tpu.memory_space<hbm>>) target(%arg7 : memref<128x128xf32, #tpu.memory_space<vmem>>) target_semaphore(%run_scoped3A : memref<!tpu.dma_semaphore, #tpu.memory_space<semaphore_mem>>)
      tpu.wait_dma2 semaphore(%run_scoped3A : memref<!tpu.dma_semaphore, #tpu.memory_space<semaphore_mem>>) src(%arg3 : memref<128x128xf32, #tpu.memory_space<hbm>>) dst(%arg7 : memref<128x128xf32, #tpu.memory_space<vmem>>)
      tpu.yield
    }) : () -> ()
    %mul3A_3 = arith.constant 640 : i32
    %mul3A_4 = arith.muli %arg1, %mul3A_3 : i32
    "tpu.region"() ({
      %run_scoped3A = tpu.sem_alloc : memref<!tpu.dma_semaphore, #tpu.memory_space<semaphore_mem>>
      %dma_start3A = arith.constant 0 : i32
      %dma_start3A_19 = tpu.memref_slice %arg8[%mul3A_4, %dma_start3A] : memref<10240x128xf32, #tpu.memory_space<vmem_shared>> -> memref<640x128xf32, #tpu.memory_space<vmem_shared>>
      tpu.enqueue_dma source(%arg4 : memref<640x128xf32, #tpu.memory_space<hbm>>) target(%dma_start3A_19 : memref<640x128xf32, #tpu.memory_space<vmem_shared>>) target_semaphore(%run_scoped3A : memref<!tpu.dma_semaphore, #tpu.memory_space<semaphore_mem>>)
      %dma_wait3A = arith.constant 0 : i32
      %dma_wait3A_20 = tpu.memref_slice %arg8[%mul3A_4, %dma_wait3A] : memref<10240x128xf32, #tpu.memory_space<vmem_shared>> -> memref<640x128xf32, #tpu.memory_space<vmem_shared>>
      tpu.wait_dma2 semaphore(%run_scoped3A : memref<!tpu.dma_semaphore, #tpu.memory_space<semaphore_mem>>) src(%arg4 : memref<640x128xf32, #tpu.memory_space<hbm>>) dst(%dma_wait3A_20 : memref<640x128xf32, #tpu.memory_space<vmem_shared>>)
      tpu.yield
    }) : () -> ()
    %barrier3A = arith.constant 0 : index
    tpu.barrier barrier_id(%barrier3A)
    %scan3A = arith.constant 0 : i32
    %scan3A_5 = arith.constant 40 : i32
    %scan3A_6 = arith.addi %scan3A, %scan3A_5 : i32
    %scan3A_7 = arith.constant 1 : i32
    scf.for %scan3A_19 = %scan3A to %scan3A_6 step %scan3A_7  : i32 {
      %mul3A_20 = arith.constant 1 : i32
      %mul3A_21 = arith.muli %scan3A_19, %mul3A_20 : i32
      %add3A_22 = arith.constant 0 : i32
      %add3A_23 = arith.addi %add3A_22, %mul3A_21 : i32
      %dma_start3A = arith.constant 0 : i32
      %dma_start3A_24 = tpu.memref_slice %arg6[%add3A_23, %dma_start3A] : memref<40x128xi32, #tpu.memory_space<vmem>> -> memref<1x128xi32, #tpu.memory_space<vmem>>
      %dma_start3A_25 = tpu.memref_squeeze %dma_start3A_24 : memref<1x128xi32, #tpu.memory_space<vmem>> -> memref<128xi32, #tpu.memory_space<vmem>>
      %dma_start3A_26 = arith.constant 0 : i32
      %dma_start3A_27 = arith.constant 0 : i32
      %dma_start3A_28 = tpu.memref_slice %arg8[%dma_start3A_26, %dma_start3A_27] : memref<10240x128xf32, #tpu.memory_space<vmem_shared>> -> memref<10240x128xf32, #tpu.memory_space<vmem_shared>>
      tpu.enqueue_indirect_dma source(%arg7 : memref<128x128xf32, #tpu.memory_space<vmem>>) target(%dma_start3A_28 : memref<10240x128xf32, #tpu.memory_space<vmem_shared>>) offsets(%dma_start3A_25 : memref<128xi32, #tpu.memory_space<vmem>>) semaphore(%arg9 : memref<!tpu.dma_semaphore, #tpu.memory_space<semaphore_mem>>) {add = true}
    }
    %scan3A_8 = arith.constant 40 : i32
    %scan3A_9 = arith.constant 0 : i32
    %scan3A_10 = arith.constant 40 : i32
    %scan3A_11 = arith.addi %scan3A_9, %scan3A_10 : i32
    %scan3A_12 = arith.constant 1 : i32
    scf.for %scan3A_19 = %scan3A_9 to %scan3A_11 step %scan3A_12  : i32 {
      %mul3A_20 = arith.constant 1 : i32
      %mul3A_21 = arith.muli %scan3A_19, %mul3A_20 : i32
      %add3A_22 = arith.constant 0 : i32
      %add3A_23 = arith.addi %add3A_22, %mul3A_21 : i32
      %dma_wait3A = arith.constant 0 : i32
      %dma_wait3A_24 = tpu.memref_slice %arg6[%add3A_23, %dma_wait3A] : memref<40x128xi32, #tpu.memory_space<vmem>> -> memref<1x128xi32, #tpu.memory_space<vmem>>
      %dma_wait3A_25 = tpu.memref_squeeze %dma_wait3A_24 : memref<1x128xi32, #tpu.memory_space<vmem>> -> memref<128xi32, #tpu.memory_space<vmem>>
      %dma_wait3A_26 = arith.constant 0 : i32
      %dma_wait3A_27 = arith.constant 0 : i32
      %dma_wait3A_28 = tpu.memref_slice %arg8[%dma_wait3A_26, %dma_wait3A_27] : memref<10240x128xf32, #tpu.memory_space<vmem_shared>> -> memref<10240x128xf32, #tpu.memory_space<vmem_shared>>
      tpu.wait_indirect_dma semaphore(%arg9 : memref<!tpu.dma_semaphore, #tpu.memory_space<semaphore_mem>>) src(%arg7 : memref<128x128xf32, #tpu.memory_space<vmem>>) dst(%dma_wait3A_28 : memref<10240x128xf32, #tpu.memory_space<vmem_shared>>)
    }
    %scan3A_13 = arith.constant 40 : i32
    %barrier3A_14 = arith.constant 0 : index
    tpu.barrier barrier_id(%barrier3A_14)
    %mul3A_15 = arith.constant 640 : i32
    %mul3A_16 = arith.muli %arg1, %mul3A_15 : i32
    %mul3A_17 = arith.constant 640 : i32
    %mul3A_18 = arith.muli %arg1, %mul3A_17 : i32
    "tpu.region"() ({
      %run_scoped3A = tpu.sem_alloc : memref<!tpu.dma_semaphore, #tpu.memory_space<semaphore_mem>>
      %dma_start3A = arith.constant 0 : i32
      %dma_start3A_19 = arith.constant 0 : i32
      %dma_start3A_20 = tpu.memref_slice %arg5[%arg0, %dma_start3A, %dma_start3A_19] : memref<2x10240x128xf32, #tpu.memory_space<hbm>> -> memref<1x10240x128xf32, #tpu.memory_space<hbm>>
      %dma_start3A_21 = tpu.memref_squeeze %dma_start3A_20 : memref<1x10240x128xf32, #tpu.memory_space<hbm>> -> memref<10240x128xf32, #tpu.memory_space<hbm>>
      %dma_start3A_22 = arith.constant 0 : i32
      %dma_start3A_23 = tpu.memref_slice %dma_start3A_21[%mul3A_18, %dma_start3A_22] : memref<10240x128xf32, #tpu.memory_space<hbm>> -> memref<640x128xf32, #tpu.memory_space<hbm>>
      %dma_start3A_24 = arith.constant 0 : i32
      %dma_start3A_25 = tpu.memref_slice %arg8[%mul3A_16, %dma_start3A_24] : memref<10240x128xf32, #tpu.memory_space<vmem_shared>> -> memref<640x128xf32, #tpu.memory_space<vmem_shared>>
      tpu.enqueue_dma source(%dma_start3A_25 : memref<640x128xf32, #tpu.memory_space<vmem_shared>>) target(%dma_start3A_23 : memref<640x128xf32, #tpu.memory_space<hbm>>) target_semaphore(%run_scoped3A : memref<!tpu.dma_semaphore, #tpu.memory_space<semaphore_mem>>)
      %dma_wait3A = arith.constant 0 : i32
      %dma_wait3A_26 = arith.constant 0 : i32
      %dma_wait3A_27 = tpu.memref_slice %arg5[%arg0, %dma_wait3A, %dma_wait3A_26] : memref<2x10240x128xf32, #tpu.memory_space<hbm>> -> memref<1x10240x128xf32, #tpu.memory_space<hbm>>
      %dma_wait3A_28 = tpu.memref_squeeze %dma_wait3A_27 : memref<1x10240x128xf32, #tpu.memory_space<hbm>> -> memref<10240x128xf32, #tpu.memory_space<hbm>>
      %dma_wait3A_29 = arith.constant 0 : i32
      %dma_wait3A_30 = tpu.memref_slice %dma_wait3A_28[%mul3A_18, %dma_wait3A_29] : memref<10240x128xf32, #tpu.memory_space<hbm>> -> memref<640x128xf32, #tpu.memory_space<hbm>>
      %dma_wait3A_31 = arith.constant 0 : i32
      %dma_wait3A_32 = tpu.memref_slice %arg8[%mul3A_16, %dma_wait3A_31] : memref<10240x128xf32, #tpu.memory_space<vmem_shared>> -> memref<640x128xf32, #tpu.memory_space<vmem_shared>>
      tpu.wait_dma2 semaphore(%run_scoped3A : memref<!tpu.dma_semaphore, #tpu.memory_space<semaphore_mem>>) src(%dma_wait3A_32 : memref<640x128xf32, #tpu.memory_space<vmem_shared>>) dst(%dma_wait3A_30 : memref<640x128xf32, #tpu.memory_space<hbm>>)
      tpu.yield
    }) : () -> ()
    return
  }
}

#map = affine_map<(d0, d1) -> (0, 0, 0)>
#map1 = affine_map<(d0, d1) -> (0, 0)>
module attributes {stable_mosaic.version = 14 : i64} {
  func.func @_k3_agg(%arg0: i32, %arg1: i32, %arg2: memref<4x10240x128xf32, #tpu.memory_space<hbm>>, %arg3: memref<1280x128xi32, #tpu.memory_space<hbm>>, %arg4: memref<1280x128xi32, #tpu.memory_space<hbm>>, %arg5: memref<640x128xf32, #tpu.memory_space<hbm>>, %arg6: memref<4x10240x128xf32, #tpu.memory_space<hbm>>, %arg7: memref<40x128xi32, #tpu.memory_space<vmem>>, %arg8: memref<40x128xi32, #tpu.memory_space<vmem>>, %arg9: memref<2x128x128xf32, #tpu.memory_space<vmem>>, %arg10: memref<10240x128xf32, #tpu.memory_space<vmem_shared>>, %arg11: memref<!tpu.dma_semaphore, #tpu.memory_space<semaphore_mem>>, %arg12: memref<!tpu.dma_semaphore, #tpu.memory_space<semaphore_mem>>, %arg13: memref<!tpu.dma_semaphore, #tpu.memory_space<semaphore_mem>>, %arg14: memref<!tpu.dma_semaphore, #tpu.memory_space<semaphore_mem>>) attributes {dimension_semantics = [#tpu.dimension_semantics<core_parallel>, #tpu.dimension_semantics<subcore_parallel>], iteration_bounds = array<i64: 2, 16>, scalar_prefetch = 0 : i64, scratch_operands = 8 : i64, tpu.core_type = #tpu.core_type<sc_vector_subcore>, window_params = [{transform_indices = #map}, {transform_indices = #map1}, {transform_indices = #map1}, {transform_indices = #map1}, {transform_indices = #map}]} {
    %mul3A = arith.constant 2 : i32
    %mul3A_0 = arith.muli %arg0, %mul3A : i32
    %add3A = arith.constant 0 : i32
    %add3A_1 = arith.addi %mul3A_0, %add3A : i32
    %mul3A_2 = arith.constant 640 : i32
    %mul3A_3 = arith.muli %arg1, %mul3A_2 : i32
    "tpu.region"() ({
      %run_scoped3A = tpu.sem_alloc : memref<!tpu.dma_semaphore, #tpu.memory_space<semaphore_mem>>
      %dma_start3A_185 = arith.constant 0 : i32
      %dma_start3A_186 = tpu.memref_slice %arg10[%mul3A_3, %dma_start3A_185] : memref<10240x128xf32, #tpu.memory_space<vmem_shared>> -> memref<640x128xf32, #tpu.memory_space<vmem_shared>>
      tpu.enqueue_dma source(%arg5 : memref<640x128xf32, #tpu.memory_space<hbm>>) target(%dma_start3A_186 : memref<640x128xf32, #tpu.memory_space<vmem_shared>>) target_semaphore(%run_scoped3A : memref<!tpu.dma_semaphore, #tpu.memory_space<semaphore_mem>>)
      %dma_wait3A = arith.constant 0 : i32
      %dma_wait3A_187 = tpu.memref_slice %arg10[%mul3A_3, %dma_wait3A] : memref<10240x128xf32, #tpu.memory_space<vmem_shared>> -> memref<640x128xf32, #tpu.memory_space<vmem_shared>>
      tpu.wait_dma2 semaphore(%run_scoped3A : memref<!tpu.dma_semaphore, #tpu.memory_space<semaphore_mem>>) src(%arg5 : memref<640x128xf32, #tpu.memory_space<hbm>>) dst(%dma_wait3A_187 : memref<640x128xf32, #tpu.memory_space<vmem_shared>>)
      tpu.yield
    }) : () -> ()
    %barrier3A = arith.constant 0 : index
    tpu.barrier barrier_id(%barrier3A)
    %mul3A_4 = arith.constant 80 : i32
    %mul3A_5 = arith.muli %arg1, %mul3A_4 : i32
    %add3A_6 = arith.constant 0 : i32
    %add3A_7 = arith.addi %mul3A_5, %add3A_6 : i32
    "tpu.region"() ({
      %run_scoped3A = tpu.sem_alloc : memref<!tpu.dma_semaphore, #tpu.memory_space<semaphore_mem>>
      %dma_start3A_185 = arith.constant 0 : i32
      %dma_start3A_186 = tpu.memref_slice %arg3[%add3A_7, %dma_start3A_185] : memref<1280x128xi32, #tpu.memory_space<hbm>> -> memref<40x128xi32, #tpu.memory_space<hbm>>
      %dma_start3A_187 = arith.constant 0 : i32
      %dma_start3A_188 = tpu.memref_slice %arg3[%add3A_7, %dma_start3A_187] : memref<1280x128xi32, #tpu.memory_space<hbm>> -> memref<40x128xi32, #tpu.memory_space<hbm>>
      tpu.enqueue_dma source(%dma_start3A_188 : memref<40x128xi32, #tpu.memory_space<hbm>>) target(%arg7 : memref<40x128xi32, #tpu.memory_space<vmem>>) target_semaphore(%run_scoped3A : memref<!tpu.dma_semaphore, #tpu.memory_space<semaphore_mem>>)
      %dma_wait3A = arith.constant 0 : i32
      %dma_wait3A_189 = tpu.memref_slice %arg3[%add3A_7, %dma_wait3A] : memref<1280x128xi32, #tpu.memory_space<hbm>> -> memref<40x128xi32, #tpu.memory_space<hbm>>
      %dma_wait3A_190 = arith.constant 0 : i32
      %dma_wait3A_191 = tpu.memref_slice %arg3[%add3A_7, %dma_wait3A_190] : memref<1280x128xi32, #tpu.memory_space<hbm>> -> memref<40x128xi32, #tpu.memory_space<hbm>>
      tpu.wait_dma2 semaphore(%run_scoped3A : memref<!tpu.dma_semaphore, #tpu.memory_space<semaphore_mem>>) src(%dma_wait3A_191 : memref<40x128xi32, #tpu.memory_space<hbm>>) dst(%arg7 : memref<40x128xi32, #tpu.memory_space<vmem>>)
      tpu.yield
    }) : () -> ()
    "tpu.region"() ({
      %run_scoped3A = tpu.sem_alloc : memref<!tpu.dma_semaphore, #tpu.memory_space<semaphore_mem>>
      %dma_start3A_185 = arith.constant 0 : i32
      %dma_start3A_186 = tpu.memref_slice %arg4[%add3A_7, %dma_start3A_185] : memref<1280x128xi32, #tpu.memory_space<hbm>> -> memref<40x128xi32, #tpu.memory_space<hbm>>
      %dma_start3A_187 = arith.constant 0 : i32
      %dma_start3A_188 = tpu.memref_slice %arg4[%add3A_7, %dma_start3A_187] : memref<1280x128xi32, #tpu.memory_space<hbm>> -> memref<40x128xi32, #tpu.memory_space<hbm>>
      tpu.enqueue_dma source(%dma_start3A_188 : memref<40x128xi32, #tpu.memory_space<hbm>>) target(%arg8 : memref<40x128xi32, #tpu.memory_space<vmem>>) target_semaphore(%run_scoped3A : memref<!tpu.dma_semaphore, #tpu.memory_space<semaphore_mem>>)
      %dma_wait3A = arith.constant 0 : i32
      %dma_wait3A_189 = tpu.memref_slice %arg4[%add3A_7, %dma_wait3A] : memref<1280x128xi32, #tpu.memory_space<hbm>> -> memref<40x128xi32, #tpu.memory_space<hbm>>
      %dma_wait3A_190 = arith.constant 0 : i32
      %dma_wait3A_191 = tpu.memref_slice %arg4[%add3A_7, %dma_wait3A_190] : memref<1280x128xi32, #tpu.memory_space<hbm>> -> memref<40x128xi32, #tpu.memory_space<hbm>>
      tpu.wait_dma2 semaphore(%run_scoped3A : memref<!tpu.dma_semaphore, #tpu.memory_space<semaphore_mem>>) src(%dma_wait3A_191 : memref<40x128xi32, #tpu.memory_space<hbm>>) dst(%arg8 : memref<40x128xi32, #tpu.memory_space<vmem>>)
      tpu.yield
    }) : () -> ()
    %dma_start3A = arith.constant 0 : i32
    %dma_start3A_8 = arith.constant 0 : i32
    %dma_start3A_9 = arith.constant 0 : i32
    %dma_start3A_10 = arith.constant 0 : i32
    %dma_start3A_11 = tpu.memref_slice %arg9[%dma_start3A_8, %dma_start3A_9, %dma_start3A_10] : memref<2x128x128xf32, #tpu.memory_space<vmem>> -> memref<1x128x128xf32, #tpu.memory_space<vmem>>
    %dma_start3A_12 = tpu.memref_squeeze %dma_start3A_11 : memref<1x128x128xf32, #tpu.memory_space<vmem>> -> memref<128x128xf32, #tpu.memory_space<vmem>>
    %dma_start3A_13 = arith.constant 0 : i32
    %dma_start3A_14 = tpu.memref_slice %arg7[%dma_start3A, %dma_start3A_13] : memref<40x128xi32, #tpu.memory_space<vmem>> -> memref<1x128xi32, #tpu.memory_space<vmem>>
    %dma_start3A_15 = tpu.memref_squeeze %dma_start3A_14 : memref<1x128xi32, #tpu.memory_space<vmem>> -> memref<128xi32, #tpu.memory_space<vmem>>
    %dma_start3A_16 = arith.constant 0 : i32
    %dma_start3A_17 = arith.constant 0 : i32
    %dma_start3A_18 = tpu.memref_slice %arg2[%add3A_1, %dma_start3A_16, %dma_start3A_17] : memref<4x10240x128xf32, #tpu.memory_space<hbm>> -> memref<1x10240x128xf32, #tpu.memory_space<hbm>>
    %dma_start3A_19 = tpu.memref_squeeze %dma_start3A_18 : memref<1x10240x128xf32, #tpu.memory_space<hbm>> -> memref<10240x128xf32, #tpu.memory_space<hbm>>
    %dma_start3A_20 = arith.constant 0 : i32
    %dma_start3A_21 = arith.constant 0 : i32
    %dma_start3A_22 = tpu.memref_slice %dma_start3A_19[%dma_start3A_20, %dma_start3A_21] : memref<10240x128xf32, #tpu.memory_space<hbm>> -> memref<10240x128xf32, #tpu.memory_space<hbm>>
    tpu.enqueue_indirect_dma source(%dma_start3A_22 : memref<10240x128xf32, #tpu.memory_space<hbm>>) target(%dma_start3A_12 : memref<128x128xf32, #tpu.memory_space<vmem>>) offsets(%dma_start3A_15 : memref<128xi32, #tpu.memory_space<vmem>>) semaphore(%arg11 : memref<!tpu.dma_semaphore, #tpu.memory_space<semaphore_mem>>)
    %dma_start3A_23 = arith.constant 1 : i32
    %dma_start3A_24 = arith.constant 1 : i32
    %dma_start3A_25 = arith.constant 0 : i32
    %dma_start3A_26 = arith.constant 0 : i32
    %dma_start3A_27 = tpu.memref_slice %arg9[%dma_start3A_24, %dma_start3A_25, %dma_start3A_26] : memref<2x128x128xf32, #tpu.memory_space<vmem>> -> memref<1x128x128xf32, #tpu.memory_space<vmem>>
    %dma_start3A_28 = tpu.memref_squeeze %dma_start3A_27 : memref<1x128x128xf32, #tpu.memory_space<vmem>> -> memref<128x128xf32, #tpu.memory_space<vmem>>
    %dma_start3A_29 = arith.constant 0 : i32
    %dma_start3A_30 = tpu.memref_slice %arg7[%dma_start3A_23, %dma_start3A_29] : memref<40x128xi32, #tpu.memory_space<vmem>> -> memref<1x128xi32, #tpu.memory_space<vmem>>
    %dma_start3A_31 = tpu.memref_squeeze %dma_start3A_30 : memref<1x128xi32, #tpu.memory_space<vmem>> -> memref<128xi32, #tpu.memory_space<vmem>>
    %dma_start3A_32 = arith.constant 0 : i32
    %dma_start3A_33 = arith.constant 0 : i32
    %dma_start3A_34 = tpu.memref_slice %arg2[%add3A_1, %dma_start3A_32, %dma_start3A_33] : memref<4x10240x128xf32, #tpu.memory_space<hbm>> -> memref<1x10240x128xf32, #tpu.memory_space<hbm>>
    %dma_start3A_35 = tpu.memref_squeeze %dma_start3A_34 : memref<1x10240x128xf32, #tpu.memory_space<hbm>> -> memref<10240x128xf32, #tpu.memory_space<hbm>>
    %dma_start3A_36 = arith.constant 0 : i32
    %dma_start3A_37 = arith.constant 0 : i32
    %dma_start3A_38 = tpu.memref_slice %dma_start3A_35[%dma_start3A_36, %dma_start3A_37] : memref<10240x128xf32, #tpu.memory_space<hbm>> -> memref<10240x128xf32, #tpu.memory_space<hbm>>
    tpu.enqueue_indirect_dma source(%dma_start3A_38 : memref<10240x128xf32, #tpu.memory_space<hbm>>) target(%dma_start3A_28 : memref<128x128xf32, #tpu.memory_space<vmem>>) offsets(%dma_start3A_31 : memref<128xi32, #tpu.memory_space<vmem>>) semaphore(%arg12 : memref<!tpu.dma_semaphore, #tpu.memory_space<semaphore_mem>>)
    %scan3A = arith.constant 0 : i32
    %scan3A_39 = arith.constant 20 : i32
    %scan3A_40 = arith.addi %scan3A, %scan3A_39 : i32
    %scan3A_41 = arith.constant 1 : i32
    scf.for %scan3A_185 = %scan3A to %scan3A_40 step %scan3A_41  : i32 {
      %mul3A_186 = arith.constant 1 : i32
      %mul3A_187 = arith.muli %scan3A_185, %mul3A_186 : i32
      %add3A_188 = arith.constant 0 : i32
      %add3A_189 = arith.addi %add3A_188, %mul3A_187 : i32
      %mul3A_190 = arith.constant 2 : i32
      %mul3A_191 = arith.muli %add3A_189, %mul3A_190 : i32
      %add3A_192 = arith.constant 0 : i32
      %add3A_193 = arith.addi %mul3A_191, %add3A_192 : i32
      %dma_wait3A = arith.constant 0 : i32
      %dma_wait3A_194 = arith.constant 0 : i32
      %dma_wait3A_195 = arith.constant 0 : i32
      %dma_wait3A_196 = tpu.memref_slice %arg9[%dma_wait3A, %dma_wait3A_194, %dma_wait3A_195] : memref<2x128x128xf32, #tpu.memory_space<vmem>> -> memref<1x128x128xf32, #tpu.memory_space<vmem>>
      %dma_wait3A_197 = tpu.memref_squeeze %dma_wait3A_196 : memref<1x128x128xf32, #tpu.memory_space<vmem>> -> memref<128x128xf32, #tpu.memory_space<vmem>>
      %dma_wait3A_198 = arith.constant 0 : i32
      %dma_wait3A_199 = tpu.memref_slice %arg7[%add3A_193, %dma_wait3A_198] : memref<40x128xi32, #tpu.memory_space<vmem>> -> memref<1x128xi32, #tpu.memory_space<vmem>>
      %dma_wait3A_200 = tpu.memref_squeeze %dma_wait3A_199 : memref<1x128xi32, #tpu.memory_space<vmem>> -> memref<128xi32, #tpu.memory_space<vmem>>
      %dma_wait3A_201 = arith.constant 0 : i32
      %dma_wait3A_202 = arith.constant 0 : i32
      %dma_wait3A_203 = tpu.memref_slice %arg2[%add3A_1, %dma_wait3A_201, %dma_wait3A_202] : memref<4x10240x128xf32, #tpu.memory_space<hbm>> -> memref<1x10240x128xf32, #tpu.memory_space<hbm>>
      %dma_wait3A_204 = tpu.memref_squeeze %dma_wait3A_203 : memref<1x10240x128xf32, #tpu.memory_space<hbm>> -> memref<10240x128xf32, #tpu.memory_space<hbm>>
      %dma_wait3A_205 = arith.constant 0 : i32
      %dma_wait3A_206 = arith.constant 0 : i32
      %dma_wait3A_207 = tpu.memref_slice %dma_wait3A_204[%dma_wait3A_205, %dma_wait3A_206] : memref<10240x128xf32, #tpu.memory_space<hbm>> -> memref<10240x128xf32, #tpu.memory_space<hbm>>
      tpu.wait_indirect_dma semaphore(%arg11 : memref<!tpu.dma_semaphore, #tpu.memory_space<semaphore_mem>>) src(%dma_wait3A_207 : memref<10240x128xf32, #tpu.memory_space<hbm>>) dst(%dma_wait3A_197 : memref<128x128xf32, #tpu.memory_space<vmem>>)
      %dma_start3A_208 = arith.constant 0 : i32
      %dma_start3A_209 = arith.constant 0 : i32
      %dma_start3A_210 = arith.constant 0 : i32
      %dma_start3A_211 = tpu.memref_slice %arg9[%dma_start3A_208, %dma_start3A_209, %dma_start3A_210] : memref<2x128x128xf32, #tpu.memory_space<vmem>> -> memref<1x128x128xf32, #tpu.memory_space<vmem>>
      %dma_start3A_212 = tpu.memref_squeeze %dma_start3A_211 : memref<1x128x128xf32, #tpu.memory_space<vmem>> -> memref<128x128xf32, #tpu.memory_space<vmem>>
      %dma_start3A_213 = arith.constant 0 : i32
      %dma_start3A_214 = tpu.memref_slice %arg8[%add3A_193, %dma_start3A_213] : memref<40x128xi32, #tpu.memory_space<vmem>> -> memref<1x128xi32, #tpu.memory_space<vmem>>
      %dma_start3A_215 = tpu.memref_squeeze %dma_start3A_214 : memref<1x128xi32, #tpu.memory_space<vmem>> -> memref<128xi32, #tpu.memory_space<vmem>>
      %dma_start3A_216 = arith.constant 0 : i32
      %dma_start3A_217 = arith.constant 0 : i32
      %dma_start3A_218 = tpu.memref_slice %arg10[%dma_start3A_216, %dma_start3A_217] : memref<10240x128xf32, #tpu.memory_space<vmem_shared>> -> memref<10240x128xf32, #tpu.memory_space<vmem_shared>>
      tpu.enqueue_indirect_dma source(%dma_start3A_212 : memref<128x128xf32, #tpu.memory_space<vmem>>) target(%dma_start3A_218 : memref<10240x128xf32, #tpu.memory_space<vmem_shared>>) offsets(%dma_start3A_215 : memref<128xi32, #tpu.memory_space<vmem>>) semaphore(%arg13 : memref<!tpu.dma_semaphore, #tpu.memory_space<semaphore_mem>>) {add = true}
      %mul3A_219 = arith.constant 2 : i32
      %mul3A_220 = arith.muli %add3A_189, %mul3A_219 : i32
      %add3A_221 = arith.constant 1 : i32
      %add3A_222 = arith.addi %mul3A_220, %add3A_221 : i32
      %dma_wait3A_223 = arith.constant 1 : i32
      %dma_wait3A_224 = arith.constant 0 : i32
      %dma_wait3A_225 = arith.constant 0 : i32
      %dma_wait3A_226 = tpu.memref_slice %arg9[%dma_wait3A_223, %dma_wait3A_224, %dma_wait3A_225] : memref<2x128x128xf32, #tpu.memory_space<vmem>> -> memref<1x128x128xf32, #tpu.memory_space<vmem>>
      %dma_wait3A_227 = tpu.memref_squeeze %dma_wait3A_226 : memref<1x128x128xf32, #tpu.memory_space<vmem>> -> memref<128x128xf32, #tpu.memory_space<vmem>>
      %dma_wait3A_228 = arith.constant 0 : i32
      %dma_wait3A_229 = tpu.memref_slice %arg7[%add3A_222, %dma_wait3A_228] : memref<40x128xi32, #tpu.memory_space<vmem>> -> memref<1x128xi32, #tpu.memory_space<vmem>>
      %dma_wait3A_230 = tpu.memref_squeeze %dma_wait3A_229 : memref<1x128xi32, #tpu.memory_space<vmem>> -> memref<128xi32, #tpu.memory_space<vmem>>
      %dma_wait3A_231 = arith.constant 0 : i32
      %dma_wait3A_232 = arith.constant 0 : i32
      %dma_wait3A_233 = tpu.memref_slice %arg2[%add3A_1, %dma_wait3A_231, %dma_wait3A_232] : memref<4x10240x128xf32, #tpu.memory_space<hbm>> -> memref<1x10240x128xf32, #tpu.memory_space<hbm>>
      %dma_wait3A_234 = tpu.memref_squeeze %dma_wait3A_233 : memref<1x10240x128xf32, #tpu.memory_space<hbm>> -> memref<10240x128xf32, #tpu.memory_space<hbm>>
      %dma_wait3A_235 = arith.constant 0 : i32
      %dma_wait3A_236 = arith.constant 0 : i32
      %dma_wait3A_237 = tpu.memref_slice %dma_wait3A_234[%dma_wait3A_235, %dma_wait3A_236] : memref<10240x128xf32, #tpu.memory_space<hbm>> -> memref<10240x128xf32, #tpu.memory_space<hbm>>
      tpu.wait_indirect_dma semaphore(%arg12 : memref<!tpu.dma_semaphore, #tpu.memory_space<semaphore_mem>>) src(%dma_wait3A_237 : memref<10240x128xf32, #tpu.memory_space<hbm>>) dst(%dma_wait3A_227 : memref<128x128xf32, #tpu.memory_space<vmem>>)
      %dma_start3A_238 = arith.constant 1 : i32
      %dma_start3A_239 = arith.constant 0 : i32
      %dma_start3A_240 = arith.constant 0 : i32
      %dma_start3A_241 = tpu.memref_slice %arg9[%dma_start3A_238, %dma_start3A_239, %dma_start3A_240] : memref<2x128x128xf32, #tpu.memory_space<vmem>> -> memref<1x128x128xf32, #tpu.memory_space<vmem>>
      %dma_start3A_242 = tpu.memref_squeeze %dma_start3A_241 : memref<1x128x128xf32, #tpu.memory_space<vmem>> -> memref<128x128xf32, #tpu.memory_space<vmem>>
      %dma_start3A_243 = arith.constant 0 : i32
      %dma_start3A_244 = tpu.memref_slice %arg8[%add3A_222, %dma_start3A_243] : memref<40x128xi32, #tpu.memory_space<vmem>> -> memref<1x128xi32, #tpu.memory_space<vmem>>
      %dma_start3A_245 = tpu.memref_squeeze %dma_start3A_244 : memref<1x128xi32, #tpu.memory_space<vmem>> -> memref<128xi32, #tpu.memory_space<vmem>>
      %dma_start3A_246 = arith.constant 0 : i32
      %dma_start3A_247 = arith.constant 0 : i32
      %dma_start3A_248 = tpu.memref_slice %arg10[%dma_start3A_246, %dma_start3A_247] : memref<10240x128xf32, #tpu.memory_space<vmem_shared>> -> memref<10240x128xf32, #tpu.memory_space<vmem_shared>>
      tpu.enqueue_indirect_dma source(%dma_start3A_242 : memref<128x128xf32, #tpu.memory_space<vmem>>) target(%dma_start3A_248 : memref<10240x128xf32, #tpu.memory_space<vmem_shared>>) offsets(%dma_start3A_245 : memref<128xi32, #tpu.memory_space<vmem>>) semaphore(%arg14 : memref<!tpu.dma_semaphore, #tpu.memory_space<semaphore_mem>>) {add = true}
      %mul3A_249 = arith.constant 2 : i32
      %mul3A_250 = arith.muli %add3A_189, %mul3A_249 : i32
      %add3A_251 = arith.constant 0 : i32
      %add3A_252 = arith.addi %mul3A_250, %add3A_251 : i32
      %dma_wait3A_253 = arith.constant 0 : i32
      %dma_wait3A_254 = arith.constant 0 : i32
      %dma_wait3A_255 = arith.constant 0 : i32
      %dma_wait3A_256 = tpu.memref_slice %arg9[%dma_wait3A_253, %dma_wait3A_254, %dma_wait3A_255] : memref<2x128x128xf32, #tpu.memory_space<vmem>> -> memref<1x128x128xf32, #tpu.memory_space<vmem>>
      %dma_wait3A_257 = tpu.memref_squeeze %dma_wait3A_256 : memref<1x128x128xf32, #tpu.memory_space<vmem>> -> memref<128x128xf32, #tpu.memory_space<vmem>>
      %dma_wait3A_258 = arith.constant 0 : i32
      %dma_wait3A_259 = tpu.memref_slice %arg8[%add3A_252, %dma_wait3A_258] : memref<40x128xi32, #tpu.memory_space<vmem>> -> memref<1x128xi32, #tpu.memory_space<vmem>>
      %dma_wait3A_260 = tpu.memref_squeeze %dma_wait3A_259 : memref<1x128xi32, #tpu.memory_space<vmem>> -> memref<128xi32, #tpu.memory_space<vmem>>
      %dma_wait3A_261 = arith.constant 0 : i32
      %dma_wait3A_262 = arith.constant 0 : i32
      %dma_wait3A_263 = tpu.memref_slice %arg10[%dma_wait3A_261, %dma_wait3A_262] : memref<10240x128xf32, #tpu.memory_space<vmem_shared>> -> memref<10240x128xf32, #tpu.memory_space<vmem_shared>>
      tpu.wait_indirect_dma semaphore(%arg13 : memref<!tpu.dma_semaphore, #tpu.memory_space<semaphore_mem>>) src(%dma_wait3A_257 : memref<128x128xf32, #tpu.memory_space<vmem>>) dst(%dma_wait3A_263 : memref<10240x128xf32, #tpu.memory_space<vmem_shared>>)
      %add3A_264 = arith.constant 2 : i32
      %add3A_265 = arith.addi %add3A_252, %add3A_264 : i32
      %lt3A = arith.constant 40 : i32
      %lt3A_266 = arith.cmpi slt, %add3A_265, %lt3A : i32
      %convert_element_type3A = arith.extui %lt3A_266 : i1 to i32
      %cond3A = arith.constant 0 : i32
      %cond3A_267 = arith.cmpi ne, %convert_element_type3A, %cond3A : i32
      scf.if %cond3A_267 {
        %dma_start3A_290 = arith.constant 0 : i32
        %dma_start3A_291 = arith.constant 0 : i32
        %dma_start3A_292 = arith.constant 0 : i32
        %dma_start3A_293 = tpu.memref_slice %arg9[%dma_start3A_290, %dma_start3A_291, %dma_start3A_292] : memref<2x128x128xf32, #tpu.memory_space<vmem>> -> memref<1x128x128xf32, #tpu.memory_space<vmem>>
        %dma_start3A_294 = tpu.memref_squeeze %dma_start3A_293 : memref<1x128x128xf32, #tpu.memory_space<vmem>> -> memref<128x128xf32, #tpu.memory_space<vmem>>
        %dma_start3A_295 = arith.constant 0 : i32
        %dma_start3A_296 = tpu.memref_slice %arg7[%add3A_265, %dma_start3A_295] : memref<40x128xi32, #tpu.memory_space<vmem>> -> memref<1x128xi32, #tpu.memory_space<vmem>>
        %dma_start3A_297 = tpu.memref_squeeze %dma_start3A_296 : memref<1x128xi32, #tpu.memory_space<vmem>> -> memref<128xi32, #tpu.memory_space<vmem>>
        %dma_start3A_298 = arith.constant 0 : i32
        %dma_start3A_299 = arith.constant 0 : i32
        %dma_start3A_300 = tpu.memref_slice %arg2[%add3A_1, %dma_start3A_298, %dma_start3A_299] : memref<4x10240x128xf32, #tpu.memory_space<hbm>> -> memref<1x10240x128xf32, #tpu.memory_space<hbm>>
        %dma_start3A_301 = tpu.memref_squeeze %dma_start3A_300 : memref<1x10240x128xf32, #tpu.memory_space<hbm>> -> memref<10240x128xf32, #tpu.memory_space<hbm>>
        %dma_start3A_302 = arith.constant 0 : i32
        %dma_start3A_303 = arith.constant 0 : i32
        %dma_start3A_304 = tpu.memref_slice %dma_start3A_301[%dma_start3A_302, %dma_start3A_303] : memref<10240x128xf32, #tpu.memory_space<hbm>> -> memref<10240x128xf32, #tpu.memory_space<hbm>>
        tpu.enqueue_indirect_dma source(%dma_start3A_304 : memref<10240x128xf32, #tpu.memory_space<hbm>>) target(%dma_start3A_294 : memref<128x128xf32, #tpu.memory_space<vmem>>) offsets(%dma_start3A_297 : memref<128xi32, #tpu.memory_space<vmem>>) semaphore(%arg11 : memref<!tpu.dma_semaphore, #tpu.memory_space<semaphore_mem>>)
      } else {
      }
      %mul3A_268 = arith.constant 2 : i32
      %mul3A_269 = arith.muli %add3A_189, %mul3A_268 : i32
      %add3A_270 = arith.constant 1 : i32
      %add3A_271 = arith.addi %mul3A_269, %add3A_270 : i32
      %dma_wait3A_272 = arith.constant 1 : i32
      %dma_wait3A_273 = arith.constant 0 : i32
      %dma_wait3A_274 = arith.constant 0 : i32
      %dma_wait3A_275 = tpu.memref_slice %arg9[%dma_wait3A_272, %dma_wait3A_273, %dma_wait3A_274] : memref<2x128x128xf32, #tpu.memory_space<vmem>> -> memref<1x128x128xf32, #tpu.memory_space<vmem>>
      %dma_wait3A_276 = tpu.memref_squeeze %dma_wait3A_275 : memref<1x128x128xf32, #tpu.memory_space<vmem>> -> memref<128x128xf32, #tpu.memory_space<vmem>>
      %dma_wait3A_277 = arith.constant 0 : i32
      %dma_wait3A_278 = tpu.memref_slice %arg8[%add3A_271, %dma_wait3A_277] : memref<40x128xi32, #tpu.memory_space<vmem>> -> memref<1x128xi32, #tpu.memory_space<vmem>>
      %dma_wait3A_279 = tpu.memref_squeeze %dma_wait3A_278 : memref<1x128xi32, #tpu.memory_space<vmem>> -> memref<128xi32, #tpu.memory_space<vmem>>
      %dma_wait3A_280 = arith.constant 0 : i32
      %dma_wait3A_281 = arith.constant 0 : i32
      %dma_wait3A_282 = tpu.memref_slice %arg10[%dma_wait3A_280, %dma_wait3A_281] : memref<10240x128xf32, #tpu.memory_space<vmem_shared>> -> memref<10240x128xf32, #tpu.memory_space<vmem_shared>>
      tpu.wait_indirect_dma semaphore(%arg14 : memref<!tpu.dma_semaphore, #tpu.memory_space<semaphore_mem>>) src(%dma_wait3A_276 : memref<128x128xf32, #tpu.memory_space<vmem>>) dst(%dma_wait3A_282 : memref<10240x128xf32, #tpu.memory_space<vmem_shared>>)
      %add3A_283 = arith.constant 2 : i32
      %add3A_284 = arith.addi %add3A_271, %add3A_283 : i32
      %lt3A_285 = arith.constant 40 : i32
      %lt3A_286 = arith.cmpi slt, %add3A_284, %lt3A_285 : i32
      %convert_element_type3A_287 = arith.extui %lt3A_286 : i1 to i32
      %cond3A_288 = arith.constant 0 : i32
      %cond3A_289 = arith.cmpi ne, %convert_element_type3A_287, %cond3A_288 : i32
      scf.if %cond3A_289 {
        %dma_start3A_290 = arith.constant 1 : i32
        %dma_start3A_291 = arith.constant 0 : i32
        %dma_start3A_292 = arith.constant 0 : i32
        %dma_start3A_293 = tpu.memref_slice %arg9[%dma_start3A_290, %dma_start3A_291, %dma_start3A_292] : memref<2x128x128xf32, #tpu.memory_space<vmem>> -> memref<1x128x128xf32, #tpu.memory_space<vmem>>
        %dma_start3A_294 = tpu.memref_squeeze %dma_start3A_293 : memref<1x128x128xf32, #tpu.memory_space<vmem>> -> memref<128x128xf32, #tpu.memory_space<vmem>>
        %dma_start3A_295 = arith.constant 0 : i32
        %dma_start3A_296 = tpu.memref_slice %arg7[%add3A_284, %dma_start3A_295] : memref<40x128xi32, #tpu.memory_space<vmem>> -> memref<1x128xi32, #tpu.memory_space<vmem>>
        %dma_start3A_297 = tpu.memref_squeeze %dma_start3A_296 : memref<1x128xi32, #tpu.memory_space<vmem>> -> memref<128xi32, #tpu.memory_space<vmem>>
        %dma_start3A_298 = arith.constant 0 : i32
        %dma_start3A_299 = arith.constant 0 : i32
        %dma_start3A_300 = tpu.memref_slice %arg2[%add3A_1, %dma_start3A_298, %dma_start3A_299] : memref<4x10240x128xf32, #tpu.memory_space<hbm>> -> memref<1x10240x128xf32, #tpu.memory_space<hbm>>
        %dma_start3A_301 = tpu.memref_squeeze %dma_start3A_300 : memref<1x10240x128xf32, #tpu.memory_space<hbm>> -> memref<10240x128xf32, #tpu.memory_space<hbm>>
        %dma_start3A_302 = arith.constant 0 : i32
        %dma_start3A_303 = arith.constant 0 : i32
        %dma_start3A_304 = tpu.memref_slice %dma_start3A_301[%dma_start3A_302, %dma_start3A_303] : memref<10240x128xf32, #tpu.memory_space<hbm>> -> memref<10240x128xf32, #tpu.memory_space<hbm>>
        tpu.enqueue_indirect_dma source(%dma_start3A_304 : memref<10240x128xf32, #tpu.memory_space<hbm>>) target(%dma_start3A_294 : memref<128x128xf32, #tpu.memory_space<vmem>>) offsets(%dma_start3A_297 : memref<128xi32, #tpu.memory_space<vmem>>) semaphore(%arg12 : memref<!tpu.dma_semaphore, #tpu.memory_space<semaphore_mem>>)
      } else {
      }
    }
    %scan3A_42 = arith.constant 20 : i32
    %mul3A_43 = arith.constant 80 : i32
    %mul3A_44 = arith.muli %arg1, %mul3A_43 : i32
    %add3A_45 = arith.constant 40 : i32
    %add3A_46 = arith.addi %mul3A_44, %add3A_45 : i32
    "tpu.region"() ({
      %run_scoped3A = tpu.sem_alloc : memref<!tpu.dma_semaphore, #tpu.memory_space<semaphore_mem>>
      %dma_start3A_185 = arith.constant 0 : i32
      %dma_start3A_186 = tpu.memref_slice %arg3[%add3A_46, %dma_start3A_185] : memref<1280x128xi32, #tpu.memory_space<hbm>> -> memref<40x128xi32, #tpu.memory_space<hbm>>
      %dma_start3A_187 = arith.constant 0 : i32
      %dma_start3A_188 = tpu.memref_slice %arg3[%add3A_46, %dma_start3A_187] : memref<1280x128xi32, #tpu.memory_space<hbm>> -> memref<40x128xi32, #tpu.memory_space<hbm>>
      tpu.enqueue_dma source(%dma_start3A_188 : memref<40x128xi32, #tpu.memory_space<hbm>>) target(%arg7 : memref<40x128xi32, #tpu.memory_space<vmem>>) target_semaphore(%run_scoped3A : memref<!tpu.dma_semaphore, #tpu.memory_space<semaphore_mem>>)
      %dma_wait3A = arith.constant 0 : i32
      %dma_wait3A_189 = tpu.memref_slice %arg3[%add3A_46, %dma_wait3A] : memref<1280x128xi32, #tpu.memory_space<hbm>> -> memref<40x128xi32, #tpu.memory_space<hbm>>
      %dma_wait3A_190 = arith.constant 0 : i32
      %dma_wait3A_191 = tpu.memref_slice %arg3[%add3A_46, %dma_wait3A_190] : memref<1280x128xi32, #tpu.memory_space<hbm>> -> memref<40x128xi32, #tpu.memory_space<hbm>>
      tpu.wait_dma2 semaphore(%run_scoped3A : memref<!tpu.dma_semaphore, #tpu.memory_space<semaphore_mem>>) src(%dma_wait3A_191 : memref<40x128xi32, #tpu.memory_space<hbm>>) dst(%arg7 : memref<40x128xi32, #tpu.memory_space<vmem>>)
      tpu.yield
    }) : () -> ()
    "tpu.region"() ({
      %run_scoped3A = tpu.sem_alloc : memref<!tpu.dma_semaphore, #tpu.memory_space<semaphore_mem>>
      %dma_start3A_185 = arith.constant 0 : i32
      %dma_start3A_186 = tpu.memref_slice %arg4[%add3A_46, %dma_start3A_185] : memref<1280x128xi32, #tpu.memory_space<hbm>> -> memref<40x128xi32, #tpu.memory_space<hbm>>
      %dma_start3A_187 = arith.constant 0 : i32
      %dma_start3A_188 = tpu.memref_slice %arg4[%add3A_46, %dma_start3A_187] : memref<1280x128xi32, #tpu.memory_space<hbm>> -> memref<40x128xi32, #tpu.memory_space<hbm>>
      tpu.enqueue_dma source(%dma_start3A_188 : memref<40x128xi32, #tpu.memory_space<hbm>>) target(%arg8 : memref<40x128xi32, #tpu.memory_space<vmem>>) target_semaphore(%run_scoped3A : memref<!tpu.dma_semaphore, #tpu.memory_space<semaphore_mem>>)
      %dma_wait3A = arith.constant 0 : i32
      %dma_wait3A_189 = tpu.memref_slice %arg4[%add3A_46, %dma_wait3A] : memref<1280x128xi32, #tpu.memory_space<hbm>> -> memref<40x128xi32, #tpu.memory_space<hbm>>
      %dma_wait3A_190 = arith.constant 0 : i32
      %dma_wait3A_191 = tpu.memref_slice %arg4[%add3A_46, %dma_wait3A_190] : memref<1280x128xi32, #tpu.memory_space<hbm>> -> memref<40x128xi32, #tpu.memory_space<hbm>>
      tpu.wait_dma2 semaphore(%run_scoped3A : memref<!tpu.dma_semaphore, #tpu.memory_space<semaphore_mem>>) src(%dma_wait3A_191 : memref<40x128xi32, #tpu.memory_space<hbm>>) dst(%arg8 : memref<40x128xi32, #tpu.memory_space<vmem>>)
      tpu.yield
    }) : () -> ()
    %dma_start3A_47 = arith.constant 0 : i32
    %dma_start3A_48 = arith.constant 0 : i32
    %dma_start3A_49 = arith.constant 0 : i32
    %dma_start3A_50 = arith.constant 0 : i32
    %dma_start3A_51 = tpu.memref_slice %arg9[%dma_start3A_48, %dma_start3A_49, %dma_start3A_50] : memref<2x128x128xf32, #tpu.memory_space<vmem>> -> memref<1x128x128xf32, #tpu.memory_space<vmem>>
    %dma_start3A_52 = tpu.memref_squeeze %dma_start3A_51 : memref<1x128x128xf32, #tpu.memory_space<vmem>> -> memref<128x128xf32, #tpu.memory_space<vmem>>
    %dma_start3A_53 = arith.constant 0 : i32
    %dma_start3A_54 = tpu.memref_slice %arg7[%dma_start3A_47, %dma_start3A_53] : memref<40x128xi32, #tpu.memory_space<vmem>> -> memref<1x128xi32, #tpu.memory_space<vmem>>
    %dma_start3A_55 = tpu.memref_squeeze %dma_start3A_54 : memref<1x128xi32, #tpu.memory_space<vmem>> -> memref<128xi32, #tpu.memory_space<vmem>>
    %dma_start3A_56 = arith.constant 0 : i32
    %dma_start3A_57 = arith.constant 0 : i32
    %dma_start3A_58 = tpu.memref_slice %arg2[%add3A_1, %dma_start3A_56, %dma_start3A_57] : memref<4x10240x128xf32, #tpu.memory_space<hbm>> -> memref<1x10240x128xf32, #tpu.memory_space<hbm>>
    %dma_start3A_59 = tpu.memref_squeeze %dma_start3A_58 : memref<1x10240x128xf32, #tpu.memory_space<hbm>> -> memref<10240x128xf32, #tpu.memory_space<hbm>>
    %dma_start3A_60 = arith.constant 0 : i32
    %dma_start3A_61 = arith.constant 0 : i32
    %dma_start3A_62 = tpu.memref_slice %dma_start3A_59[%dma_start3A_60, %dma_start3A_61] : memref<10240x128xf32, #tpu.memory_space<hbm>> -> memref<10240x128xf32, #tpu.memory_space<hbm>>
    tpu.enqueue_indirect_dma source(%dma_start3A_62 : memref<10240x128xf32, #tpu.memory_space<hbm>>) target(%dma_start3A_52 : memref<128x128xf32, #tpu.memory_space<vmem>>) offsets(%dma_start3A_55 : memref<128xi32, #tpu.memory_space<vmem>>) semaphore(%arg11 : memref<!tpu.dma_semaphore, #tpu.memory_space<semaphore_mem>>)
    %dma_start3A_63 = arith.constant 1 : i32
    %dma_start3A_64 = arith.constant 1 : i32
    %dma_start3A_65 = arith.constant 0 : i32
    %dma_start3A_66 = arith.constant 0 : i32
    %dma_start3A_67 = tpu.memref_slice %arg9[%dma_start3A_64, %dma_start3A_65, %dma_start3A_66] : memref<2x128x128xf32, #tpu.memory_space<vmem>> -> memref<1x128x128xf32, #tpu.memory_space<vmem>>
    %dma_start3A_68 = tpu.memref_squeeze %dma_start3A_67 : memref<1x128x128xf32, #tpu.memory_space<vmem>> -> memref<128x128xf32, #tpu.memory_space<vmem>>
    %dma_start3A_69 = arith.constant 0 : i32
    %dma_start3A_70 = tpu.memref_slice %arg7[%dma_start3A_63, %dma_start3A_69] : memref<40x128xi32, #tpu.memory_space<vmem>> -> memref<1x128xi32, #tpu.memory_space<vmem>>
    %dma_start3A_71 = tpu.memref_squeeze %dma_start3A_70 : memref<1x128xi32, #tpu.memory_space<vmem>> -> memref<128xi32, #tpu.memory_space<vmem>>
    %dma_start3A_72 = arith.constant 0 : i32
    %dma_start3A_73 = arith.constant 0 : i32
    %dma_start3A_74 = tpu.memref_slice %arg2[%add3A_1, %dma_start3A_72, %dma_start3A_73] : memref<4x10240x128xf32, #tpu.memory_space<hbm>> -> memref<1x10240x128xf32, #tpu.memory_space<hbm>>
    %dma_start3A_75 = tpu.memref_squeeze %dma_start3A_74 : memref<1x10240x128xf32, #tpu.memory_space<hbm>> -> memref<10240x128xf32, #tpu.memory_space<hbm>>
    %dma_start3A_76 = arith.constant 0 : i32
    %dma_start3A_77 = arith.constant 0 : i32
    %dma_start3A_78 = tpu.memref_slice %dma_start3A_75[%dma_start3A_76, %dma_start3A_77] : memref<10240x128xf32, #tpu.memory_space<hbm>> -> memref<10240x128xf32, #tpu.memory_space<hbm>>
    tpu.enqueue_indirect_dma source(%dma_start3A_78 : memref<10240x128xf32, #tpu.memory_space<hbm>>) target(%dma_start3A_68 : memref<128x128xf32, #tpu.memory_space<vmem>>) offsets(%dma_start3A_71 : memref<128xi32, #tpu.memory_space<vmem>>) semaphore(%arg12 : memref<!tpu.dma_semaphore, #tpu.memory_space<semaphore_mem>>)
    %scan3A_79 = arith.constant 0 : i32
    %scan3A_80 = arith.constant 20 : i32
    %scan3A_81 = arith.addi %scan3A_79, %scan3A_80 : i32
    %scan3A_82 = arith.constant 1 : i32
    scf.for %scan3A_185 = %scan3A_79 to %scan3A_81 step %scan3A_82  : i32 {
      %mul3A_186 = arith.constant 1 : i32
      %mul3A_187 = arith.muli %scan3A_185, %mul3A_186 : i32
      %add3A_188 = arith.constant 0 : i32
      %add3A_189 = arith.addi %add3A_188, %mul3A_187 : i32
      %mul3A_190 = arith.constant 2 : i32
      %mul3A_191 = arith.muli %add3A_189, %mul3A_190 : i32
      %add3A_192 = arith.constant 0 : i32
      %add3A_193 = arith.addi %mul3A_191, %add3A_192 : i32
      %dma_wait3A = arith.constant 0 : i32
      %dma_wait3A_194 = arith.constant 0 : i32
      %dma_wait3A_195 = arith.constant 0 : i32
      %dma_wait3A_196 = tpu.memref_slice %arg9[%dma_wait3A, %dma_wait3A_194, %dma_wait3A_195] : memref<2x128x128xf32, #tpu.memory_space<vmem>> -> memref<1x128x128xf32, #tpu.memory_space<vmem>>
      %dma_wait3A_197 = tpu.memref_squeeze %dma_wait3A_196 : memref<1x128x128xf32, #tpu.memory_space<vmem>> -> memref<128x128xf32, #tpu.memory_space<vmem>>
      %dma_wait3A_198 = arith.constant 0 : i32
      %dma_wait3A_199 = tpu.memref_slice %arg7[%add3A_193, %dma_wait3A_198] : memref<40x128xi32, #tpu.memory_space<vmem>> -> memref<1x128xi32, #tpu.memory_space<vmem>>
      %dma_wait3A_200 = tpu.memref_squeeze %dma_wait3A_199 : memref<1x128xi32, #tpu.memory_space<vmem>> -> memref<128xi32, #tpu.memory_space<vmem>>
      %dma_wait3A_201 = arith.constant 0 : i32
      %dma_wait3A_202 = arith.constant 0 : i32
      %dma_wait3A_203 = tpu.memref_slice %arg2[%add3A_1, %dma_wait3A_201, %dma_wait3A_202] : memref<4x10240x128xf32, #tpu.memory_space<hbm>> -> memref<1x10240x128xf32, #tpu.memory_space<hbm>>
      %dma_wait3A_204 = tpu.memref_squeeze %dma_wait3A_203 : memref<1x10240x128xf32, #tpu.memory_space<hbm>> -> memref<10240x128xf32, #tpu.memory_space<hbm>>
      %dma_wait3A_205 = arith.constant 0 : i32
      %dma_wait3A_206 = arith.constant 0 : i32
      %dma_wait3A_207 = tpu.memref_slice %dma_wait3A_204[%dma_wait3A_205, %dma_wait3A_206] : memref<10240x128xf32, #tpu.memory_space<hbm>> -> memref<10240x128xf32, #tpu.memory_space<hbm>>
      tpu.wait_indirect_dma semaphore(%arg11 : memref<!tpu.dma_semaphore, #tpu.memory_space<semaphore_mem>>) src(%dma_wait3A_207 : memref<10240x128xf32, #tpu.memory_space<hbm>>) dst(%dma_wait3A_197 : memref<128x128xf32, #tpu.memory_space<vmem>>)
      %dma_start3A_208 = arith.constant 0 : i32
      %dma_start3A_209 = arith.constant 0 : i32
      %dma_start3A_210 = arith.constant 0 : i32
      %dma_start3A_211 = tpu.memref_slice %arg9[%dma_start3A_208, %dma_start3A_209, %dma_start3A_210] : memref<2x128x128xf32, #tpu.memory_space<vmem>> -> memref<1x128x128xf32, #tpu.memory_space<vmem>>
      %dma_start3A_212 = tpu.memref_squeeze %dma_start3A_211 : memref<1x128x128xf32, #tpu.memory_space<vmem>> -> memref<128x128xf32, #tpu.memory_space<vmem>>
      %dma_start3A_213 = arith.constant 0 : i32
      %dma_start3A_214 = tpu.memref_slice %arg8[%add3A_193, %dma_start3A_213] : memref<40x128xi32, #tpu.memory_space<vmem>> -> memref<1x128xi32, #tpu.memory_space<vmem>>
      %dma_start3A_215 = tpu.memref_squeeze %dma_start3A_214 : memref<1x128xi32, #tpu.memory_space<vmem>> -> memref<128xi32, #tpu.memory_space<vmem>>
      %dma_start3A_216 = arith.constant 0 : i32
      %dma_start3A_217 = arith.constant 0 : i32
      %dma_start3A_218 = tpu.memref_slice %arg10[%dma_start3A_216, %dma_start3A_217] : memref<10240x128xf32, #tpu.memory_space<vmem_shared>> -> memref<10240x128xf32, #tpu.memory_space<vmem_shared>>
      tpu.enqueue_indirect_dma source(%dma_start3A_212 : memref<128x128xf32, #tpu.memory_space<vmem>>) target(%dma_start3A_218 : memref<10240x128xf32, #tpu.memory_space<vmem_shared>>) offsets(%dma_start3A_215 : memref<128xi32, #tpu.memory_space<vmem>>) semaphore(%arg13 : memref<!tpu.dma_semaphore, #tpu.memory_space<semaphore_mem>>) {add = true}
      %mul3A_219 = arith.constant 2 : i32
      %mul3A_220 = arith.muli %add3A_189, %mul3A_219 : i32
      %add3A_221 = arith.constant 1 : i32
      %add3A_222 = arith.addi %mul3A_220, %add3A_221 : i32
      %dma_wait3A_223 = arith.constant 1 : i32
      %dma_wait3A_224 = arith.constant 0 : i32
      %dma_wait3A_225 = arith.constant 0 : i32
      %dma_wait3A_226 = tpu.memref_slice %arg9[%dma_wait3A_223, %dma_wait3A_224, %dma_wait3A_225] : memref<2x128x128xf32, #tpu.memory_space<vmem>> -> memref<1x128x128xf32, #tpu.memory_space<vmem>>
      %dma_wait3A_227 = tpu.memref_squeeze %dma_wait3A_226 : memref<1x128x128xf32, #tpu.memory_space<vmem>> -> memref<128x128xf32, #tpu.memory_space<vmem>>
      %dma_wait3A_228 = arith.constant 0 : i32
      %dma_wait3A_229 = tpu.memref_slice %arg7[%add3A_222, %dma_wait3A_228] : memref<40x128xi32, #tpu.memory_space<vmem>> -> memref<1x128xi32, #tpu.memory_space<vmem>>
      %dma_wait3A_230 = tpu.memref_squeeze %dma_wait3A_229 : memref<1x128xi32, #tpu.memory_space<vmem>> -> memref<128xi32, #tpu.memory_space<vmem>>
      %dma_wait3A_231 = arith.constant 0 : i32
      %dma_wait3A_232 = arith.constant 0 : i32
      %dma_wait3A_233 = tpu.memref_slice %arg2[%add3A_1, %dma_wait3A_231, %dma_wait3A_232] : memref<4x10240x128xf32, #tpu.memory_space<hbm>> -> memref<1x10240x128xf32, #tpu.memory_space<hbm>>
      %dma_wait3A_234 = tpu.memref_squeeze %dma_wait3A_233 : memref<1x10240x128xf32, #tpu.memory_space<hbm>> -> memref<10240x128xf32, #tpu.memory_space<hbm>>
      %dma_wait3A_235 = arith.constant 0 : i32
      %dma_wait3A_236 = arith.constant 0 : i32
      %dma_wait3A_237 = tpu.memref_slice %dma_wait3A_234[%dma_wait3A_235, %dma_wait3A_236] : memref<10240x128xf32, #tpu.memory_space<hbm>> -> memref<10240x128xf32, #tpu.memory_space<hbm>>
      tpu.wait_indirect_dma semaphore(%arg12 : memref<!tpu.dma_semaphore, #tpu.memory_space<semaphore_mem>>) src(%dma_wait3A_237 : memref<10240x128xf32, #tpu.memory_space<hbm>>) dst(%dma_wait3A_227 : memref<128x128xf32, #tpu.memory_space<vmem>>)
      %dma_start3A_238 = arith.constant 1 : i32
      %dma_start3A_239 = arith.constant 0 : i32
      %dma_start3A_240 = arith.constant 0 : i32
      %dma_start3A_241 = tpu.memref_slice %arg9[%dma_start3A_238, %dma_start3A_239, %dma_start3A_240] : memref<2x128x128xf32, #tpu.memory_space<vmem>> -> memref<1x128x128xf32, #tpu.memory_space<vmem>>
      %dma_start3A_242 = tpu.memref_squeeze %dma_start3A_241 : memref<1x128x128xf32, #tpu.memory_space<vmem>> -> memref<128x128xf32, #tpu.memory_space<vmem>>
      %dma_start3A_243 = arith.constant 0 : i32
      %dma_start3A_244 = tpu.memref_slice %arg8[%add3A_222, %dma_start3A_243] : memref<40x128xi32, #tpu.memory_space<vmem>> -> memref<1x128xi32, #tpu.memory_space<vmem>>
      %dma_start3A_245 = tpu.memref_squeeze %dma_start3A_244 : memref<1x128xi32, #tpu.memory_space<vmem>> -> memref<128xi32, #tpu.memory_space<vmem>>
      %dma_start3A_246 = arith.constant 0 : i32
      %dma_start3A_247 = arith.constant 0 : i32
      %dma_start3A_248 = tpu.memref_slice %arg10[%dma_start3A_246, %dma_start3A_247] : memref<10240x128xf32, #tpu.memory_space<vmem_shared>> -> memref<10240x128xf32, #tpu.memory_space<vmem_shared>>
      tpu.enqueue_indirect_dma source(%dma_start3A_242 : memref<128x128xf32, #tpu.memory_space<vmem>>) target(%dma_start3A_248 : memref<10240x128xf32, #tpu.memory_space<vmem_shared>>) offsets(%dma_start3A_245 : memref<128xi32, #tpu.memory_space<vmem>>) semaphore(%arg14 : memref<!tpu.dma_semaphore, #tpu.memory_space<semaphore_mem>>) {add = true}
      %mul3A_249 = arith.constant 2 : i32
      %mul3A_250 = arith.muli %add3A_189, %mul3A_249 : i32
      %add3A_251 = arith.constant 0 : i32
      %add3A_252 = arith.addi %mul3A_250, %add3A_251 : i32
      %dma_wait3A_253 = arith.constant 0 : i32
      %dma_wait3A_254 = arith.constant 0 : i32
      %dma_wait3A_255 = arith.constant 0 : i32
      %dma_wait3A_256 = tpu.memref_slice %arg9[%dma_wait3A_253, %dma_wait3A_254, %dma_wait3A_255] : memref<2x128x128xf32, #tpu.memory_space<vmem>> -> memref<1x128x128xf32, #tpu.memory_space<vmem>>
      %dma_wait3A_257 = tpu.memref_squeeze %dma_wait3A_256 : memref<1x128x128xf32, #tpu.memory_space<vmem>> -> memref<128x128xf32, #tpu.memory_space<vmem>>
      %dma_wait3A_258 = arith.constant 0 : i32
      %dma_wait3A_259 = tpu.memref_slice %arg8[%add3A_252, %dma_wait3A_258] : memref<40x128xi32, #tpu.memory_space<vmem>> -> memref<1x128xi32, #tpu.memory_space<vmem>>
      %dma_wait3A_260 = tpu.memref_squeeze %dma_wait3A_259 : memref<1x128xi32, #tpu.memory_space<vmem>> -> memref<128xi32, #tpu.memory_space<vmem>>
      %dma_wait3A_261 = arith.constant 0 : i32
      %dma_wait3A_262 = arith.constant 0 : i32
      %dma_wait3A_263 = tpu.memref_slice %arg10[%dma_wait3A_261, %dma_wait3A_262] : memref<10240x128xf32, #tpu.memory_space<vmem_shared>> -> memref<10240x128xf32, #tpu.memory_space<vmem_shared>>
      tpu.wait_indirect_dma semaphore(%arg13 : memref<!tpu.dma_semaphore, #tpu.memory_space<semaphore_mem>>) src(%dma_wait3A_257 : memref<128x128xf32, #tpu.memory_space<vmem>>) dst(%dma_wait3A_263 : memref<10240x128xf32, #tpu.memory_space<vmem_shared>>)
      %add3A_264 = arith.constant 2 : i32
      %add3A_265 = arith.addi %add3A_252, %add3A_264 : i32
      %lt3A = arith.constant 40 : i32
      %lt3A_266 = arith.cmpi slt, %add3A_265, %lt3A : i32
      %convert_element_type3A = arith.extui %lt3A_266 : i1 to i32
      %cond3A = arith.constant 0 : i32
      %cond3A_267 = arith.cmpi ne, %convert_element_type3A, %cond3A : i32
      scf.if %cond3A_267 {
        %dma_start3A_290 = arith.constant 0 : i32
        %dma_start3A_291 = arith.constant 0 : i32
        %dma_start3A_292 = arith.constant 0 : i32
        %dma_start3A_293 = tpu.memref_slice %arg9[%dma_start3A_290, %dma_start3A_291, %dma_start3A_292] : memref<2x128x128xf32, #tpu.memory_space<vmem>> -> memref<1x128x128xf32, #tpu.memory_space<vmem>>
        %dma_start3A_294 = tpu.memref_squeeze %dma_start3A_293 : memref<1x128x128xf32, #tpu.memory_space<vmem>> -> memref<128x128xf32, #tpu.memory_space<vmem>>
        %dma_start3A_295 = arith.constant 0 : i32
        %dma_start3A_296 = tpu.memref_slice %arg7[%add3A_265, %dma_start3A_295] : memref<40x128xi32, #tpu.memory_space<vmem>> -> memref<1x128xi32, #tpu.memory_space<vmem>>
        %dma_start3A_297 = tpu.memref_squeeze %dma_start3A_296 : memref<1x128xi32, #tpu.memory_space<vmem>> -> memref<128xi32, #tpu.memory_space<vmem>>
        %dma_start3A_298 = arith.constant 0 : i32
        %dma_start3A_299 = arith.constant 0 : i32
        %dma_start3A_300 = tpu.memref_slice %arg2[%add3A_1, %dma_start3A_298, %dma_start3A_299] : memref<4x10240x128xf32, #tpu.memory_space<hbm>> -> memref<1x10240x128xf32, #tpu.memory_space<hbm>>
        %dma_start3A_301 = tpu.memref_squeeze %dma_start3A_300 : memref<1x10240x128xf32, #tpu.memory_space<hbm>> -> memref<10240x128xf32, #tpu.memory_space<hbm>>
        %dma_start3A_302 = arith.constant 0 : i32
        %dma_start3A_303 = arith.constant 0 : i32
        %dma_start3A_304 = tpu.memref_slice %dma_start3A_301[%dma_start3A_302, %dma_start3A_303] : memref<10240x128xf32, #tpu.memory_space<hbm>> -> memref<10240x128xf32, #tpu.memory_space<hbm>>
        tpu.enqueue_indirect_dma source(%dma_start3A_304 : memref<10240x128xf32, #tpu.memory_space<hbm>>) target(%dma_start3A_294 : memref<128x128xf32, #tpu.memory_space<vmem>>) offsets(%dma_start3A_297 : memref<128xi32, #tpu.memory_space<vmem>>) semaphore(%arg11 : memref<!tpu.dma_semaphore, #tpu.memory_space<semaphore_mem>>)
      } else {
      }
      %mul3A_268 = arith.constant 2 : i32
      %mul3A_269 = arith.muli %add3A_189, %mul3A_268 : i32
      %add3A_270 = arith.constant 1 : i32
      %add3A_271 = arith.addi %mul3A_269, %add3A_270 : i32
      %dma_wait3A_272 = arith.constant 1 : i32
      %dma_wait3A_273 = arith.constant 0 : i32
      %dma_wait3A_274 = arith.constant 0 : i32
      %dma_wait3A_275 = tpu.memref_slice %arg9[%dma_wait3A_272, %dma_wait3A_273, %dma_wait3A_274] : memref<2x128x128xf32, #tpu.memory_space<vmem>> -> memref<1x128x128xf32, #tpu.memory_space<vmem>>
      %dma_wait3A_276 = tpu.memref_squeeze %dma_wait3A_275 : memref<1x128x128xf32, #tpu.memory_space<vmem>> -> memref<128x128xf32, #tpu.memory_space<vmem>>
      %dma_wait3A_277 = arith.constant 0 : i32
      %dma_wait3A_278 = tpu.memref_slice %arg8[%add3A_271, %dma_wait3A_277] : memref<40x128xi32, #tpu.memory_space<vmem>> -> memref<1x128xi32, #tpu.memory_space<vmem>>
      %dma_wait3A_279 = tpu.memref_squeeze %dma_wait3A_278 : memref<1x128xi32, #tpu.memory_space<vmem>> -> memref<128xi32, #tpu.memory_space<vmem>>
      %dma_wait3A_280 = arith.constant 0 : i32
      %dma_wait3A_281 = arith.constant 0 : i32
      %dma_wait3A_282 = tpu.memref_slice %arg10[%dma_wait3A_280, %dma_wait3A_281] : memref<10240x128xf32, #tpu.memory_space<vmem_shared>> -> memref<10240x128xf32, #tpu.memory_space<vmem_shared>>
      tpu.wait_indirect_dma semaphore(%arg14 : memref<!tpu.dma_semaphore, #tpu.memory_space<semaphore_mem>>) src(%dma_wait3A_276 : memref<128x128xf32, #tpu.memory_space<vmem>>) dst(%dma_wait3A_282 : memref<10240x128xf32, #tpu.memory_space<vmem_shared>>)
      %add3A_283 = arith.constant 2 : i32
      %add3A_284 = arith.addi %add3A_271, %add3A_283 : i32
      %lt3A_285 = arith.constant 40 : i32
      %lt3A_286 = arith.cmpi slt, %add3A_284, %lt3A_285 : i32
      %convert_element_type3A_287 = arith.extui %lt3A_286 : i1 to i32
      %cond3A_288 = arith.constant 0 : i32
      %cond3A_289 = arith.cmpi ne, %convert_element_type3A_287, %cond3A_288 : i32
      scf.if %cond3A_289 {
        %dma_start3A_290 = arith.constant 1 : i32
        %dma_start3A_291 = arith.constant 0 : i32
        %dma_start3A_292 = arith.constant 0 : i32
        %dma_start3A_293 = tpu.memref_slice %arg9[%dma_start3A_290, %dma_start3A_291, %dma_start3A_292] : memref<2x128x128xf32, #tpu.memory_space<vmem>> -> memref<1x128x128xf32, #tpu.memory_space<vmem>>
        %dma_start3A_294 = tpu.memref_squeeze %dma_start3A_293 : memref<1x128x128xf32, #tpu.memory_space<vmem>> -> memref<128x128xf32, #tpu.memory_space<vmem>>
        %dma_start3A_295 = arith.constant 0 : i32
        %dma_start3A_296 = tpu.memref_slice %arg7[%add3A_284, %dma_start3A_295] : memref<40x128xi32, #tpu.memory_space<vmem>> -> memref<1x128xi32, #tpu.memory_space<vmem>>
        %dma_start3A_297 = tpu.memref_squeeze %dma_start3A_296 : memref<1x128xi32, #tpu.memory_space<vmem>> -> memref<128xi32, #tpu.memory_space<vmem>>
        %dma_start3A_298 = arith.constant 0 : i32
        %dma_start3A_299 = arith.constant 0 : i32
        %dma_start3A_300 = tpu.memref_slice %arg2[%add3A_1, %dma_start3A_298, %dma_start3A_299] : memref<4x10240x128xf32, #tpu.memory_space<hbm>> -> memref<1x10240x128xf32, #tpu.memory_space<hbm>>
        %dma_start3A_301 = tpu.memref_squeeze %dma_start3A_300 : memref<1x10240x128xf32, #tpu.memory_space<hbm>> -> memref<10240x128xf32, #tpu.memory_space<hbm>>
        %dma_start3A_302 = arith.constant 0 : i32
        %dma_start3A_303 = arith.constant 0 : i32
        %dma_start3A_304 = tpu.memref_slice %dma_start3A_301[%dma_start3A_302, %dma_start3A_303] : memref<10240x128xf32, #tpu.memory_space<hbm>> -> memref<10240x128xf32, #tpu.memory_space<hbm>>
        tpu.enqueue_indirect_dma source(%dma_start3A_304 : memref<10240x128xf32, #tpu.memory_space<hbm>>) target(%dma_start3A_294 : memref<128x128xf32, #tpu.memory_space<vmem>>) offsets(%dma_start3A_297 : memref<128xi32, #tpu.memory_space<vmem>>) semaphore(%arg12 : memref<!tpu.dma_semaphore, #tpu.memory_space<semaphore_mem>>)
      } else {
      }
    }
    %scan3A_83 = arith.constant 20 : i32
    %barrier3A_84 = arith.constant 0 : index
    tpu.barrier barrier_id(%barrier3A_84)
    %mul3A_85 = arith.constant 640 : i32
    %mul3A_86 = arith.muli %arg1, %mul3A_85 : i32
    %mul3A_87 = arith.constant 640 : i32
    %mul3A_88 = arith.muli %arg1, %mul3A_87 : i32
    "tpu.region"() ({
      %run_scoped3A = tpu.sem_alloc : memref<!tpu.dma_semaphore, #tpu.memory_space<semaphore_mem>>
      %dma_start3A_185 = arith.constant 0 : i32
      %dma_start3A_186 = arith.constant 0 : i32
      %dma_start3A_187 = tpu.memref_slice %arg6[%add3A_1, %dma_start3A_185, %dma_start3A_186] : memref<4x10240x128xf32, #tpu.memory_space<hbm>> -> memref<1x10240x128xf32, #tpu.memory_space<hbm>>
      %dma_start3A_188 = tpu.memref_squeeze %dma_start3A_187 : memref<1x10240x128xf32, #tpu.memory_space<hbm>> -> memref<10240x128xf32, #tpu.memory_space<hbm>>
      %dma_start3A_189 = arith.constant 0 : i32
      %dma_start3A_190 = tpu.memref_slice %dma_start3A_188[%mul3A_88, %dma_start3A_189] : memref<10240x128xf32, #tpu.memory_space<hbm>> -> memref<640x128xf32, #tpu.memory_space<hbm>>
      %dma_start3A_191 = arith.constant 0 : i32
      %dma_start3A_192 = tpu.memref_slice %arg10[%mul3A_86, %dma_start3A_191] : memref<10240x128xf32, #tpu.memory_space<vmem_shared>> -> memref<640x128xf32, #tpu.memory_space<vmem_shared>>
      tpu.enqueue_dma source(%dma_start3A_192 : memref<640x128xf32, #tpu.memory_space<vmem_shared>>) target(%dma_start3A_190 : memref<640x128xf32, #tpu.memory_space<hbm>>) target_semaphore(%run_scoped3A : memref<!tpu.dma_semaphore, #tpu.memory_space<semaphore_mem>>)
      %dma_wait3A = arith.constant 0 : i32
      %dma_wait3A_193 = arith.constant 0 : i32
      %dma_wait3A_194 = tpu.memref_slice %arg6[%add3A_1, %dma_wait3A, %dma_wait3A_193] : memref<4x10240x128xf32, #tpu.memory_space<hbm>> -> memref<1x10240x128xf32, #tpu.memory_space<hbm>>
      %dma_wait3A_195 = tpu.memref_squeeze %dma_wait3A_194 : memref<1x10240x128xf32, #tpu.memory_space<hbm>> -> memref<10240x128xf32, #tpu.memory_space<hbm>>
      %dma_wait3A_196 = arith.constant 0 : i32
      %dma_wait3A_197 = tpu.memref_slice %dma_wait3A_195[%mul3A_88, %dma_wait3A_196] : memref<10240x128xf32, #tpu.memory_space<hbm>> -> memref<640x128xf32, #tpu.memory_space<hbm>>
      %dma_wait3A_198 = arith.constant 0 : i32
      %dma_wait3A_199 = tpu.memref_slice %arg10[%mul3A_86, %dma_wait3A_198] : memref<10240x128xf32, #tpu.memory_space<vmem_shared>> -> memref<640x128xf32, #tpu.memory_space<vmem_shared>>
      tpu.wait_dma2 semaphore(%run_scoped3A : memref<!tpu.dma_semaphore, #tpu.memory_space<semaphore_mem>>) src(%dma_wait3A_199 : memref<640x128xf32, #tpu.memory_space<vmem_shared>>) dst(%dma_wait3A_197 : memref<640x128xf32, #tpu.memory_space<hbm>>)
      tpu.yield
    }) : () -> ()
    %barrier3A_89 = arith.constant 0 : index
    tpu.barrier barrier_id(%barrier3A_89)
    %mul3A_90 = arith.constant 2 : i32
    %mul3A_91 = arith.muli %arg0, %mul3A_90 : i32
    %add3A_92 = arith.constant 1 : i32
    %add3A_93 = arith.addi %mul3A_91, %add3A_92 : i32
    %mul3A_94 = arith.constant 640 : i32
    %mul3A_95 = arith.muli %arg1, %mul3A_94 : i32
    "tpu.region"() ({
      %run_scoped3A = tpu.sem_alloc : memref<!tpu.dma_semaphore, #tpu.memory_space<semaphore_mem>>
      %dma_start3A_185 = arith.constant 0 : i32
      %dma_start3A_186 = tpu.memref_slice %arg10[%mul3A_95, %dma_start3A_185] : memref<10240x128xf32, #tpu.memory_space<vmem_shared>> -> memref<640x128xf32, #tpu.memory_space<vmem_shared>>
      tpu.enqueue_dma source(%arg5 : memref<640x128xf32, #tpu.memory_space<hbm>>) target(%dma_start3A_186 : memref<640x128xf32, #tpu.memory_space<vmem_shared>>) target_semaphore(%run_scoped3A : memref<!tpu.dma_semaphore, #tpu.memory_space<semaphore_mem>>)
      %dma_wait3A = arith.constant 0 : i32
      %dma_wait3A_187 = tpu.memref_slice %arg10[%mul3A_95, %dma_wait3A] : memref<10240x128xf32, #tpu.memory_space<vmem_shared>> -> memref<640x128xf32, #tpu.memory_space<vmem_shared>>
      tpu.wait_dma2 semaphore(%run_scoped3A : memref<!tpu.dma_semaphore, #tpu.memory_space<semaphore_mem>>) src(%arg5 : memref<640x128xf32, #tpu.memory_space<hbm>>) dst(%dma_wait3A_187 : memref<640x128xf32, #tpu.memory_space<vmem_shared>>)
      tpu.yield
    }) : () -> ()
    %barrier3A_96 = arith.constant 0 : index
    tpu.barrier barrier_id(%barrier3A_96)
    %mul3A_97 = arith.constant 80 : i32
    %mul3A_98 = arith.muli %arg1, %mul3A_97 : i32
    %add3A_99 = arith.constant 0 : i32
    %add3A_100 = arith.addi %mul3A_98, %add3A_99 : i32
    "tpu.region"() ({
      %run_scoped3A = tpu.sem_alloc : memref<!tpu.dma_semaphore, #tpu.memory_space<semaphore_mem>>
      %dma_start3A_185 = arith.constant 0 : i32
      %dma_start3A_186 = tpu.memref_slice %arg3[%add3A_100, %dma_start3A_185] : memref<1280x128xi32, #tpu.memory_space<hbm>> -> memref<40x128xi32, #tpu.memory_space<hbm>>
      %dma_start3A_187 = arith.constant 0 : i32
      %dma_start3A_188 = tpu.memref_slice %arg3[%add3A_100, %dma_start3A_187] : memref<1280x128xi32, #tpu.memory_space<hbm>> -> memref<40x128xi32, #tpu.memory_space<hbm>>
      tpu.enqueue_dma source(%dma_start3A_188 : memref<40x128xi32, #tpu.memory_space<hbm>>) target(%arg7 : memref<40x128xi32, #tpu.memory_space<vmem>>) target_semaphore(%run_scoped3A : memref<!tpu.dma_semaphore, #tpu.memory_space<semaphore_mem>>)
      %dma_wait3A = arith.constant 0 : i32
      %dma_wait3A_189 = tpu.memref_slice %arg3[%add3A_100, %dma_wait3A] : memref<1280x128xi32, #tpu.memory_space<hbm>> -> memref<40x128xi32, #tpu.memory_space<hbm>>
      %dma_wait3A_190 = arith.constant 0 : i32
      %dma_wait3A_191 = tpu.memref_slice %arg3[%add3A_100, %dma_wait3A_190] : memref<1280x128xi32, #tpu.memory_space<hbm>> -> memref<40x128xi32, #tpu.memory_space<hbm>>
      tpu.wait_dma2 semaphore(%run_scoped3A : memref<!tpu.dma_semaphore, #tpu.memory_space<semaphore_mem>>) src(%dma_wait3A_191 : memref<40x128xi32, #tpu.memory_space<hbm>>) dst(%arg7 : memref<40x128xi32, #tpu.memory_space<vmem>>)
      tpu.yield
    }) : () -> ()
    "tpu.region"() ({
      %run_scoped3A = tpu.sem_alloc : memref<!tpu.dma_semaphore, #tpu.memory_space<semaphore_mem>>
      %dma_start3A_185 = arith.constant 0 : i32
      %dma_start3A_186 = tpu.memref_slice %arg4[%add3A_100, %dma_start3A_185] : memref<1280x128xi32, #tpu.memory_space<hbm>> -> memref<40x128xi32, #tpu.memory_space<hbm>>
      %dma_start3A_187 = arith.constant 0 : i32
      %dma_start3A_188 = tpu.memref_slice %arg4[%add3A_100, %dma_start3A_187] : memref<1280x128xi32, #tpu.memory_space<hbm>> -> memref<40x128xi32, #tpu.memory_space<hbm>>
      tpu.enqueue_dma source(%dma_start3A_188 : memref<40x128xi32, #tpu.memory_space<hbm>>) target(%arg8 : memref<40x128xi32, #tpu.memory_space<vmem>>) target_semaphore(%run_scoped3A : memref<!tpu.dma_semaphore, #tpu.memory_space<semaphore_mem>>)
      %dma_wait3A = arith.constant 0 : i32
      %dma_wait3A_189 = tpu.memref_slice %arg4[%add3A_100, %dma_wait3A] : memref<1280x128xi32, #tpu.memory_space<hbm>> -> memref<40x128xi32, #tpu.memory_space<hbm>>
      %dma_wait3A_190 = arith.constant 0 : i32
      %dma_wait3A_191 = tpu.memref_slice %arg4[%add3A_100, %dma_wait3A_190] : memref<1280x128xi32, #tpu.memory_space<hbm>> -> memref<40x128xi32, #tpu.memory_space<hbm>>
      tpu.wait_dma2 semaphore(%run_scoped3A : memref<!tpu.dma_semaphore, #tpu.memory_space<semaphore_mem>>) src(%dma_wait3A_191 : memref<40x128xi32, #tpu.memory_space<hbm>>) dst(%arg8 : memref<40x128xi32, #tpu.memory_space<vmem>>)
      tpu.yield
    }) : () -> ()
    %dma_start3A_101 = arith.constant 0 : i32
    %dma_start3A_102 = arith.constant 0 : i32
    %dma_start3A_103 = arith.constant 0 : i32
    %dma_start3A_104 = arith.constant 0 : i32
    %dma_start3A_105 = tpu.memref_slice %arg9[%dma_start3A_102, %dma_start3A_103, %dma_start3A_104] : memref<2x128x128xf32, #tpu.memory_space<vmem>> -> memref<1x128x128xf32, #tpu.memory_space<vmem>>
    %dma_start3A_106 = tpu.memref_squeeze %dma_start3A_105 : memref<1x128x128xf32, #tpu.memory_space<vmem>> -> memref<128x128xf32, #tpu.memory_space<vmem>>
    %dma_start3A_107 = arith.constant 0 : i32
    %dma_start3A_108 = tpu.memref_slice %arg7[%dma_start3A_101, %dma_start3A_107] : memref<40x128xi32, #tpu.memory_space<vmem>> -> memref<1x128xi32, #tpu.memory_space<vmem>>
    %dma_start3A_109 = tpu.memref_squeeze %dma_start3A_108 : memref<1x128xi32, #tpu.memory_space<vmem>> -> memref<128xi32, #tpu.memory_space<vmem>>
    %dma_start3A_110 = arith.constant 0 : i32
    %dma_start3A_111 = arith.constant 0 : i32
    %dma_start3A_112 = tpu.memref_slice %arg2[%add3A_93, %dma_start3A_110, %dma_start3A_111] : memref<4x10240x128xf32, #tpu.memory_space<hbm>> -> memref<1x10240x128xf32, #tpu.memory_space<hbm>>
    %dma_start3A_113 = tpu.memref_squeeze %dma_start3A_112 : memref<1x10240x128xf32, #tpu.memory_space<hbm>> -> memref<10240x128xf32, #tpu.memory_space<hbm>>
    %dma_start3A_114 = arith.constant 0 : i32
    %dma_start3A_115 = arith.constant 0 : i32
    %dma_start3A_116 = tpu.memref_slice %dma_start3A_113[%dma_start3A_114, %dma_start3A_115] : memref<10240x128xf32, #tpu.memory_space<hbm>> -> memref<10240x128xf32, #tpu.memory_space<hbm>>
    tpu.enqueue_indirect_dma source(%dma_start3A_116 : memref<10240x128xf32, #tpu.memory_space<hbm>>) target(%dma_start3A_106 : memref<128x128xf32, #tpu.memory_space<vmem>>) offsets(%dma_start3A_109 : memref<128xi32, #tpu.memory_space<vmem>>) semaphore(%arg11 : memref<!tpu.dma_semaphore, #tpu.memory_space<semaphore_mem>>)
    %dma_start3A_117 = arith.constant 1 : i32
    %dma_start3A_118 = arith.constant 1 : i32
    %dma_start3A_119 = arith.constant 0 : i32
    %dma_start3A_120 = arith.constant 0 : i32
    %dma_start3A_121 = tpu.memref_slice %arg9[%dma_start3A_118, %dma_start3A_119, %dma_start3A_120] : memref<2x128x128xf32, #tpu.memory_space<vmem>> -> memref<1x128x128xf32, #tpu.memory_space<vmem>>
    %dma_start3A_122 = tpu.memref_squeeze %dma_start3A_121 : memref<1x128x128xf32, #tpu.memory_space<vmem>> -> memref<128x128xf32, #tpu.memory_space<vmem>>
    %dma_start3A_123 = arith.constant 0 : i32
    %dma_start3A_124 = tpu.memref_slice %arg7[%dma_start3A_117, %dma_start3A_123] : memref<40x128xi32, #tpu.memory_space<vmem>> -> memref<1x128xi32, #tpu.memory_space<vmem>>
    %dma_start3A_125 = tpu.memref_squeeze %dma_start3A_124 : memref<1x128xi32, #tpu.memory_space<vmem>> -> memref<128xi32, #tpu.memory_space<vmem>>
    %dma_start3A_126 = arith.constant 0 : i32
    %dma_start3A_127 = arith.constant 0 : i32
    %dma_start3A_128 = tpu.memref_slice %arg2[%add3A_93, %dma_start3A_126, %dma_start3A_127] : memref<4x10240x128xf32, #tpu.memory_space<hbm>> -> memref<1x10240x128xf32, #tpu.memory_space<hbm>>
    %dma_start3A_129 = tpu.memref_squeeze %dma_start3A_128 : memref<1x10240x128xf32, #tpu.memory_space<hbm>> -> memref<10240x128xf32, #tpu.memory_space<hbm>>
    %dma_start3A_130 = arith.constant 0 : i32
    %dma_start3A_131 = arith.constant 0 : i32
    %dma_start3A_132 = tpu.memref_slice %dma_start3A_129[%dma_start3A_130, %dma_start3A_131] : memref<10240x128xf32, #tpu.memory_space<hbm>> -> memref<10240x128xf32, #tpu.memory_space<hbm>>
    tpu.enqueue_indirect_dma source(%dma_start3A_132 : memref<10240x128xf32, #tpu.memory_space<hbm>>) target(%dma_start3A_122 : memref<128x128xf32, #tpu.memory_space<vmem>>) offsets(%dma_start3A_125 : memref<128xi32, #tpu.memory_space<vmem>>) semaphore(%arg12 : memref<!tpu.dma_semaphore, #tpu.memory_space<semaphore_mem>>)
    %scan3A_133 = arith.constant 0 : i32
    %scan3A_134 = arith.constant 20 : i32
    %scan3A_135 = arith.addi %scan3A_133, %scan3A_134 : i32
    %scan3A_136 = arith.constant 1 : i32
    scf.for %scan3A_185 = %scan3A_133 to %scan3A_135 step %scan3A_136  : i32 {
      %mul3A_186 = arith.constant 1 : i32
      %mul3A_187 = arith.muli %scan3A_185, %mul3A_186 : i32
      %add3A_188 = arith.constant 0 : i32
      %add3A_189 = arith.addi %add3A_188, %mul3A_187 : i32
      %mul3A_190 = arith.constant 2 : i32
      %mul3A_191 = arith.muli %add3A_189, %mul3A_190 : i32
      %add3A_192 = arith.constant 0 : i32
      %add3A_193 = arith.addi %mul3A_191, %add3A_192 : i32
      %dma_wait3A = arith.constant 0 : i32
      %dma_wait3A_194 = arith.constant 0 : i32
      %dma_wait3A_195 = arith.constant 0 : i32
      %dma_wait3A_196 = tpu.memref_slice %arg9[%dma_wait3A, %dma_wait3A_194, %dma_wait3A_195] : memref<2x128x128xf32, #tpu.memory_space<vmem>> -> memref<1x128x128xf32, #tpu.memory_space<vmem>>
      %dma_wait3A_197 = tpu.memref_squeeze %dma_wait3A_196 : memref<1x128x128xf32, #tpu.memory_space<vmem>> -> memref<128x128xf32, #tpu.memory_space<vmem>>
      %dma_wait3A_198 = arith.constant 0 : i32
      %dma_wait3A_199 = tpu.memref_slice %arg7[%add3A_193, %dma_wait3A_198] : memref<40x128xi32, #tpu.memory_space<vmem>> -> memref<1x128xi32, #tpu.memory_space<vmem>>
      %dma_wait3A_200 = tpu.memref_squeeze %dma_wait3A_199 : memref<1x128xi32, #tpu.memory_space<vmem>> -> memref<128xi32, #tpu.memory_space<vmem>>
      %dma_wait3A_201 = arith.constant 0 : i32
      %dma_wait3A_202 = arith.constant 0 : i32
      %dma_wait3A_203 = tpu.memref_slice %arg2[%add3A_93, %dma_wait3A_201, %dma_wait3A_202] : memref<4x10240x128xf32, #tpu.memory_space<hbm>> -> memref<1x10240x128xf32, #tpu.memory_space<hbm>>
      %dma_wait3A_204 = tpu.memref_squeeze %dma_wait3A_203 : memref<1x10240x128xf32, #tpu.memory_space<hbm>> -> memref<10240x128xf32, #tpu.memory_space<hbm>>
      %dma_wait3A_205 = arith.constant 0 : i32
      %dma_wait3A_206 = arith.constant 0 : i32
      %dma_wait3A_207 = tpu.memref_slice %dma_wait3A_204[%dma_wait3A_205, %dma_wait3A_206] : memref<10240x128xf32, #tpu.memory_space<hbm>> -> memref<10240x128xf32, #tpu.memory_space<hbm>>
      tpu.wait_indirect_dma semaphore(%arg11 : memref<!tpu.dma_semaphore, #tpu.memory_space<semaphore_mem>>) src(%dma_wait3A_207 : memref<10240x128xf32, #tpu.memory_space<hbm>>) dst(%dma_wait3A_197 : memref<128x128xf32, #tpu.memory_space<vmem>>)
      %dma_start3A_208 = arith.constant 0 : i32
      %dma_start3A_209 = arith.constant 0 : i32
      %dma_start3A_210 = arith.constant 0 : i32
      %dma_start3A_211 = tpu.memref_slice %arg9[%dma_start3A_208, %dma_start3A_209, %dma_start3A_210] : memref<2x128x128xf32, #tpu.memory_space<vmem>> -> memref<1x128x128xf32, #tpu.memory_space<vmem>>
      %dma_start3A_212 = tpu.memref_squeeze %dma_start3A_211 : memref<1x128x128xf32, #tpu.memory_space<vmem>> -> memref<128x128xf32, #tpu.memory_space<vmem>>
      %dma_start3A_213 = arith.constant 0 : i32
      %dma_start3A_214 = tpu.memref_slice %arg8[%add3A_193, %dma_start3A_213] : memref<40x128xi32, #tpu.memory_space<vmem>> -> memref<1x128xi32, #tpu.memory_space<vmem>>
      %dma_start3A_215 = tpu.memref_squeeze %dma_start3A_214 : memref<1x128xi32, #tpu.memory_space<vmem>> -> memref<128xi32, #tpu.memory_space<vmem>>
      %dma_start3A_216 = arith.constant 0 : i32
      %dma_start3A_217 = arith.constant 0 : i32
      %dma_start3A_218 = tpu.memref_slice %arg10[%dma_start3A_216, %dma_start3A_217] : memref<10240x128xf32, #tpu.memory_space<vmem_shared>> -> memref<10240x128xf32, #tpu.memory_space<vmem_shared>>
      tpu.enqueue_indirect_dma source(%dma_start3A_212 : memref<128x128xf32, #tpu.memory_space<vmem>>) target(%dma_start3A_218 : memref<10240x128xf32, #tpu.memory_space<vmem_shared>>) offsets(%dma_start3A_215 : memref<128xi32, #tpu.memory_space<vmem>>) semaphore(%arg13 : memref<!tpu.dma_semaphore, #tpu.memory_space<semaphore_mem>>) {add = true}
      %mul3A_219 = arith.constant 2 : i32
      %mul3A_220 = arith.muli %add3A_189, %mul3A_219 : i32
      %add3A_221 = arith.constant 1 : i32
      %add3A_222 = arith.addi %mul3A_220, %add3A_221 : i32
      %dma_wait3A_223 = arith.constant 1 : i32
      %dma_wait3A_224 = arith.constant 0 : i32
      %dma_wait3A_225 = arith.constant 0 : i32
      %dma_wait3A_226 = tpu.memref_slice %arg9[%dma_wait3A_223, %dma_wait3A_224, %dma_wait3A_225] : memref<2x128x128xf32, #tpu.memory_space<vmem>> -> memref<1x128x128xf32, #tpu.memory_space<vmem>>
      %dma_wait3A_227 = tpu.memref_squeeze %dma_wait3A_226 : memref<1x128x128xf32, #tpu.memory_space<vmem>> -> memref<128x128xf32, #tpu.memory_space<vmem>>
      %dma_wait3A_228 = arith.constant 0 : i32
      %dma_wait3A_229 = tpu.memref_slice %arg7[%add3A_222, %dma_wait3A_228] : memref<40x128xi32, #tpu.memory_space<vmem>> -> memref<1x128xi32, #tpu.memory_space<vmem>>
      %dma_wait3A_230 = tpu.memref_squeeze %dma_wait3A_229 : memref<1x128xi32, #tpu.memory_space<vmem>> -> memref<128xi32, #tpu.memory_space<vmem>>
      %dma_wait3A_231 = arith.constant 0 : i32
      %dma_wait3A_232 = arith.constant 0 : i32
      %dma_wait3A_233 = tpu.memref_slice %arg2[%add3A_93, %dma_wait3A_231, %dma_wait3A_232] : memref<4x10240x128xf32, #tpu.memory_space<hbm>> -> memref<1x10240x128xf32, #tpu.memory_space<hbm>>
      %dma_wait3A_234 = tpu.memref_squeeze %dma_wait3A_233 : memref<1x10240x128xf32, #tpu.memory_space<hbm>> -> memref<10240x128xf32, #tpu.memory_space<hbm>>
      %dma_wait3A_235 = arith.constant 0 : i32
      %dma_wait3A_236 = arith.constant 0 : i32
      %dma_wait3A_237 = tpu.memref_slice %dma_wait3A_234[%dma_wait3A_235, %dma_wait3A_236] : memref<10240x128xf32, #tpu.memory_space<hbm>> -> memref<10240x128xf32, #tpu.memory_space<hbm>>
      tpu.wait_indirect_dma semaphore(%arg12 : memref<!tpu.dma_semaphore, #tpu.memory_space<semaphore_mem>>) src(%dma_wait3A_237 : memref<10240x128xf32, #tpu.memory_space<hbm>>) dst(%dma_wait3A_227 : memref<128x128xf32, #tpu.memory_space<vmem>>)
      %dma_start3A_238 = arith.constant 1 : i32
      %dma_start3A_239 = arith.constant 0 : i32
      %dma_start3A_240 = arith.constant 0 : i32
      %dma_start3A_241 = tpu.memref_slice %arg9[%dma_start3A_238, %dma_start3A_239, %dma_start3A_240] : memref<2x128x128xf32, #tpu.memory_space<vmem>> -> memref<1x128x128xf32, #tpu.memory_space<vmem>>
      %dma_start3A_242 = tpu.memref_squeeze %dma_start3A_241 : memref<1x128x128xf32, #tpu.memory_space<vmem>> -> memref<128x128xf32, #tpu.memory_space<vmem>>
      %dma_start3A_243 = arith.constant 0 : i32
      %dma_start3A_244 = tpu.memref_slice %arg8[%add3A_222, %dma_start3A_243] : memref<40x128xi32, #tpu.memory_space<vmem>> -> memref<1x128xi32, #tpu.memory_space<vmem>>
      %dma_start3A_245 = tpu.memref_squeeze %dma_start3A_244 : memref<1x128xi32, #tpu.memory_space<vmem>> -> memref<128xi32, #tpu.memory_space<vmem>>
      %dma_start3A_246 = arith.constant 0 : i32
      %dma_start3A_247 = arith.constant 0 : i32
      %dma_start3A_248 = tpu.memref_slice %arg10[%dma_start3A_246, %dma_start3A_247] : memref<10240x128xf32, #tpu.memory_space<vmem_shared>> -> memref<10240x128xf32, #tpu.memory_space<vmem_shared>>
      tpu.enqueue_indirect_dma source(%dma_start3A_242 : memref<128x128xf32, #tpu.memory_space<vmem>>) target(%dma_start3A_248 : memref<10240x128xf32, #tpu.memory_space<vmem_shared>>) offsets(%dma_start3A_245 : memref<128xi32, #tpu.memory_space<vmem>>) semaphore(%arg14 : memref<!tpu.dma_semaphore, #tpu.memory_space<semaphore_mem>>) {add = true}
      %mul3A_249 = arith.constant 2 : i32
      %mul3A_250 = arith.muli %add3A_189, %mul3A_249 : i32
      %add3A_251 = arith.constant 0 : i32
      %add3A_252 = arith.addi %mul3A_250, %add3A_251 : i32
      %dma_wait3A_253 = arith.constant 0 : i32
      %dma_wait3A_254 = arith.constant 0 : i32
      %dma_wait3A_255 = arith.constant 0 : i32
      %dma_wait3A_256 = tpu.memref_slice %arg9[%dma_wait3A_253, %dma_wait3A_254, %dma_wait3A_255] : memref<2x128x128xf32, #tpu.memory_space<vmem>> -> memref<1x128x128xf32, #tpu.memory_space<vmem>>
      %dma_wait3A_257 = tpu.memref_squeeze %dma_wait3A_256 : memref<1x128x128xf32, #tpu.memory_space<vmem>> -> memref<128x128xf32, #tpu.memory_space<vmem>>
      %dma_wait3A_258 = arith.constant 0 : i32
      %dma_wait3A_259 = tpu.memref_slice %arg8[%add3A_252, %dma_wait3A_258] : memref<40x128xi32, #tpu.memory_space<vmem>> -> memref<1x128xi32, #tpu.memory_space<vmem>>
      %dma_wait3A_260 = tpu.memref_squeeze %dma_wait3A_259 : memref<1x128xi32, #tpu.memory_space<vmem>> -> memref<128xi32, #tpu.memory_space<vmem>>
      %dma_wait3A_261 = arith.constant 0 : i32
      %dma_wait3A_262 = arith.constant 0 : i32
      %dma_wait3A_263 = tpu.memref_slice %arg10[%dma_wait3A_261, %dma_wait3A_262] : memref<10240x128xf32, #tpu.memory_space<vmem_shared>> -> memref<10240x128xf32, #tpu.memory_space<vmem_shared>>
      tpu.wait_indirect_dma semaphore(%arg13 : memref<!tpu.dma_semaphore, #tpu.memory_space<semaphore_mem>>) src(%dma_wait3A_257 : memref<128x128xf32, #tpu.memory_space<vmem>>) dst(%dma_wait3A_263 : memref<10240x128xf32, #tpu.memory_space<vmem_shared>>)
      %add3A_264 = arith.constant 2 : i32
      %add3A_265 = arith.addi %add3A_252, %add3A_264 : i32
      %lt3A = arith.constant 40 : i32
      %lt3A_266 = arith.cmpi slt, %add3A_265, %lt3A : i32
      %convert_element_type3A = arith.extui %lt3A_266 : i1 to i32
      %cond3A = arith.constant 0 : i32
      %cond3A_267 = arith.cmpi ne, %convert_element_type3A, %cond3A : i32
      scf.if %cond3A_267 {
        %dma_start3A_290 = arith.constant 0 : i32
        %dma_start3A_291 = arith.constant 0 : i32
        %dma_start3A_292 = arith.constant 0 : i32
        %dma_start3A_293 = tpu.memref_slice %arg9[%dma_start3A_290, %dma_start3A_291, %dma_start3A_292] : memref<2x128x128xf32, #tpu.memory_space<vmem>> -> memref<1x128x128xf32, #tpu.memory_space<vmem>>
        %dma_start3A_294 = tpu.memref_squeeze %dma_start3A_293 : memref<1x128x128xf32, #tpu.memory_space<vmem>> -> memref<128x128xf32, #tpu.memory_space<vmem>>
        %dma_start3A_295 = arith.constant 0 : i32
        %dma_start3A_296 = tpu.memref_slice %arg7[%add3A_265, %dma_start3A_295] : memref<40x128xi32, #tpu.memory_space<vmem>> -> memref<1x128xi32, #tpu.memory_space<vmem>>
        %dma_start3A_297 = tpu.memref_squeeze %dma_start3A_296 : memref<1x128xi32, #tpu.memory_space<vmem>> -> memref<128xi32, #tpu.memory_space<vmem>>
        %dma_start3A_298 = arith.constant 0 : i32
        %dma_start3A_299 = arith.constant 0 : i32
        %dma_start3A_300 = tpu.memref_slice %arg2[%add3A_93, %dma_start3A_298, %dma_start3A_299] : memref<4x10240x128xf32, #tpu.memory_space<hbm>> -> memref<1x10240x128xf32, #tpu.memory_space<hbm>>
        %dma_start3A_301 = tpu.memref_squeeze %dma_start3A_300 : memref<1x10240x128xf32, #tpu.memory_space<hbm>> -> memref<10240x128xf32, #tpu.memory_space<hbm>>
        %dma_start3A_302 = arith.constant 0 : i32
        %dma_start3A_303 = arith.constant 0 : i32
        %dma_start3A_304 = tpu.memref_slice %dma_start3A_301[%dma_start3A_302, %dma_start3A_303] : memref<10240x128xf32, #tpu.memory_space<hbm>> -> memref<10240x128xf32, #tpu.memory_space<hbm>>
        tpu.enqueue_indirect_dma source(%dma_start3A_304 : memref<10240x128xf32, #tpu.memory_space<hbm>>) target(%dma_start3A_294 : memref<128x128xf32, #tpu.memory_space<vmem>>) offsets(%dma_start3A_297 : memref<128xi32, #tpu.memory_space<vmem>>) semaphore(%arg11 : memref<!tpu.dma_semaphore, #tpu.memory_space<semaphore_mem>>)
      } else {
      }
      %mul3A_268 = arith.constant 2 : i32
      %mul3A_269 = arith.muli %add3A_189, %mul3A_268 : i32
      %add3A_270 = arith.constant 1 : i32
      %add3A_271 = arith.addi %mul3A_269, %add3A_270 : i32
      %dma_wait3A_272 = arith.constant 1 : i32
      %dma_wait3A_273 = arith.constant 0 : i32
      %dma_wait3A_274 = arith.constant 0 : i32
      %dma_wait3A_275 = tpu.memref_slice %arg9[%dma_wait3A_272, %dma_wait3A_273, %dma_wait3A_274] : memref<2x128x128xf32, #tpu.memory_space<vmem>> -> memref<1x128x128xf32, #tpu.memory_space<vmem>>
      %dma_wait3A_276 = tpu.memref_squeeze %dma_wait3A_275 : memref<1x128x128xf32, #tpu.memory_space<vmem>> -> memref<128x128xf32, #tpu.memory_space<vmem>>
      %dma_wait3A_277 = arith.constant 0 : i32
      %dma_wait3A_278 = tpu.memref_slice %arg8[%add3A_271, %dma_wait3A_277] : memref<40x128xi32, #tpu.memory_space<vmem>> -> memref<1x128xi32, #tpu.memory_space<vmem>>
      %dma_wait3A_279 = tpu.memref_squeeze %dma_wait3A_278 : memref<1x128xi32, #tpu.memory_space<vmem>> -> memref<128xi32, #tpu.memory_space<vmem>>
      %dma_wait3A_280 = arith.constant 0 : i32
      %dma_wait3A_281 = arith.constant 0 : i32
      %dma_wait3A_282 = tpu.memref_slice %arg10[%dma_wait3A_280, %dma_wait3A_281] : memref<10240x128xf32, #tpu.memory_space<vmem_shared>> -> memref<10240x128xf32, #tpu.memory_space<vmem_shared>>
      tpu.wait_indirect_dma semaphore(%arg14 : memref<!tpu.dma_semaphore, #tpu.memory_space<semaphore_mem>>) src(%dma_wait3A_276 : memref<128x128xf32, #tpu.memory_space<vmem>>) dst(%dma_wait3A_282 : memref<10240x128xf32, #tpu.memory_space<vmem_shared>>)
      %add3A_283 = arith.constant 2 : i32
      %add3A_284 = arith.addi %add3A_271, %add3A_283 : i32
      %lt3A_285 = arith.constant 40 : i32
      %lt3A_286 = arith.cmpi slt, %add3A_284, %lt3A_285 : i32
      %convert_element_type3A_287 = arith.extui %lt3A_286 : i1 to i32
      %cond3A_288 = arith.constant 0 : i32
      %cond3A_289 = arith.cmpi ne, %convert_element_type3A_287, %cond3A_288 : i32
      scf.if %cond3A_289 {
        %dma_start3A_290 = arith.constant 1 : i32
        %dma_start3A_291 = arith.constant 0 : i32
        %dma_start3A_292 = arith.constant 0 : i32
        %dma_start3A_293 = tpu.memref_slice %arg9[%dma_start3A_290, %dma_start3A_291, %dma_start3A_292] : memref<2x128x128xf32, #tpu.memory_space<vmem>> -> memref<1x128x128xf32, #tpu.memory_space<vmem>>
        %dma_start3A_294 = tpu.memref_squeeze %dma_start3A_293 : memref<1x128x128xf32, #tpu.memory_space<vmem>> -> memref<128x128xf32, #tpu.memory_space<vmem>>
        %dma_start3A_295 = arith.constant 0 : i32
        %dma_start3A_296 = tpu.memref_slice %arg7[%add3A_284, %dma_start3A_295] : memref<40x128xi32, #tpu.memory_space<vmem>> -> memref<1x128xi32, #tpu.memory_space<vmem>>
        %dma_start3A_297 = tpu.memref_squeeze %dma_start3A_296 : memref<1x128xi32, #tpu.memory_space<vmem>> -> memref<128xi32, #tpu.memory_space<vmem>>
        %dma_start3A_298 = arith.constant 0 : i32
        %dma_start3A_299 = arith.constant 0 : i32
        %dma_start3A_300 = tpu.memref_slice %arg2[%add3A_93, %dma_start3A_298, %dma_start3A_299] : memref<4x10240x128xf32, #tpu.memory_space<hbm>> -> memref<1x10240x128xf32, #tpu.memory_space<hbm>>
        %dma_start3A_301 = tpu.memref_squeeze %dma_start3A_300 : memref<1x10240x128xf32, #tpu.memory_space<hbm>> -> memref<10240x128xf32, #tpu.memory_space<hbm>>
        %dma_start3A_302 = arith.constant 0 : i32
        %dma_start3A_303 = arith.constant 0 : i32
        %dma_start3A_304 = tpu.memref_slice %dma_start3A_301[%dma_start3A_302, %dma_start3A_303] : memref<10240x128xf32, #tpu.memory_space<hbm>> -> memref<10240x128xf32, #tpu.memory_space<hbm>>
        tpu.enqueue_indirect_dma source(%dma_start3A_304 : memref<10240x128xf32, #tpu.memory_space<hbm>>) target(%dma_start3A_294 : memref<128x128xf32, #tpu.memory_space<vmem>>) offsets(%dma_start3A_297 : memref<128xi32, #tpu.memory_space<vmem>>) semaphore(%arg12 : memref<!tpu.dma_semaphore, #tpu.memory_space<semaphore_mem>>)
      } else {
      }
    }
    %scan3A_137 = arith.constant 20 : i32
    %mul3A_138 = arith.constant 80 : i32
    %mul3A_139 = arith.muli %arg1, %mul3A_138 : i32
    %add3A_140 = arith.constant 40 : i32
    %add3A_141 = arith.addi %mul3A_139, %add3A_140 : i32
    "tpu.region"() ({
      %run_scoped3A = tpu.sem_alloc : memref<!tpu.dma_semaphore, #tpu.memory_space<semaphore_mem>>
      %dma_start3A_185 = arith.constant 0 : i32
      %dma_start3A_186 = tpu.memref_slice %arg3[%add3A_141, %dma_start3A_185] : memref<1280x128xi32, #tpu.memory_space<hbm>> -> memref<40x128xi32, #tpu.memory_space<hbm>>
      %dma_start3A_187 = arith.constant 0 : i32
      %dma_start3A_188 = tpu.memref_slice %arg3[%add3A_141, %dma_start3A_187] : memref<1280x128xi32, #tpu.memory_space<hbm>> -> memref<40x128xi32, #tpu.memory_space<hbm>>
      tpu.enqueue_dma source(%dma_start3A_188 : memref<40x128xi32, #tpu.memory_space<hbm>>) target(%arg7 : memref<40x128xi32, #tpu.memory_space<vmem>>) target_semaphore(%run_scoped3A : memref<!tpu.dma_semaphore, #tpu.memory_space<semaphore_mem>>)
      %dma_wait3A = arith.constant 0 : i32
      %dma_wait3A_189 = tpu.memref_slice %arg3[%add3A_141, %dma_wait3A] : memref<1280x128xi32, #tpu.memory_space<hbm>> -> memref<40x128xi32, #tpu.memory_space<hbm>>
      %dma_wait3A_190 = arith.constant 0 : i32
      %dma_wait3A_191 = tpu.memref_slice %arg3[%add3A_141, %dma_wait3A_190] : memref<1280x128xi32, #tpu.memory_space<hbm>> -> memref<40x128xi32, #tpu.memory_space<hbm>>
      tpu.wait_dma2 semaphore(%run_scoped3A : memref<!tpu.dma_semaphore, #tpu.memory_space<semaphore_mem>>) src(%dma_wait3A_191 : memref<40x128xi32, #tpu.memory_space<hbm>>) dst(%arg7 : memref<40x128xi32, #tpu.memory_space<vmem>>)
      tpu.yield
    }) : () -> ()
    "tpu.region"() ({
      %run_scoped3A = tpu.sem_alloc : memref<!tpu.dma_semaphore, #tpu.memory_space<semaphore_mem>>
      %dma_start3A_185 = arith.constant 0 : i32
      %dma_start3A_186 = tpu.memref_slice %arg4[%add3A_141, %dma_start3A_185] : memref<1280x128xi32, #tpu.memory_space<hbm>> -> memref<40x128xi32, #tpu.memory_space<hbm>>
      %dma_start3A_187 = arith.constant 0 : i32
      %dma_start3A_188 = tpu.memref_slice %arg4[%add3A_141, %dma_start3A_187] : memref<1280x128xi32, #tpu.memory_space<hbm>> -> memref<40x128xi32, #tpu.memory_space<hbm>>
      tpu.enqueue_dma source(%dma_start3A_188 : memref<40x128xi32, #tpu.memory_space<hbm>>) target(%arg8 : memref<40x128xi32, #tpu.memory_space<vmem>>) target_semaphore(%run_scoped3A : memref<!tpu.dma_semaphore, #tpu.memory_space<semaphore_mem>>)
      %dma_wait3A = arith.constant 0 : i32
      %dma_wait3A_189 = tpu.memref_slice %arg4[%add3A_141, %dma_wait3A] : memref<1280x128xi32, #tpu.memory_space<hbm>> -> memref<40x128xi32, #tpu.memory_space<hbm>>
      %dma_wait3A_190 = arith.constant 0 : i32
      %dma_wait3A_191 = tpu.memref_slice %arg4[%add3A_141, %dma_wait3A_190] : memref<1280x128xi32, #tpu.memory_space<hbm>> -> memref<40x128xi32, #tpu.memory_space<hbm>>
      tpu.wait_dma2 semaphore(%run_scoped3A : memref<!tpu.dma_semaphore, #tpu.memory_space<semaphore_mem>>) src(%dma_wait3A_191 : memref<40x128xi32, #tpu.memory_space<hbm>>) dst(%arg8 : memref<40x128xi32, #tpu.memory_space<vmem>>)
      tpu.yield
    }) : () -> ()
    %dma_start3A_142 = arith.constant 0 : i32
    %dma_start3A_143 = arith.constant 0 : i32
    %dma_start3A_144 = arith.constant 0 : i32
    %dma_start3A_145 = arith.constant 0 : i32
    %dma_start3A_146 = tpu.memref_slice %arg9[%dma_start3A_143, %dma_start3A_144, %dma_start3A_145] : memref<2x128x128xf32, #tpu.memory_space<vmem>> -> memref<1x128x128xf32, #tpu.memory_space<vmem>>
    %dma_start3A_147 = tpu.memref_squeeze %dma_start3A_146 : memref<1x128x128xf32, #tpu.memory_space<vmem>> -> memref<128x128xf32, #tpu.memory_space<vmem>>
    %dma_start3A_148 = arith.constant 0 : i32
    %dma_start3A_149 = tpu.memref_slice %arg7[%dma_start3A_142, %dma_start3A_148] : memref<40x128xi32, #tpu.memory_space<vmem>> -> memref<1x128xi32, #tpu.memory_space<vmem>>
    %dma_start3A_150 = tpu.memref_squeeze %dma_start3A_149 : memref<1x128xi32, #tpu.memory_space<vmem>> -> memref<128xi32, #tpu.memory_space<vmem>>
    %dma_start3A_151 = arith.constant 0 : i32
    %dma_start3A_152 = arith.constant 0 : i32
    %dma_start3A_153 = tpu.memref_slice %arg2[%add3A_93, %dma_start3A_151, %dma_start3A_152] : memref<4x10240x128xf32, #tpu.memory_space<hbm>> -> memref<1x10240x128xf32, #tpu.memory_space<hbm>>
    %dma_start3A_154 = tpu.memref_squeeze %dma_start3A_153 : memref<1x10240x128xf32, #tpu.memory_space<hbm>> -> memref<10240x128xf32, #tpu.memory_space<hbm>>
    %dma_start3A_155 = arith.constant 0 : i32
    %dma_start3A_156 = arith.constant 0 : i32
    %dma_start3A_157 = tpu.memref_slice %dma_start3A_154[%dma_start3A_155, %dma_start3A_156] : memref<10240x128xf32, #tpu.memory_space<hbm>> -> memref<10240x128xf32, #tpu.memory_space<hbm>>
    tpu.enqueue_indirect_dma source(%dma_start3A_157 : memref<10240x128xf32, #tpu.memory_space<hbm>>) target(%dma_start3A_147 : memref<128x128xf32, #tpu.memory_space<vmem>>) offsets(%dma_start3A_150 : memref<128xi32, #tpu.memory_space<vmem>>) semaphore(%arg11 : memref<!tpu.dma_semaphore, #tpu.memory_space<semaphore_mem>>)
    %dma_start3A_158 = arith.constant 1 : i32
    %dma_start3A_159 = arith.constant 1 : i32
    %dma_start3A_160 = arith.constant 0 : i32
    %dma_start3A_161 = arith.constant 0 : i32
    %dma_start3A_162 = tpu.memref_slice %arg9[%dma_start3A_159, %dma_start3A_160, %dma_start3A_161] : memref<2x128x128xf32, #tpu.memory_space<vmem>> -> memref<1x128x128xf32, #tpu.memory_space<vmem>>
    %dma_start3A_163 = tpu.memref_squeeze %dma_start3A_162 : memref<1x128x128xf32, #tpu.memory_space<vmem>> -> memref<128x128xf32, #tpu.memory_space<vmem>>
    %dma_start3A_164 = arith.constant 0 : i32
    %dma_start3A_165 = tpu.memref_slice %arg7[%dma_start3A_158, %dma_start3A_164] : memref<40x128xi32, #tpu.memory_space<vmem>> -> memref<1x128xi32, #tpu.memory_space<vmem>>
    %dma_start3A_166 = tpu.memref_squeeze %dma_start3A_165 : memref<1x128xi32, #tpu.memory_space<vmem>> -> memref<128xi32, #tpu.memory_space<vmem>>
    %dma_start3A_167 = arith.constant 0 : i32
    %dma_start3A_168 = arith.constant 0 : i32
    %dma_start3A_169 = tpu.memref_slice %arg2[%add3A_93, %dma_start3A_167, %dma_start3A_168] : memref<4x10240x128xf32, #tpu.memory_space<hbm>> -> memref<1x10240x128xf32, #tpu.memory_space<hbm>>
    %dma_start3A_170 = tpu.memref_squeeze %dma_start3A_169 : memref<1x10240x128xf32, #tpu.memory_space<hbm>> -> memref<10240x128xf32, #tpu.memory_space<hbm>>
    %dma_start3A_171 = arith.constant 0 : i32
    %dma_start3A_172 = arith.constant 0 : i32
    %dma_start3A_173 = tpu.memref_slice %dma_start3A_170[%dma_start3A_171, %dma_start3A_172] : memref<10240x128xf32, #tpu.memory_space<hbm>> -> memref<10240x128xf32, #tpu.memory_space<hbm>>
    tpu.enqueue_indirect_dma source(%dma_start3A_173 : memref<10240x128xf32, #tpu.memory_space<hbm>>) target(%dma_start3A_163 : memref<128x128xf32, #tpu.memory_space<vmem>>) offsets(%dma_start3A_166 : memref<128xi32, #tpu.memory_space<vmem>>) semaphore(%arg12 : memref<!tpu.dma_semaphore, #tpu.memory_space<semaphore_mem>>)
    %scan3A_174 = arith.constant 0 : i32
    %scan3A_175 = arith.constant 20 : i32
    %scan3A_176 = arith.addi %scan3A_174, %scan3A_175 : i32
    %scan3A_177 = arith.constant 1 : i32
    scf.for %scan3A_185 = %scan3A_174 to %scan3A_176 step %scan3A_177  : i32 {
      %mul3A_186 = arith.constant 1 : i32
      %mul3A_187 = arith.muli %scan3A_185, %mul3A_186 : i32
      %add3A_188 = arith.constant 0 : i32
      %add3A_189 = arith.addi %add3A_188, %mul3A_187 : i32
      %mul3A_190 = arith.constant 2 : i32
      %mul3A_191 = arith.muli %add3A_189, %mul3A_190 : i32
      %add3A_192 = arith.constant 0 : i32
      %add3A_193 = arith.addi %mul3A_191, %add3A_192 : i32
      %dma_wait3A = arith.constant 0 : i32
      %dma_wait3A_194 = arith.constant 0 : i32
      %dma_wait3A_195 = arith.constant 0 : i32
      %dma_wait3A_196 = tpu.memref_slice %arg9[%dma_wait3A, %dma_wait3A_194, %dma_wait3A_195] : memref<2x128x128xf32, #tpu.memory_space<vmem>> -> memref<1x128x128xf32, #tpu.memory_space<vmem>>
      %dma_wait3A_197 = tpu.memref_squeeze %dma_wait3A_196 : memref<1x128x128xf32, #tpu.memory_space<vmem>> -> memref<128x128xf32, #tpu.memory_space<vmem>>
      %dma_wait3A_198 = arith.constant 0 : i32
      %dma_wait3A_199 = tpu.memref_slice %arg7[%add3A_193, %dma_wait3A_198] : memref<40x128xi32, #tpu.memory_space<vmem>> -> memref<1x128xi32, #tpu.memory_space<vmem>>
      %dma_wait3A_200 = tpu.memref_squeeze %dma_wait3A_199 : memref<1x128xi32, #tpu.memory_space<vmem>> -> memref<128xi32, #tpu.memory_space<vmem>>
      %dma_wait3A_201 = arith.constant 0 : i32
      %dma_wait3A_202 = arith.constant 0 : i32
      %dma_wait3A_203 = tpu.memref_slice %arg2[%add3A_93, %dma_wait3A_201, %dma_wait3A_202] : memref<4x10240x128xf32, #tpu.memory_space<hbm>> -> memref<1x10240x128xf32, #tpu.memory_space<hbm>>
      %dma_wait3A_204 = tpu.memref_squeeze %dma_wait3A_203 : memref<1x10240x128xf32, #tpu.memory_space<hbm>> -> memref<10240x128xf32, #tpu.memory_space<hbm>>
      %dma_wait3A_205 = arith.constant 0 : i32
      %dma_wait3A_206 = arith.constant 0 : i32
      %dma_wait3A_207 = tpu.memref_slice %dma_wait3A_204[%dma_wait3A_205, %dma_wait3A_206] : memref<10240x128xf32, #tpu.memory_space<hbm>> -> memref<10240x128xf32, #tpu.memory_space<hbm>>
      tpu.wait_indirect_dma semaphore(%arg11 : memref<!tpu.dma_semaphore, #tpu.memory_space<semaphore_mem>>) src(%dma_wait3A_207 : memref<10240x128xf32, #tpu.memory_space<hbm>>) dst(%dma_wait3A_197 : memref<128x128xf32, #tpu.memory_space<vmem>>)
      %dma_start3A_208 = arith.constant 0 : i32
      %dma_start3A_209 = arith.constant 0 : i32
      %dma_start3A_210 = arith.constant 0 : i32
      %dma_start3A_211 = tpu.memref_slice %arg9[%dma_start3A_208, %dma_start3A_209, %dma_start3A_210] : memref<2x128x128xf32, #tpu.memory_space<vmem>> -> memref<1x128x128xf32, #tpu.memory_space<vmem>>
      %dma_start3A_212 = tpu.memref_squeeze %dma_start3A_211 : memref<1x128x128xf32, #tpu.memory_space<vmem>> -> memref<128x128xf32, #tpu.memory_space<vmem>>
      %dma_start3A_213 = arith.constant 0 : i32
      %dma_start3A_214 = tpu.memref_slice %arg8[%add3A_193, %dma_start3A_213] : memref<40x128xi32, #tpu.memory_space<vmem>> -> memref<1x128xi32, #tpu.memory_space<vmem>>
      %dma_start3A_215 = tpu.memref_squeeze %dma_start3A_214 : memref<1x128xi32, #tpu.memory_space<vmem>> -> memref<128xi32, #tpu.memory_space<vmem>>
      %dma_start3A_216 = arith.constant 0 : i32
      %dma_start3A_217 = arith.constant 0 : i32
      %dma_start3A_218 = tpu.memref_slice %arg10[%dma_start3A_216, %dma_start3A_217] : memref<10240x128xf32, #tpu.memory_space<vmem_shared>> -> memref<10240x128xf32, #tpu.memory_space<vmem_shared>>
      tpu.enqueue_indirect_dma source(%dma_start3A_212 : memref<128x128xf32, #tpu.memory_space<vmem>>) target(%dma_start3A_218 : memref<10240x128xf32, #tpu.memory_space<vmem_shared>>) offsets(%dma_start3A_215 : memref<128xi32, #tpu.memory_space<vmem>>) semaphore(%arg13 : memref<!tpu.dma_semaphore, #tpu.memory_space<semaphore_mem>>) {add = true}
      %mul3A_219 = arith.constant 2 : i32
      %mul3A_220 = arith.muli %add3A_189, %mul3A_219 : i32
      %add3A_221 = arith.constant 1 : i32
      %add3A_222 = arith.addi %mul3A_220, %add3A_221 : i32
      %dma_wait3A_223 = arith.constant 1 : i32
      %dma_wait3A_224 = arith.constant 0 : i32
      %dma_wait3A_225 = arith.constant 0 : i32
      %dma_wait3A_226 = tpu.memref_slice %arg9[%dma_wait3A_223, %dma_wait3A_224, %dma_wait3A_225] : memref<2x128x128xf32, #tpu.memory_space<vmem>> -> memref<1x128x128xf32, #tpu.memory_space<vmem>>
      %dma_wait3A_227 = tpu.memref_squeeze %dma_wait3A_226 : memref<1x128x128xf32, #tpu.memory_space<vmem>> -> memref<128x128xf32, #tpu.memory_space<vmem>>
      %dma_wait3A_228 = arith.constant 0 : i32
      %dma_wait3A_229 = tpu.memref_slice %arg7[%add3A_222, %dma_wait3A_228] : memref<40x128xi32, #tpu.memory_space<vmem>> -> memref<1x128xi32, #tpu.memory_space<vmem>>
      %dma_wait3A_230 = tpu.memref_squeeze %dma_wait3A_229 : memref<1x128xi32, #tpu.memory_space<vmem>> -> memref<128xi32, #tpu.memory_space<vmem>>
      %dma_wait3A_231 = arith.constant 0 : i32
      %dma_wait3A_232 = arith.constant 0 : i32
      %dma_wait3A_233 = tpu.memref_slice %arg2[%add3A_93, %dma_wait3A_231, %dma_wait3A_232] : memref<4x10240x128xf32, #tpu.memory_space<hbm>> -> memref<1x10240x128xf32, #tpu.memory_space<hbm>>
      %dma_wait3A_234 = tpu.memref_squeeze %dma_wait3A_233 : memref<1x10240x128xf32, #tpu.memory_space<hbm>> -> memref<10240x128xf32, #tpu.memory_space<hbm>>
      %dma_wait3A_235 = arith.constant 0 : i32
      %dma_wait3A_236 = arith.constant 0 : i32
      %dma_wait3A_237 = tpu.memref_slice %dma_wait3A_234[%dma_wait3A_235, %dma_wait3A_236] : memref<10240x128xf32, #tpu.memory_space<hbm>> -> memref<10240x128xf32, #tpu.memory_space<hbm>>
      tpu.wait_indirect_dma semaphore(%arg12 : memref<!tpu.dma_semaphore, #tpu.memory_space<semaphore_mem>>) src(%dma_wait3A_237 : memref<10240x128xf32, #tpu.memory_space<hbm>>) dst(%dma_wait3A_227 : memref<128x128xf32, #tpu.memory_space<vmem>>)
      %dma_start3A_238 = arith.constant 1 : i32
      %dma_start3A_239 = arith.constant 0 : i32
      %dma_start3A_240 = arith.constant 0 : i32
      %dma_start3A_241 = tpu.memref_slice %arg9[%dma_start3A_238, %dma_start3A_239, %dma_start3A_240] : memref<2x128x128xf32, #tpu.memory_space<vmem>> -> memref<1x128x128xf32, #tpu.memory_space<vmem>>
      %dma_start3A_242 = tpu.memref_squeeze %dma_start3A_241 : memref<1x128x128xf32, #tpu.memory_space<vmem>> -> memref<128x128xf32, #tpu.memory_space<vmem>>
      %dma_start3A_243 = arith.constant 0 : i32
      %dma_start3A_244 = tpu.memref_slice %arg8[%add3A_222, %dma_start3A_243] : memref<40x128xi32, #tpu.memory_space<vmem>> -> memref<1x128xi32, #tpu.memory_space<vmem>>
      %dma_start3A_245 = tpu.memref_squeeze %dma_start3A_244 : memref<1x128xi32, #tpu.memory_space<vmem>> -> memref<128xi32, #tpu.memory_space<vmem>>
      %dma_start3A_246 = arith.constant 0 : i32
      %dma_start3A_247 = arith.constant 0 : i32
      %dma_start3A_248 = tpu.memref_slice %arg10[%dma_start3A_246, %dma_start3A_247] : memref<10240x128xf32, #tpu.memory_space<vmem_shared>> -> memref<10240x128xf32, #tpu.memory_space<vmem_shared>>
      tpu.enqueue_indirect_dma source(%dma_start3A_242 : memref<128x128xf32, #tpu.memory_space<vmem>>) target(%dma_start3A_248 : memref<10240x128xf32, #tpu.memory_space<vmem_shared>>) offsets(%dma_start3A_245 : memref<128xi32, #tpu.memory_space<vmem>>) semaphore(%arg14 : memref<!tpu.dma_semaphore, #tpu.memory_space<semaphore_mem>>) {add = true}
      %mul3A_249 = arith.constant 2 : i32
      %mul3A_250 = arith.muli %add3A_189, %mul3A_249 : i32
      %add3A_251 = arith.constant 0 : i32
      %add3A_252 = arith.addi %mul3A_250, %add3A_251 : i32
      %dma_wait3A_253 = arith.constant 0 : i32
      %dma_wait3A_254 = arith.constant 0 : i32
      %dma_wait3A_255 = arith.constant 0 : i32
      %dma_wait3A_256 = tpu.memref_slice %arg9[%dma_wait3A_253, %dma_wait3A_254, %dma_wait3A_255] : memref<2x128x128xf32, #tpu.memory_space<vmem>> -> memref<1x128x128xf32, #tpu.memory_space<vmem>>
      %dma_wait3A_257 = tpu.memref_squeeze %dma_wait3A_256 : memref<1x128x128xf32, #tpu.memory_space<vmem>> -> memref<128x128xf32, #tpu.memory_space<vmem>>
      %dma_wait3A_258 = arith.constant 0 : i32
      %dma_wait3A_259 = tpu.memref_slice %arg8[%add3A_252, %dma_wait3A_258] : memref<40x128xi32, #tpu.memory_space<vmem>> -> memref<1x128xi32, #tpu.memory_space<vmem>>
      %dma_wait3A_260 = tpu.memref_squeeze %dma_wait3A_259 : memref<1x128xi32, #tpu.memory_space<vmem>> -> memref<128xi32, #tpu.memory_space<vmem>>
      %dma_wait3A_261 = arith.constant 0 : i32
      %dma_wait3A_262 = arith.constant 0 : i32
      %dma_wait3A_263 = tpu.memref_slice %arg10[%dma_wait3A_261, %dma_wait3A_262] : memref<10240x128xf32, #tpu.memory_space<vmem_shared>> -> memref<10240x128xf32, #tpu.memory_space<vmem_shared>>
      tpu.wait_indirect_dma semaphore(%arg13 : memref<!tpu.dma_semaphore, #tpu.memory_space<semaphore_mem>>) src(%dma_wait3A_257 : memref<128x128xf32, #tpu.memory_space<vmem>>) dst(%dma_wait3A_263 : memref<10240x128xf32, #tpu.memory_space<vmem_shared>>)
      %add3A_264 = arith.constant 2 : i32
      %add3A_265 = arith.addi %add3A_252, %add3A_264 : i32
      %lt3A = arith.constant 40 : i32
      %lt3A_266 = arith.cmpi slt, %add3A_265, %lt3A : i32
      %convert_element_type3A = arith.extui %lt3A_266 : i1 to i32
      %cond3A = arith.constant 0 : i32
      %cond3A_267 = arith.cmpi ne, %convert_element_type3A, %cond3A : i32
      scf.if %cond3A_267 {
        %dma_start3A_290 = arith.constant 0 : i32
        %dma_start3A_291 = arith.constant 0 : i32
        %dma_start3A_292 = arith.constant 0 : i32
        %dma_start3A_293 = tpu.memref_slice %arg9[%dma_start3A_290, %dma_start3A_291, %dma_start3A_292] : memref<2x128x128xf32, #tpu.memory_space<vmem>> -> memref<1x128x128xf32, #tpu.memory_space<vmem>>
        %dma_start3A_294 = tpu.memref_squeeze %dma_start3A_293 : memref<1x128x128xf32, #tpu.memory_space<vmem>> -> memref<128x128xf32, #tpu.memory_space<vmem>>
        %dma_start3A_295 = arith.constant 0 : i32
        %dma_start3A_296 = tpu.memref_slice %arg7[%add3A_265, %dma_start3A_295] : memref<40x128xi32, #tpu.memory_space<vmem>> -> memref<1x128xi32, #tpu.memory_space<vmem>>
        %dma_start3A_297 = tpu.memref_squeeze %dma_start3A_296 : memref<1x128xi32, #tpu.memory_space<vmem>> -> memref<128xi32, #tpu.memory_space<vmem>>
        %dma_start3A_298 = arith.constant 0 : i32
        %dma_start3A_299 = arith.constant 0 : i32
        %dma_start3A_300 = tpu.memref_slice %arg2[%add3A_93, %dma_start3A_298, %dma_start3A_299] : memref<4x10240x128xf32, #tpu.memory_space<hbm>> -> memref<1x10240x128xf32, #tpu.memory_space<hbm>>
        %dma_start3A_301 = tpu.memref_squeeze %dma_start3A_300 : memref<1x10240x128xf32, #tpu.memory_space<hbm>> -> memref<10240x128xf32, #tpu.memory_space<hbm>>
        %dma_start3A_302 = arith.constant 0 : i32
        %dma_start3A_303 = arith.constant 0 : i32
        %dma_start3A_304 = tpu.memref_slice %dma_start3A_301[%dma_start3A_302, %dma_start3A_303] : memref<10240x128xf32, #tpu.memory_space<hbm>> -> memref<10240x128xf32, #tpu.memory_space<hbm>>
        tpu.enqueue_indirect_dma source(%dma_start3A_304 : memref<10240x128xf32, #tpu.memory_space<hbm>>) target(%dma_start3A_294 : memref<128x128xf32, #tpu.memory_space<vmem>>) offsets(%dma_start3A_297 : memref<128xi32, #tpu.memory_space<vmem>>) semaphore(%arg11 : memref<!tpu.dma_semaphore, #tpu.memory_space<semaphore_mem>>)
      } else {
      }
      %mul3A_268 = arith.constant 2 : i32
      %mul3A_269 = arith.muli %add3A_189, %mul3A_268 : i32
      %add3A_270 = arith.constant 1 : i32
      %add3A_271 = arith.addi %mul3A_269, %add3A_270 : i32
      %dma_wait3A_272 = arith.constant 1 : i32
      %dma_wait3A_273 = arith.constant 0 : i32
      %dma_wait3A_274 = arith.constant 0 : i32
      %dma_wait3A_275 = tpu.memref_slice %arg9[%dma_wait3A_272, %dma_wait3A_273, %dma_wait3A_274] : memref<2x128x128xf32, #tpu.memory_space<vmem>> -> memref<1x128x128xf32, #tpu.memory_space<vmem>>
      %dma_wait3A_276 = tpu.memref_squeeze %dma_wait3A_275 : memref<1x128x128xf32, #tpu.memory_space<vmem>> -> memref<128x128xf32, #tpu.memory_space<vmem>>
      %dma_wait3A_277 = arith.constant 0 : i32
      %dma_wait3A_278 = tpu.memref_slice %arg8[%add3A_271, %dma_wait3A_277] : memref<40x128xi32, #tpu.memory_space<vmem>> -> memref<1x128xi32, #tpu.memory_space<vmem>>
      %dma_wait3A_279 = tpu.memref_squeeze %dma_wait3A_278 : memref<1x128xi32, #tpu.memory_space<vmem>> -> memref<128xi32, #tpu.memory_space<vmem>>
      %dma_wait3A_280 = arith.constant 0 : i32
      %dma_wait3A_281 = arith.constant 0 : i32
      %dma_wait3A_282 = tpu.memref_slice %arg10[%dma_wait3A_280, %dma_wait3A_281] : memref<10240x128xf32, #tpu.memory_space<vmem_shared>> -> memref<10240x128xf32, #tpu.memory_space<vmem_shared>>
      tpu.wait_indirect_dma semaphore(%arg14 : memref<!tpu.dma_semaphore, #tpu.memory_space<semaphore_mem>>) src(%dma_wait3A_276 : memref<128x128xf32, #tpu.memory_space<vmem>>) dst(%dma_wait3A_282 : memref<10240x128xf32, #tpu.memory_space<vmem_shared>>)
      %add3A_283 = arith.constant 2 : i32
      %add3A_284 = arith.addi %add3A_271, %add3A_283 : i32
      %lt3A_285 = arith.constant 40 : i32
      %lt3A_286 = arith.cmpi slt, %add3A_284, %lt3A_285 : i32
      %convert_element_type3A_287 = arith.extui %lt3A_286 : i1 to i32
      %cond3A_288 = arith.constant 0 : i32
      %cond3A_289 = arith.cmpi ne, %convert_element_type3A_287, %cond3A_288 : i32
      scf.if %cond3A_289 {
        %dma_start3A_290 = arith.constant 1 : i32
        %dma_start3A_291 = arith.constant 0 : i32
        %dma_start3A_292 = arith.constant 0 : i32
        %dma_start3A_293 = tpu.memref_slice %arg9[%dma_start3A_290, %dma_start3A_291, %dma_start3A_292] : memref<2x128x128xf32, #tpu.memory_space<vmem>> -> memref<1x128x128xf32, #tpu.memory_space<vmem>>
        %dma_start3A_294 = tpu.memref_squeeze %dma_start3A_293 : memref<1x128x128xf32, #tpu.memory_space<vmem>> -> memref<128x128xf32, #tpu.memory_space<vmem>>
        %dma_start3A_295 = arith.constant 0 : i32
        %dma_start3A_296 = tpu.memref_slice %arg7[%add3A_284, %dma_start3A_295] : memref<40x128xi32, #tpu.memory_space<vmem>> -> memref<1x128xi32, #tpu.memory_space<vmem>>
        %dma_start3A_297 = tpu.memref_squeeze %dma_start3A_296 : memref<1x128xi32, #tpu.memory_space<vmem>> -> memref<128xi32, #tpu.memory_space<vmem>>
        %dma_start3A_298 = arith.constant 0 : i32
        %dma_start3A_299 = arith.constant 0 : i32
        %dma_start3A_300 = tpu.memref_slice %arg2[%add3A_93, %dma_start3A_298, %dma_start3A_299] : memref<4x10240x128xf32, #tpu.memory_space<hbm>> -> memref<1x10240x128xf32, #tpu.memory_space<hbm>>
        %dma_start3A_301 = tpu.memref_squeeze %dma_start3A_300 : memref<1x10240x128xf32, #tpu.memory_space<hbm>> -> memref<10240x128xf32, #tpu.memory_space<hbm>>
        %dma_start3A_302 = arith.constant 0 : i32
        %dma_start3A_303 = arith.constant 0 : i32
        %dma_start3A_304 = tpu.memref_slice %dma_start3A_301[%dma_start3A_302, %dma_start3A_303] : memref<10240x128xf32, #tpu.memory_space<hbm>> -> memref<10240x128xf32, #tpu.memory_space<hbm>>
        tpu.enqueue_indirect_dma source(%dma_start3A_304 : memref<10240x128xf32, #tpu.memory_space<hbm>>) target(%dma_start3A_294 : memref<128x128xf32, #tpu.memory_space<vmem>>) offsets(%dma_start3A_297 : memref<128xi32, #tpu.memory_space<vmem>>) semaphore(%arg12 : memref<!tpu.dma_semaphore, #tpu.memory_space<semaphore_mem>>)
      } else {
      }
    }
    %scan3A_178 = arith.constant 20 : i32
    %barrier3A_179 = arith.constant 0 : index
    tpu.barrier barrier_id(%barrier3A_179)
    %mul3A_180 = arith.constant 640 : i32
    %mul3A_181 = arith.muli %arg1, %mul3A_180 : i32
    %mul3A_182 = arith.constant 640 : i32
    %mul3A_183 = arith.muli %arg1, %mul3A_182 : i32
    "tpu.region"() ({
      %run_scoped3A = tpu.sem_alloc : memref<!tpu.dma_semaphore, #tpu.memory_space<semaphore_mem>>
      %dma_start3A_185 = arith.constant 0 : i32
      %dma_start3A_186 = arith.constant 0 : i32
      %dma_start3A_187 = tpu.memref_slice %arg6[%add3A_93, %dma_start3A_185, %dma_start3A_186] : memref<4x10240x128xf32, #tpu.memory_space<hbm>> -> memref<1x10240x128xf32, #tpu.memory_space<hbm>>
      %dma_start3A_188 = tpu.memref_squeeze %dma_start3A_187 : memref<1x10240x128xf32, #tpu.memory_space<hbm>> -> memref<10240x128xf32, #tpu.memory_space<hbm>>
      %dma_start3A_189 = arith.constant 0 : i32
      %dma_start3A_190 = tpu.memref_slice %dma_start3A_188[%mul3A_183, %dma_start3A_189] : memref<10240x128xf32, #tpu.memory_space<hbm>> -> memref<640x128xf32, #tpu.memory_space<hbm>>
      %dma_start3A_191 = arith.constant 0 : i32
      %dma_start3A_192 = tpu.memref_slice %arg10[%mul3A_181, %dma_start3A_191] : memref<10240x128xf32, #tpu.memory_space<vmem_shared>> -> memref<640x128xf32, #tpu.memory_space<vmem_shared>>
      tpu.enqueue_dma source(%dma_start3A_192 : memref<640x128xf32, #tpu.memory_space<vmem_shared>>) target(%dma_start3A_190 : memref<640x128xf32, #tpu.memory_space<hbm>>) target_semaphore(%run_scoped3A : memref<!tpu.dma_semaphore, #tpu.memory_space<semaphore_mem>>)
      %dma_wait3A = arith.constant 0 : i32
      %dma_wait3A_193 = arith.constant 0 : i32
      %dma_wait3A_194 = tpu.memref_slice %arg6[%add3A_93, %dma_wait3A, %dma_wait3A_193] : memref<4x10240x128xf32, #tpu.memory_space<hbm>> -> memref<1x10240x128xf32, #tpu.memory_space<hbm>>
      %dma_wait3A_195 = tpu.memref_squeeze %dma_wait3A_194 : memref<1x10240x128xf32, #tpu.memory_space<hbm>> -> memref<10240x128xf32, #tpu.memory_space<hbm>>
      %dma_wait3A_196 = arith.constant 0 : i32
      %dma_wait3A_197 = tpu.memref_slice %dma_wait3A_195[%mul3A_183, %dma_wait3A_196] : memref<10240x128xf32, #tpu.memory_space<hbm>> -> memref<640x128xf32, #tpu.memory_space<hbm>>
      %dma_wait3A_198 = arith.constant 0 : i32
      %dma_wait3A_199 = tpu.memref_slice %arg10[%mul3A_181, %dma_wait3A_198] : memref<10240x128xf32, #tpu.memory_space<vmem_shared>> -> memref<640x128xf32, #tpu.memory_space<vmem_shared>>
      tpu.wait_dma2 semaphore(%run_scoped3A : memref<!tpu.dma_semaphore, #tpu.memory_space<semaphore_mem>>) src(%dma_wait3A_199 : memref<640x128xf32, #tpu.memory_space<vmem_shared>>) dst(%dma_wait3A_197 : memref<640x128xf32, #tpu.memory_space<hbm>>)
      tpu.yield
    }) : () -> ()
    %barrier3A_184 = arith.constant 0 : index
    tpu.barrier barrier_id(%barrier3A_184)
    return
  }
}

#map = affine_map<(d0, d1) -> (0, 0, 0)>
#map1 = affine_map<(d0, d1) -> (0, 0)>
module attributes {stable_mosaic.version = 14 : i64} {
  func.func @_k5_agg2(%arg0: i32, %arg1: i32, %arg2: memref<2x10000x128xf32, #tpu.memory_space<hbm>>, %arg3: memref<1280x128xi32, #tpu.memory_space<hbm>>, %arg4: memref<1280x128xi32, #tpu.memory_space<hbm>>, %arg5: memref<640x128xf32, #tpu.memory_space<hbm>>, %arg6: memref<2x10240x128xf32, #tpu.memory_space<hbm>>, %arg7: memref<40x128xi32, #tpu.memory_space<vmem>>, %arg8: memref<40x128xi32, #tpu.memory_space<vmem>>, %arg9: memref<2x128x128xf32, #tpu.memory_space<vmem>>, %arg10: memref<10240x128xf32, #tpu.memory_space<vmem_shared>>, %arg11: memref<!tpu.dma_semaphore, #tpu.memory_space<semaphore_mem>>, %arg12: memref<!tpu.dma_semaphore, #tpu.memory_space<semaphore_mem>>, %arg13: memref<!tpu.dma_semaphore, #tpu.memory_space<semaphore_mem>>, %arg14: memref<!tpu.dma_semaphore, #tpu.memory_space<semaphore_mem>>) attributes {dimension_semantics = [#tpu.dimension_semantics<core_parallel>, #tpu.dimension_semantics<subcore_parallel>], iteration_bounds = array<i64: 2, 16>, scalar_prefetch = 0 : i64, scratch_operands = 8 : i64, tpu.core_type = #tpu.core_type<sc_vector_subcore>, window_params = [{transform_indices = #map}, {transform_indices = #map1}, {transform_indices = #map1}, {transform_indices = #map1}, {transform_indices = #map}]} {
    %mul3A = arith.constant 640 : i32
    %mul3A_0 = arith.muli %arg1, %mul3A : i32
    "tpu.region"() ({
      %run_scoped3A = tpu.sem_alloc : memref<!tpu.dma_semaphore, #tpu.memory_space<semaphore_mem>>
      %dma_start3A_45 = arith.constant 0 : i32
      %dma_start3A_46 = tpu.memref_slice %arg10[%mul3A_0, %dma_start3A_45] : memref<10240x128xf32, #tpu.memory_space<vmem_shared>> -> memref<640x128xf32, #tpu.memory_space<vmem_shared>>
      tpu.enqueue_dma source(%arg5 : memref<640x128xf32, #tpu.memory_space<hbm>>) target(%dma_start3A_46 : memref<640x128xf32, #tpu.memory_space<vmem_shared>>) target_semaphore(%run_scoped3A : memref<!tpu.dma_semaphore, #tpu.memory_space<semaphore_mem>>)
      %dma_wait3A = arith.constant 0 : i32
      %dma_wait3A_47 = tpu.memref_slice %arg10[%mul3A_0, %dma_wait3A] : memref<10240x128xf32, #tpu.memory_space<vmem_shared>> -> memref<640x128xf32, #tpu.memory_space<vmem_shared>>
      tpu.wait_dma2 semaphore(%run_scoped3A : memref<!tpu.dma_semaphore, #tpu.memory_space<semaphore_mem>>) src(%arg5 : memref<640x128xf32, #tpu.memory_space<hbm>>) dst(%dma_wait3A_47 : memref<640x128xf32, #tpu.memory_space<vmem_shared>>)
      tpu.yield
    }) : () -> ()
    %barrier3A = arith.constant 0 : index
    tpu.barrier barrier_id(%barrier3A)
    %mul3A_1 = arith.constant 640 : i32
    %mul3A_2 = arith.muli %arg0, %mul3A_1 : i32
    %mul3A_3 = arith.constant 40 : i32
    %mul3A_4 = arith.muli %arg1, %mul3A_3 : i32
    %add3A = arith.addi %mul3A_2, %mul3A_4 : i32
    "tpu.region"() ({
      %run_scoped3A = tpu.sem_alloc : memref<!tpu.dma_semaphore, #tpu.memory_space<semaphore_mem>>
      %dma_start3A_45 = arith.constant 0 : i32
      %dma_start3A_46 = tpu.memref_slice %arg3[%add3A, %dma_start3A_45] : memref<1280x128xi32, #tpu.memory_space<hbm>> -> memref<40x128xi32, #tpu.memory_space<hbm>>
      %dma_start3A_47 = arith.constant 0 : i32
      %dma_start3A_48 = tpu.memref_slice %arg3[%add3A, %dma_start3A_47] : memref<1280x128xi32, #tpu.memory_space<hbm>> -> memref<40x128xi32, #tpu.memory_space<hbm>>
      tpu.enqueue_dma source(%dma_start3A_48 : memref<40x128xi32, #tpu.memory_space<hbm>>) target(%arg7 : memref<40x128xi32, #tpu.memory_space<vmem>>) target_semaphore(%run_scoped3A : memref<!tpu.dma_semaphore, #tpu.memory_space<semaphore_mem>>)
      %dma_wait3A = arith.constant 0 : i32
      %dma_wait3A_49 = tpu.memref_slice %arg3[%add3A, %dma_wait3A] : memref<1280x128xi32, #tpu.memory_space<hbm>> -> memref<40x128xi32, #tpu.memory_space<hbm>>
      %dma_wait3A_50 = arith.constant 0 : i32
      %dma_wait3A_51 = tpu.memref_slice %arg3[%add3A, %dma_wait3A_50] : memref<1280x128xi32, #tpu.memory_space<hbm>> -> memref<40x128xi32, #tpu.memory_space<hbm>>
      tpu.wait_dma2 semaphore(%run_scoped3A : memref<!tpu.dma_semaphore, #tpu.memory_space<semaphore_mem>>) src(%dma_wait3A_51 : memref<40x128xi32, #tpu.memory_space<hbm>>) dst(%arg7 : memref<40x128xi32, #tpu.memory_space<vmem>>)
      tpu.yield
    }) : () -> ()
    "tpu.region"() ({
      %run_scoped3A = tpu.sem_alloc : memref<!tpu.dma_semaphore, #tpu.memory_space<semaphore_mem>>
      %dma_start3A_45 = arith.constant 0 : i32
      %dma_start3A_46 = tpu.memref_slice %arg4[%add3A, %dma_start3A_45] : memref<1280x128xi32, #tpu.memory_space<hbm>> -> memref<40x128xi32, #tpu.memory_space<hbm>>
      %dma_start3A_47 = arith.constant 0 : i32
      %dma_start3A_48 = tpu.memref_slice %arg4[%add3A, %dma_start3A_47] : memref<1280x128xi32, #tpu.memory_space<hbm>> -> memref<40x128xi32, #tpu.memory_space<hbm>>
      tpu.enqueue_dma source(%dma_start3A_48 : memref<40x128xi32, #tpu.memory_space<hbm>>) target(%arg8 : memref<40x128xi32, #tpu.memory_space<vmem>>) target_semaphore(%run_scoped3A : memref<!tpu.dma_semaphore, #tpu.memory_space<semaphore_mem>>)
      %dma_wait3A = arith.constant 0 : i32
      %dma_wait3A_49 = tpu.memref_slice %arg4[%add3A, %dma_wait3A] : memref<1280x128xi32, #tpu.memory_space<hbm>> -> memref<40x128xi32, #tpu.memory_space<hbm>>
      %dma_wait3A_50 = arith.constant 0 : i32
      %dma_wait3A_51 = tpu.memref_slice %arg4[%add3A, %dma_wait3A_50] : memref<1280x128xi32, #tpu.memory_space<hbm>> -> memref<40x128xi32, #tpu.memory_space<hbm>>
      tpu.wait_dma2 semaphore(%run_scoped3A : memref<!tpu.dma_semaphore, #tpu.memory_space<semaphore_mem>>) src(%dma_wait3A_51 : memref<40x128xi32, #tpu.memory_space<hbm>>) dst(%arg8 : memref<40x128xi32, #tpu.memory_space<vmem>>)
      tpu.yield
    }) : () -> ()
    %dma_start3A = arith.constant 0 : i32
    %dma_start3A_5 = arith.constant 0 : i32
    %dma_start3A_6 = arith.constant 0 : i32
    %dma_start3A_7 = arith.constant 0 : i32
    %dma_start3A_8 = tpu.memref_slice %arg9[%dma_start3A_5, %dma_start3A_6, %dma_start3A_7] : memref<2x128x128xf32, #tpu.memory_space<vmem>> -> memref<1x128x128xf32, #tpu.memory_space<vmem>>
    %dma_start3A_9 = tpu.memref_squeeze %dma_start3A_8 : memref<1x128x128xf32, #tpu.memory_space<vmem>> -> memref<128x128xf32, #tpu.memory_space<vmem>>
    %dma_start3A_10 = arith.constant 0 : i32
    %dma_start3A_11 = tpu.memref_slice %arg7[%dma_start3A, %dma_start3A_10] : memref<40x128xi32, #tpu.memory_space<vmem>> -> memref<1x128xi32, #tpu.memory_space<vmem>>
    %dma_start3A_12 = tpu.memref_squeeze %dma_start3A_11 : memref<1x128xi32, #tpu.memory_space<vmem>> -> memref<128xi32, #tpu.memory_space<vmem>>
    %dma_start3A_13 = arith.constant 0 : i32
    %dma_start3A_14 = arith.constant 0 : i32
    %dma_start3A_15 = tpu.memref_slice %arg2[%arg0, %dma_start3A_13, %dma_start3A_14] : memref<2x10000x128xf32, #tpu.memory_space<hbm>> -> memref<1x10000x128xf32, #tpu.memory_space<hbm>>
    %dma_start3A_16 = tpu.memref_squeeze %dma_start3A_15 : memref<1x10000x128xf32, #tpu.memory_space<hbm>> -> memref<10000x128xf32, #tpu.memory_space<hbm>>
    %dma_start3A_17 = arith.constant 0 : i32
    %dma_start3A_18 = arith.constant 0 : i32
    %dma_start3A_19 = tpu.memref_slice %dma_start3A_16[%dma_start3A_17, %dma_start3A_18] : memref<10000x128xf32, #tpu.memory_space<hbm>> -> memref<10000x128xf32, #tpu.memory_space<hbm>>
    tpu.enqueue_indirect_dma source(%dma_start3A_19 : memref<10000x128xf32, #tpu.memory_space<hbm>>) target(%dma_start3A_9 : memref<128x128xf32, #tpu.memory_space<vmem>>) offsets(%dma_start3A_12 : memref<128xi32, #tpu.memory_space<vmem>>) semaphore(%arg11 : memref<!tpu.dma_semaphore, #tpu.memory_space<semaphore_mem>>)
    %dma_start3A_20 = arith.constant 1 : i32
    %dma_start3A_21 = arith.constant 1 : i32
    %dma_start3A_22 = arith.constant 0 : i32
    %dma_start3A_23 = arith.constant 0 : i32
    %dma_start3A_24 = tpu.memref_slice %arg9[%dma_start3A_21, %dma_start3A_22, %dma_start3A_23] : memref<2x128x128xf32, #tpu.memory_space<vmem>> -> memref<1x128x128xf32, #tpu.memory_space<vmem>>
    %dma_start3A_25 = tpu.memref_squeeze %dma_start3A_24 : memref<1x128x128xf32, #tpu.memory_space<vmem>> -> memref<128x128xf32, #tpu.memory_space<vmem>>
    %dma_start3A_26 = arith.constant 0 : i32
    %dma_start3A_27 = tpu.memref_slice %arg7[%dma_start3A_20, %dma_start3A_26] : memref<40x128xi32, #tpu.memory_space<vmem>> -> memref<1x128xi32, #tpu.memory_space<vmem>>
    %dma_start3A_28 = tpu.memref_squeeze %dma_start3A_27 : memref<1x128xi32, #tpu.memory_space<vmem>> -> memref<128xi32, #tpu.memory_space<vmem>>
    %dma_start3A_29 = arith.constant 0 : i32
    %dma_start3A_30 = arith.constant 0 : i32
    %dma_start3A_31 = tpu.memref_slice %arg2[%arg0, %dma_start3A_29, %dma_start3A_30] : memref<2x10000x128xf32, #tpu.memory_space<hbm>> -> memref<1x10000x128xf32, #tpu.memory_space<hbm>>
    %dma_start3A_32 = tpu.memref_squeeze %dma_start3A_31 : memref<1x10000x128xf32, #tpu.memory_space<hbm>> -> memref<10000x128xf32, #tpu.memory_space<hbm>>
    %dma_start3A_33 = arith.constant 0 : i32
    %dma_start3A_34 = arith.constant 0 : i32
    %dma_start3A_35 = tpu.memref_slice %dma_start3A_32[%dma_start3A_33, %dma_start3A_34] : memref<10000x128xf32, #tpu.memory_space<hbm>> -> memref<10000x128xf32, #tpu.memory_space<hbm>>
    tpu.enqueue_indirect_dma source(%dma_start3A_35 : memref<10000x128xf32, #tpu.memory_space<hbm>>) target(%dma_start3A_25 : memref<128x128xf32, #tpu.memory_space<vmem>>) offsets(%dma_start3A_28 : memref<128xi32, #tpu.memory_space<vmem>>) semaphore(%arg12 : memref<!tpu.dma_semaphore, #tpu.memory_space<semaphore_mem>>)
    %scan3A = arith.constant 0 : i32
    %scan3A_36 = arith.constant 20 : i32
    %scan3A_37 = arith.addi %scan3A, %scan3A_36 : i32
    %scan3A_38 = arith.constant 1 : i32
    scf.for %scan3A_45 = %scan3A to %scan3A_37 step %scan3A_38  : i32 {
      %mul3A_46 = arith.constant 1 : i32
      %mul3A_47 = arith.muli %scan3A_45, %mul3A_46 : i32
      %add3A_48 = arith.constant 0 : i32
      %add3A_49 = arith.addi %add3A_48, %mul3A_47 : i32
      %mul3A_50 = arith.constant 2 : i32
      %mul3A_51 = arith.muli %add3A_49, %mul3A_50 : i32
      %add3A_52 = arith.constant 0 : i32
      %add3A_53 = arith.addi %mul3A_51, %add3A_52 : i32
      %dma_wait3A = arith.constant 0 : i32
      %dma_wait3A_54 = arith.constant 0 : i32
      %dma_wait3A_55 = arith.constant 0 : i32
      %dma_wait3A_56 = tpu.memref_slice %arg9[%dma_wait3A, %dma_wait3A_54, %dma_wait3A_55] : memref<2x128x128xf32, #tpu.memory_space<vmem>> -> memref<1x128x128xf32, #tpu.memory_space<vmem>>
      %dma_wait3A_57 = tpu.memref_squeeze %dma_wait3A_56 : memref<1x128x128xf32, #tpu.memory_space<vmem>> -> memref<128x128xf32, #tpu.memory_space<vmem>>
      %dma_wait3A_58 = arith.constant 0 : i32
      %dma_wait3A_59 = tpu.memref_slice %arg7[%add3A_53, %dma_wait3A_58] : memref<40x128xi32, #tpu.memory_space<vmem>> -> memref<1x128xi32, #tpu.memory_space<vmem>>
      %dma_wait3A_60 = tpu.memref_squeeze %dma_wait3A_59 : memref<1x128xi32, #tpu.memory_space<vmem>> -> memref<128xi32, #tpu.memory_space<vmem>>
      %dma_wait3A_61 = arith.constant 0 : i32
      %dma_wait3A_62 = arith.constant 0 : i32
      %dma_wait3A_63 = tpu.memref_slice %arg2[%arg0, %dma_wait3A_61, %dma_wait3A_62] : memref<2x10000x128xf32, #tpu.memory_space<hbm>> -> memref<1x10000x128xf32, #tpu.memory_space<hbm>>
      %dma_wait3A_64 = tpu.memref_squeeze %dma_wait3A_63 : memref<1x10000x128xf32, #tpu.memory_space<hbm>> -> memref<10000x128xf32, #tpu.memory_space<hbm>>
      %dma_wait3A_65 = arith.constant 0 : i32
      %dma_wait3A_66 = arith.constant 0 : i32
      %dma_wait3A_67 = tpu.memref_slice %dma_wait3A_64[%dma_wait3A_65, %dma_wait3A_66] : memref<10000x128xf32, #tpu.memory_space<hbm>> -> memref<10000x128xf32, #tpu.memory_space<hbm>>
      tpu.wait_indirect_dma semaphore(%arg11 : memref<!tpu.dma_semaphore, #tpu.memory_space<semaphore_mem>>) src(%dma_wait3A_67 : memref<10000x128xf32, #tpu.memory_space<hbm>>) dst(%dma_wait3A_57 : memref<128x128xf32, #tpu.memory_space<vmem>>)
      %dma_start3A_68 = arith.constant 0 : i32
      %dma_start3A_69 = arith.constant 0 : i32
      %dma_start3A_70 = arith.constant 0 : i32
      %dma_start3A_71 = tpu.memref_slice %arg9[%dma_start3A_68, %dma_start3A_69, %dma_start3A_70] : memref<2x128x128xf32, #tpu.memory_space<vmem>> -> memref<1x128x128xf32, #tpu.memory_space<vmem>>
      %dma_start3A_72 = tpu.memref_squeeze %dma_start3A_71 : memref<1x128x128xf32, #tpu.memory_space<vmem>> -> memref<128x128xf32, #tpu.memory_space<vmem>>
      %dma_start3A_73 = arith.constant 0 : i32
      %dma_start3A_74 = tpu.memref_slice %arg8[%add3A_53, %dma_start3A_73] : memref<40x128xi32, #tpu.memory_space<vmem>> -> memref<1x128xi32, #tpu.memory_space<vmem>>
      %dma_start3A_75 = tpu.memref_squeeze %dma_start3A_74 : memref<1x128xi32, #tpu.memory_space<vmem>> -> memref<128xi32, #tpu.memory_space<vmem>>
      %dma_start3A_76 = arith.constant 0 : i32
      %dma_start3A_77 = arith.constant 0 : i32
      %dma_start3A_78 = tpu.memref_slice %arg10[%dma_start3A_76, %dma_start3A_77] : memref<10240x128xf32, #tpu.memory_space<vmem_shared>> -> memref<10240x128xf32, #tpu.memory_space<vmem_shared>>
      tpu.enqueue_indirect_dma source(%dma_start3A_72 : memref<128x128xf32, #tpu.memory_space<vmem>>) target(%dma_start3A_78 : memref<10240x128xf32, #tpu.memory_space<vmem_shared>>) offsets(%dma_start3A_75 : memref<128xi32, #tpu.memory_space<vmem>>) semaphore(%arg13 : memref<!tpu.dma_semaphore, #tpu.memory_space<semaphore_mem>>) {add = true}
      %mul3A_79 = arith.constant 2 : i32
      %mul3A_80 = arith.muli %add3A_49, %mul3A_79 : i32
      %add3A_81 = arith.constant 1 : i32
      %add3A_82 = arith.addi %mul3A_80, %add3A_81 : i32
      %dma_wait3A_83 = arith.constant 1 : i32
      %dma_wait3A_84 = arith.constant 0 : i32
      %dma_wait3A_85 = arith.constant 0 : i32
      %dma_wait3A_86 = tpu.memref_slice %arg9[%dma_wait3A_83, %dma_wait3A_84, %dma_wait3A_85] : memref<2x128x128xf32, #tpu.memory_space<vmem>> -> memref<1x128x128xf32, #tpu.memory_space<vmem>>
      %dma_wait3A_87 = tpu.memref_squeeze %dma_wait3A_86 : memref<1x128x128xf32, #tpu.memory_space<vmem>> -> memref<128x128xf32, #tpu.memory_space<vmem>>
      %dma_wait3A_88 = arith.constant 0 : i32
      %dma_wait3A_89 = tpu.memref_slice %arg7[%add3A_82, %dma_wait3A_88] : memref<40x128xi32, #tpu.memory_space<vmem>> -> memref<1x128xi32, #tpu.memory_space<vmem>>
      %dma_wait3A_90 = tpu.memref_squeeze %dma_wait3A_89 : memref<1x128xi32, #tpu.memory_space<vmem>> -> memref<128xi32, #tpu.memory_space<vmem>>
      %dma_wait3A_91 = arith.constant 0 : i32
      %dma_wait3A_92 = arith.constant 0 : i32
      %dma_wait3A_93 = tpu.memref_slice %arg2[%arg0, %dma_wait3A_91, %dma_wait3A_92] : memref<2x10000x128xf32, #tpu.memory_space<hbm>> -> memref<1x10000x128xf32, #tpu.memory_space<hbm>>
      %dma_wait3A_94 = tpu.memref_squeeze %dma_wait3A_93 : memref<1x10000x128xf32, #tpu.memory_space<hbm>> -> memref<10000x128xf32, #tpu.memory_space<hbm>>
      %dma_wait3A_95 = arith.constant 0 : i32
      %dma_wait3A_96 = arith.constant 0 : i32
      %dma_wait3A_97 = tpu.memref_slice %dma_wait3A_94[%dma_wait3A_95, %dma_wait3A_96] : memref<10000x128xf32, #tpu.memory_space<hbm>> -> memref<10000x128xf32, #tpu.memory_space<hbm>>
      tpu.wait_indirect_dma semaphore(%arg12 : memref<!tpu.dma_semaphore, #tpu.memory_space<semaphore_mem>>) src(%dma_wait3A_97 : memref<10000x128xf32, #tpu.memory_space<hbm>>) dst(%dma_wait3A_87 : memref<128x128xf32, #tpu.memory_space<vmem>>)
      %dma_start3A_98 = arith.constant 1 : i32
      %dma_start3A_99 = arith.constant 0 : i32
      %dma_start3A_100 = arith.constant 0 : i32
      %dma_start3A_101 = tpu.memref_slice %arg9[%dma_start3A_98, %dma_start3A_99, %dma_start3A_100] : memref<2x128x128xf32, #tpu.memory_space<vmem>> -> memref<1x128x128xf32, #tpu.memory_space<vmem>>
      %dma_start3A_102 = tpu.memref_squeeze %dma_start3A_101 : memref<1x128x128xf32, #tpu.memory_space<vmem>> -> memref<128x128xf32, #tpu.memory_space<vmem>>
      %dma_start3A_103 = arith.constant 0 : i32
      %dma_start3A_104 = tpu.memref_slice %arg8[%add3A_82, %dma_start3A_103] : memref<40x128xi32, #tpu.memory_space<vmem>> -> memref<1x128xi32, #tpu.memory_space<vmem>>
      %dma_start3A_105 = tpu.memref_squeeze %dma_start3A_104 : memref<1x128xi32, #tpu.memory_space<vmem>> -> memref<128xi32, #tpu.memory_space<vmem>>
      %dma_start3A_106 = arith.constant 0 : i32
      %dma_start3A_107 = arith.constant 0 : i32
      %dma_start3A_108 = tpu.memref_slice %arg10[%dma_start3A_106, %dma_start3A_107] : memref<10240x128xf32, #tpu.memory_space<vmem_shared>> -> memref<10240x128xf32, #tpu.memory_space<vmem_shared>>
      tpu.enqueue_indirect_dma source(%dma_start3A_102 : memref<128x128xf32, #tpu.memory_space<vmem>>) target(%dma_start3A_108 : memref<10240x128xf32, #tpu.memory_space<vmem_shared>>) offsets(%dma_start3A_105 : memref<128xi32, #tpu.memory_space<vmem>>) semaphore(%arg14 : memref<!tpu.dma_semaphore, #tpu.memory_space<semaphore_mem>>) {add = true}
      %mul3A_109 = arith.constant 2 : i32
      %mul3A_110 = arith.muli %add3A_49, %mul3A_109 : i32
      %add3A_111 = arith.constant 0 : i32
      %add3A_112 = arith.addi %mul3A_110, %add3A_111 : i32
      %dma_wait3A_113 = arith.constant 0 : i32
      %dma_wait3A_114 = arith.constant 0 : i32
      %dma_wait3A_115 = arith.constant 0 : i32
      %dma_wait3A_116 = tpu.memref_slice %arg9[%dma_wait3A_113, %dma_wait3A_114, %dma_wait3A_115] : memref<2x128x128xf32, #tpu.memory_space<vmem>> -> memref<1x128x128xf32, #tpu.memory_space<vmem>>
      %dma_wait3A_117 = tpu.memref_squeeze %dma_wait3A_116 : memref<1x128x128xf32, #tpu.memory_space<vmem>> -> memref<128x128xf32, #tpu.memory_space<vmem>>
      %dma_wait3A_118 = arith.constant 0 : i32
      %dma_wait3A_119 = tpu.memref_slice %arg8[%add3A_112, %dma_wait3A_118] : memref<40x128xi32, #tpu.memory_space<vmem>> -> memref<1x128xi32, #tpu.memory_space<vmem>>
      %dma_wait3A_120 = tpu.memref_squeeze %dma_wait3A_119 : memref<1x128xi32, #tpu.memory_space<vmem>> -> memref<128xi32, #tpu.memory_space<vmem>>
      %dma_wait3A_121 = arith.constant 0 : i32
      %dma_wait3A_122 = arith.constant 0 : i32
      %dma_wait3A_123 = tpu.memref_slice %arg10[%dma_wait3A_121, %dma_wait3A_122] : memref<10240x128xf32, #tpu.memory_space<vmem_shared>> -> memref<10240x128xf32, #tpu.memory_space<vmem_shared>>
      tpu.wait_indirect_dma semaphore(%arg13 : memref<!tpu.dma_semaphore, #tpu.memory_space<semaphore_mem>>) src(%dma_wait3A_117 : memref<128x128xf32, #tpu.memory_space<vmem>>) dst(%dma_wait3A_123 : memref<10240x128xf32, #tpu.memory_space<vmem_shared>>)
      %add3A_124 = arith.constant 2 : i32
      %add3A_125 = arith.addi %add3A_112, %add3A_124 : i32
      %lt3A = arith.constant 40 : i32
      %lt3A_126 = arith.cmpi slt, %add3A_125, %lt3A : i32
      %convert_element_type3A = arith.extui %lt3A_126 : i1 to i32
      %cond3A = arith.constant 0 : i32
      %cond3A_127 = arith.cmpi ne, %convert_element_type3A, %cond3A : i32
      scf.if %cond3A_127 {
        %dma_start3A_150 = arith.constant 0 : i32
        %dma_start3A_151 = arith.constant 0 : i32
        %dma_start3A_152 = arith.constant 0 : i32
        %dma_start3A_153 = tpu.memref_slice %arg9[%dma_start3A_150, %dma_start3A_151, %dma_start3A_152] : memref<2x128x128xf32, #tpu.memory_space<vmem>> -> memref<1x128x128xf32, #tpu.memory_space<vmem>>
        %dma_start3A_154 = tpu.memref_squeeze %dma_start3A_153 : memref<1x128x128xf32, #tpu.memory_space<vmem>> -> memref<128x128xf32, #tpu.memory_space<vmem>>
        %dma_start3A_155 = arith.constant 0 : i32
        %dma_start3A_156 = tpu.memref_slice %arg7[%add3A_125, %dma_start3A_155] : memref<40x128xi32, #tpu.memory_space<vmem>> -> memref<1x128xi32, #tpu.memory_space<vmem>>
        %dma_start3A_157 = tpu.memref_squeeze %dma_start3A_156 : memref<1x128xi32, #tpu.memory_space<vmem>> -> memref<128xi32, #tpu.memory_space<vmem>>
        %dma_start3A_158 = arith.constant 0 : i32
        %dma_start3A_159 = arith.constant 0 : i32
        %dma_start3A_160 = tpu.memref_slice %arg2[%arg0, %dma_start3A_158, %dma_start3A_159] : memref<2x10000x128xf32, #tpu.memory_space<hbm>> -> memref<1x10000x128xf32, #tpu.memory_space<hbm>>
        %dma_start3A_161 = tpu.memref_squeeze %dma_start3A_160 : memref<1x10000x128xf32, #tpu.memory_space<hbm>> -> memref<10000x128xf32, #tpu.memory_space<hbm>>
        %dma_start3A_162 = arith.constant 0 : i32
        %dma_start3A_163 = arith.constant 0 : i32
        %dma_start3A_164 = tpu.memref_slice %dma_start3A_161[%dma_start3A_162, %dma_start3A_163] : memref<10000x128xf32, #tpu.memory_space<hbm>> -> memref<10000x128xf32, #tpu.memory_space<hbm>>
        tpu.enqueue_indirect_dma source(%dma_start3A_164 : memref<10000x128xf32, #tpu.memory_space<hbm>>) target(%dma_start3A_154 : memref<128x128xf32, #tpu.memory_space<vmem>>) offsets(%dma_start3A_157 : memref<128xi32, #tpu.memory_space<vmem>>) semaphore(%arg11 : memref<!tpu.dma_semaphore, #tpu.memory_space<semaphore_mem>>)
      } else {
      }
      %mul3A_128 = arith.constant 2 : i32
      %mul3A_129 = arith.muli %add3A_49, %mul3A_128 : i32
      %add3A_130 = arith.constant 1 : i32
      %add3A_131 = arith.addi %mul3A_129, %add3A_130 : i32
      %dma_wait3A_132 = arith.constant 1 : i32
      %dma_wait3A_133 = arith.constant 0 : i32
      %dma_wait3A_134 = arith.constant 0 : i32
      %dma_wait3A_135 = tpu.memref_slice %arg9[%dma_wait3A_132, %dma_wait3A_133, %dma_wait3A_134] : memref<2x128x128xf32, #tpu.memory_space<vmem>> -> memref<1x128x128xf32, #tpu.memory_space<vmem>>
      %dma_wait3A_136 = tpu.memref_squeeze %dma_wait3A_135 : memref<1x128x128xf32, #tpu.memory_space<vmem>> -> memref<128x128xf32, #tpu.memory_space<vmem>>
      %dma_wait3A_137 = arith.constant 0 : i32
      %dma_wait3A_138 = tpu.memref_slice %arg8[%add3A_131, %dma_wait3A_137] : memref<40x128xi32, #tpu.memory_space<vmem>> -> memref<1x128xi32, #tpu.memory_space<vmem>>
      %dma_wait3A_139 = tpu.memref_squeeze %dma_wait3A_138 : memref<1x128xi32, #tpu.memory_space<vmem>> -> memref<128xi32, #tpu.memory_space<vmem>>
      %dma_wait3A_140 = arith.constant 0 : i32
      %dma_wait3A_141 = arith.constant 0 : i32
      %dma_wait3A_142 = tpu.memref_slice %arg10[%dma_wait3A_140, %dma_wait3A_141] : memref<10240x128xf32, #tpu.memory_space<vmem_shared>> -> memref<10240x128xf32, #tpu.memory_space<vmem_shared>>
      tpu.wait_indirect_dma semaphore(%arg14 : memref<!tpu.dma_semaphore, #tpu.memory_space<semaphore_mem>>) src(%dma_wait3A_136 : memref<128x128xf32, #tpu.memory_space<vmem>>) dst(%dma_wait3A_142 : memref<10240x128xf32, #tpu.memory_space<vmem_shared>>)
      %add3A_143 = arith.constant 2 : i32
      %add3A_144 = arith.addi %add3A_131, %add3A_143 : i32
      %lt3A_145 = arith.constant 40 : i32
      %lt3A_146 = arith.cmpi slt, %add3A_144, %lt3A_145 : i32
      %convert_element_type3A_147 = arith.extui %lt3A_146 : i1 to i32
      %cond3A_148 = arith.constant 0 : i32
      %cond3A_149 = arith.cmpi ne, %convert_element_type3A_147, %cond3A_148 : i32
      scf.if %cond3A_149 {
        %dma_start3A_150 = arith.constant 1 : i32
        %dma_start3A_151 = arith.constant 0 : i32
        %dma_start3A_152 = arith.constant 0 : i32
        %dma_start3A_153 = tpu.memref_slice %arg9[%dma_start3A_150, %dma_start3A_151, %dma_start3A_152] : memref<2x128x128xf32, #tpu.memory_space<vmem>> -> memref<1x128x128xf32, #tpu.memory_space<vmem>>
        %dma_start3A_154 = tpu.memref_squeeze %dma_start3A_153 : memref<1x128x128xf32, #tpu.memory_space<vmem>> -> memref<128x128xf32, #tpu.memory_space<vmem>>
        %dma_start3A_155 = arith.constant 0 : i32
        %dma_start3A_156 = tpu.memref_slice %arg7[%add3A_144, %dma_start3A_155] : memref<40x128xi32, #tpu.memory_space<vmem>> -> memref<1x128xi32, #tpu.memory_space<vmem>>
        %dma_start3A_157 = tpu.memref_squeeze %dma_start3A_156 : memref<1x128xi32, #tpu.memory_space<vmem>> -> memref<128xi32, #tpu.memory_space<vmem>>
        %dma_start3A_158 = arith.constant 0 : i32
        %dma_start3A_159 = arith.constant 0 : i32
        %dma_start3A_160 = tpu.memref_slice %arg2[%arg0, %dma_start3A_158, %dma_start3A_159] : memref<2x10000x128xf32, #tpu.memory_space<hbm>> -> memref<1x10000x128xf32, #tpu.memory_space<hbm>>
        %dma_start3A_161 = tpu.memref_squeeze %dma_start3A_160 : memref<1x10000x128xf32, #tpu.memory_space<hbm>> -> memref<10000x128xf32, #tpu.memory_space<hbm>>
        %dma_start3A_162 = arith.constant 0 : i32
        %dma_start3A_163 = arith.constant 0 : i32
        %dma_start3A_164 = tpu.memref_slice %dma_start3A_161[%dma_start3A_162, %dma_start3A_163] : memref<10000x128xf32, #tpu.memory_space<hbm>> -> memref<10000x128xf32, #tpu.memory_space<hbm>>
        tpu.enqueue_indirect_dma source(%dma_start3A_164 : memref<10000x128xf32, #tpu.memory_space<hbm>>) target(%dma_start3A_154 : memref<128x128xf32, #tpu.memory_space<vmem>>) offsets(%dma_start3A_157 : memref<128xi32, #tpu.memory_space<vmem>>) semaphore(%arg12 : memref<!tpu.dma_semaphore, #tpu.memory_space<semaphore_mem>>)
      } else {
      }
    }
    %scan3A_39 = arith.constant 20 : i32
    %barrier3A_40 = arith.constant 0 : index
    tpu.barrier barrier_id(%barrier3A_40)
    %mul3A_41 = arith.constant 640 : i32
    %mul3A_42 = arith.muli %arg1, %mul3A_41 : i32
    %mul3A_43 = arith.constant 640 : i32
    %mul3A_44 = arith.muli %arg1, %mul3A_43 : i32
    "tpu.region"() ({
      %run_scoped3A = tpu.sem_alloc : memref<!tpu.dma_semaphore, #tpu.memory_space<semaphore_mem>>
      %dma_start3A_45 = arith.constant 0 : i32
      %dma_start3A_46 = arith.constant 0 : i32
      %dma_start3A_47 = tpu.memref_slice %arg6[%arg0, %dma_start3A_45, %dma_start3A_46] : memref<2x10240x128xf32, #tpu.memory_space<hbm>> -> memref<1x10240x128xf32, #tpu.memory_space<hbm>>
      %dma_start3A_48 = tpu.memref_squeeze %dma_start3A_47 : memref<1x10240x128xf32, #tpu.memory_space<hbm>> -> memref<10240x128xf32, #tpu.memory_space<hbm>>
      %dma_start3A_49 = arith.constant 0 : i32
      %dma_start3A_50 = tpu.memref_slice %dma_start3A_48[%mul3A_44, %dma_start3A_49] : memref<10240x128xf32, #tpu.memory_space<hbm>> -> memref<640x128xf32, #tpu.memory_space<hbm>>
      %dma_start3A_51 = arith.constant 0 : i32
      %dma_start3A_52 = tpu.memref_slice %arg10[%mul3A_42, %dma_start3A_51] : memref<10240x128xf32, #tpu.memory_space<vmem_shared>> -> memref<640x128xf32, #tpu.memory_space<vmem_shared>>
      tpu.enqueue_dma source(%dma_start3A_52 : memref<640x128xf32, #tpu.memory_space<vmem_shared>>) target(%dma_start3A_50 : memref<640x128xf32, #tpu.memory_space<hbm>>) target_semaphore(%run_scoped3A : memref<!tpu.dma_semaphore, #tpu.memory_space<semaphore_mem>>)
      %dma_wait3A = arith.constant 0 : i32
      %dma_wait3A_53 = arith.constant 0 : i32
      %dma_wait3A_54 = tpu.memref_slice %arg6[%arg0, %dma_wait3A, %dma_wait3A_53] : memref<2x10240x128xf32, #tpu.memory_space<hbm>> -> memref<1x10240x128xf32, #tpu.memory_space<hbm>>
      %dma_wait3A_55 = tpu.memref_squeeze %dma_wait3A_54 : memref<1x10240x128xf32, #tpu.memory_space<hbm>> -> memref<10240x128xf32, #tpu.memory_space<hbm>>
      %dma_wait3A_56 = arith.constant 0 : i32
      %dma_wait3A_57 = tpu.memref_slice %dma_wait3A_55[%mul3A_44, %dma_wait3A_56] : memref<10240x128xf32, #tpu.memory_space<hbm>> -> memref<640x128xf32, #tpu.memory_space<hbm>>
      %dma_wait3A_58 = arith.constant 0 : i32
      %dma_wait3A_59 = tpu.memref_slice %arg10[%mul3A_42, %dma_wait3A_58] : memref<10240x128xf32, #tpu.memory_space<vmem_shared>> -> memref<640x128xf32, #tpu.memory_space<vmem_shared>>
      tpu.wait_dma2 semaphore(%run_scoped3A : memref<!tpu.dma_semaphore, #tpu.memory_space<semaphore_mem>>) src(%dma_wait3A_59 : memref<640x128xf32, #tpu.memory_space<vmem_shared>>) dst(%dma_wait3A_57 : memref<640x128xf32, #tpu.memory_space<hbm>>)
      tpu.yield
    }) : () -> ()
    return
  }
}

module attributes {stable_mosaic.version = 14 : i64} {
  func.func @_k2_body(%arg0: i32, %arg1: memref<1000x256xf32, #tpu.memory_space<vmem>>, %arg2: memref<256x512xf32, #tpu.memory_space<vmem>>, %arg3: memref<1x1000x128xf32, #tpu.memory_space<vmem>>, %arg4: memref<1x1000x128xf32, #tpu.memory_space<vmem>>, %arg5: memref<4x1000x128xf32, #tpu.memory_space<vmem>>, %arg6: memref<1000x1xf32, #tpu.memory_space<vmem>>) attributes {dimension_semantics = [#tpu.dimension_semantics<arbitrary>], iteration_bounds = array<i64: 10>, scalar_prefetch = 0 : i64, scratch_operands = 0 : i64, tpu.core_type = #tpu.core_type<tc>, window_params = [{transform_indices = @transform_0, window_bounds = array<i64: 1000, 256>}, {pipeline_mode = #tpu.pipeline_mode<synchronous>, transform_indices = @transform_1, window_bounds = array<i64: 256, 512>}, {transform_indices = @transform_2, window_bounds = array<i64: 1, 1000, 128>}, {transform_indices = @transform_3, window_bounds = array<i64: 1, 1000, 128>}, {transform_indices = @transform_4, window_bounds = array<i64: 4, 1000, 128>}, {transform_indices = @transform_5, window_bounds = array<i64: 1000, 1>}]} {
    %get3A = arith.constant 0 : index
    %get3A_0 = arith.constant 0 : index
    %get3A_1 = vector.load %arg1[%get3A, %get3A_0] : memref<1000x256xf32, #tpu.memory_space<vmem>>, vector<1000x256xf32>
    %get3A_2 = arith.constant 0 : index
    %get3A_3 = arith.constant 0 : index
    %get3A_4 = vector.load %arg2[%get3A_2, %get3A_3] : memref<256x512xf32, #tpu.memory_space<vmem>>, vector<256x512xf32>
    %dot_general3A = arith.constant dense<0.000000e+00> : vector<1000x512xf32>
    %dot_general3A_5 = tpu.matmul %get3A_1, %get3A_4, %dot_general3A {dimension_numbers = #tpu.dot_dimension_numbers<[1], [0], [0], [1], [0, 0, 1, 1], [], []>, transpose_lhs_hint = false} : vector<1000x256xf32>, vector<256x512xf32>, vector<1000x512xf32> -> vector<1000x512xf32>
    %get3A_6 = arith.constant 0 : index
    %get3A_7 = arith.constant 0 : index
    %get3A_8 = arith.constant 0 : index
    %get3A_9 = vector.load %arg3[%get3A_6, %get3A_7, %get3A_8] : memref<1x1000x128xf32, #tpu.memory_space<vmem>>, vector<1x1000x1xf32>
    %get3A_10 = vector.shape_cast %get3A_9 : vector<1x1000x1xf32> to vector<1000x1xf32>
    %add3A = arith.constant 1.000000e+00 : f32
    %add3A_11 = vector.broadcast %add3A : f32 to vector<1000x1xf32>
    %add3A_12 = arith.addf %add3A_11, %get3A_10 : vector<1000x1xf32>
    %get3A_13 = arith.constant 0 : index
    %get3A_14 = arith.constant 0 : index
    %get3A_15 = arith.constant 0 : index
    %get3A_16 = vector.load %arg4[%get3A_13, %get3A_14, %get3A_15] : memref<1x1000x128xf32, #tpu.memory_space<vmem>>, vector<1x1000x1xf32>
    %get3A_17 = vector.shape_cast %get3A_16 : vector<1x1000x1xf32> to vector<1000x1xf32>
    %add3A_18 = arith.addf %add3A_12, %get3A_17 : vector<1000x1xf32>
    %rsqrt3A = math.rsqrt %add3A_18 : vector<1000x1xf32>
    %mul3A = vector.broadcast %rsqrt3A : vector<1000x1xf32> to vector<1000x512xf32>
    %mul3A_19 = arith.mulf %dot_general3A_5, %mul3A : vector<1000x512xf32>
    %slice3A = vector.extract_strided_slice %mul3A_19 {offsets = [0, 0], sizes = [1000, 128], strides = [1, 1]} : vector<1000x512xf32> to vector<1000x128xf32>
    %swap3A = arith.constant 0 : index
    %swap3A_20 = arith.constant 0 : index
    %swap3A_21 = arith.constant 0 : index
    %swap3A_22 = vector.load %arg5[%swap3A, %swap3A_20, %swap3A_21] : memref<4x1000x128xf32, #tpu.memory_space<vmem>>, vector<1x1000x128xf32>
    %swap3A_23 = vector.shape_cast %swap3A_22 : vector<1x1000x128xf32> to vector<1000x128xf32>
    %swap3A_24 = vector.shape_cast %slice3A : vector<1000x128xf32> to vector<1x1000x128xf32>
    tpu.vector_store %arg5[%swap3A, %swap3A_20, %swap3A_21], %swap3A_24 {strides = array<i32>} : memref<4x1000x128xf32, #tpu.memory_space<vmem>>, vector<1x1000x128xf32>,
    %slice3A_25 = vector.extract_strided_slice %mul3A_19 {offsets = [0, 128], sizes = [1000, 128], strides = [1, 1]} : vector<1000x512xf32> to vector<1000x128xf32>
    %swap3A_26 = arith.constant 1 : index
    %swap3A_27 = arith.constant 0 : index
    %swap3A_28 = arith.constant 0 : index
    %swap3A_29 = vector.load %arg5[%swap3A_26, %swap3A_27, %swap3A_28] : memref<4x1000x128xf32, #tpu.memory_space<vmem>>, vector<1x1000x128xf32>
    %swap3A_30 = vector.shape_cast %swap3A_29 : vector<1x1000x128xf32> to vector<1000x128xf32>
    %swap3A_31 = vector.shape_cast %slice3A_25 : vector<1000x128xf32> to vector<1x1000x128xf32>
    tpu.vector_store %arg5[%swap3A_26, %swap3A_27, %swap3A_28], %swap3A_31 {strides = array<i32>} : memref<4x1000x128xf32, #tpu.memory_space<vmem>>, vector<1x1000x128xf32>,
    %slice3A_32 = vector.extract_strided_slice %mul3A_19 {offsets = [0, 256], sizes = [1000, 128], strides = [1, 1]} : vector<1000x512xf32> to vector<1000x128xf32>
    %swap3A_33 = arith.constant 2 : index
    %swap3A_34 = arith.constant 0 : index
    %swap3A_35 = arith.constant 0 : index
    %swap3A_36 = vector.load %arg5[%swap3A_33, %swap3A_34, %swap3A_35] : memref<4x1000x128xf32, #tpu.memory_space<vmem>>, vector<1x1000x128xf32>
    %swap3A_37 = vector.shape_cast %swap3A_36 : vector<1x1000x128xf32> to vector<1000x128xf32>
    %swap3A_38 = vector.shape_cast %slice3A_32 : vector<1000x128xf32> to vector<1x1000x128xf32>
    tpu.vector_store %arg5[%swap3A_33, %swap3A_34, %swap3A_35], %swap3A_38 {strides = array<i32>} : memref<4x1000x128xf32, #tpu.memory_space<vmem>>, vector<1x1000x128xf32>,
    %slice3A_39 = vector.extract_strided_slice %mul3A_19 {offsets = [0, 384], sizes = [1000, 128], strides = [1, 1]} : vector<1000x512xf32> to vector<1000x128xf32>
    %swap3A_40 = arith.constant 3 : index
    %swap3A_41 = arith.constant 0 : index
    %swap3A_42 = arith.constant 0 : index
    %swap3A_43 = vector.load %arg5[%swap3A_40, %swap3A_41, %swap3A_42] : memref<4x1000x128xf32, #tpu.memory_space<vmem>>, vector<1x1000x128xf32>
    %swap3A_44 = vector.shape_cast %swap3A_43 : vector<1x1000x128xf32> to vector<1000x128xf32>
    %swap3A_45 = vector.shape_cast %slice3A_39 : vector<1000x128xf32> to vector<1x1000x128xf32>
    tpu.vector_store %arg5[%swap3A_40, %swap3A_41, %swap3A_42], %swap3A_45 {strides = array<i32>} : memref<4x1000x128xf32, #tpu.memory_space<vmem>>, vector<1x1000x128xf32>,
    %swap3A_46 = arith.constant 0 : index
    %swap3A_47 = arith.constant 0 : index
    %swap3A_48 = vector.load %arg6[%swap3A_46, %swap3A_47] : memref<1000x1xf32, #tpu.memory_space<vmem>>, vector<1000x1xf32>
    tpu.vector_store %arg6[%swap3A_46, %swap3A_47], %rsqrt3A {strides = array<i32>} : memref<1000x1xf32, #tpu.memory_space<vmem>>, vector<1000x1xf32>,
    return
  }
  func.func @transform_0(%arg0: i32) -> (i32, i32) {
    %c0_i32 = arith.constant 0 : i32
    %c0_i32_0 = arith.constant 0 : i32
    return %arg0, %c0_i32 : i32, i32
  }
  func.func @transform_1(%arg0: i32) -> (i32, i32) {
    %c0_i32 = arith.constant 0 : i32
    %c0_i32_0 = arith.constant 0 : i32
    %c0_i32_1 = arith.constant 0 : i32
    return %c0_i32, %c0_i32_0 : i32, i32
  }
  func.func @transform_2(%arg0: i32) -> (i32, i32, i32) {
    %c0_i32 = arith.constant 0 : i32
    %c0_i32_0 = arith.constant 0 : i32
    %c0_i32_1 = arith.constant 0 : i32
    return %c0_i32, %arg0, %c0_i32_0 : i32, i32, i32
  }
  func.func @transform_3(%arg0: i32) -> (i32, i32, i32) {
    %c1_i32 = arith.constant 1 : i32
    %c0_i32 = arith.constant 0 : i32
    %c0_i32_0 = arith.constant 0 : i32
    return %c1_i32, %arg0, %c0_i32 : i32, i32, i32
  }
  func.func @transform_4(%arg0: i32) -> (i32, i32, i32) {
    %c0_i32 = arith.constant 0 : i32
    %c0_i32_0 = arith.constant 0 : i32
    %c0_i32_1 = arith.constant 0 : i32
    return %c0_i32, %arg0, %c0_i32_0 : i32, i32, i32
  }
  func.func @transform_5(%arg0: i32) -> (i32, i32) {
    %c0_i32 = arith.constant 0 : i32
    %c0_i32_0 = arith.constant 0 : i32
    return %arg0, %c0_i32 : i32, i32
  }
}

module attributes {stable_mosaic.version = 14 : i64} {
  func.func @_k4_body(%arg0: i32, %arg1: memref<4x1000x128xf32, #tpu.memory_space<vmem>>, %arg2: memref<4x1000x128xf32, #tpu.memory_space<vmem>>, %arg3: memref<1000x1xf32, #tpu.memory_space<vmem>>, %arg4: memref<512x128xf32, #tpu.memory_space<vmem>>, %arg5: memref<1x512xf32, #tpu.memory_space<vmem>>, %arg6: memref<2x1000x128xf32, #tpu.memory_space<vmem>>) attributes {dimension_semantics = [#tpu.dimension_semantics<arbitrary>], iteration_bounds = array<i64: 10>, scalar_prefetch = 0 : i64, scratch_operands = 0 : i64, tpu.core_type = #tpu.core_type<tc>, window_params = [{transform_indices = @transform_0, window_bounds = array<i64: 4, 1000, 128>}, {transform_indices = @transform_1, window_bounds = array<i64: 4, 1000, 128>}, {transform_indices = @transform_2, window_bounds = array<i64: 1000, 1>}, {pipeline_mode = #tpu.pipeline_mode<synchronous>, transform_indices = @transform_3, window_bounds = array<i64: 512, 128>}, {pipeline_mode = #tpu.pipeline_mode<synchronous>, transform_indices = @transform_4, window_bounds = array<i64: 1, 512>}, {transform_indices = @transform_5, window_bounds = array<i64: 2, 1000, 128>}]} {
    %get3A = arith.constant 0 : index
    %get3A_0 = arith.constant 0 : index
    %get3A_1 = vector.load %arg3[%get3A, %get3A_0] : memref<1000x1xf32, #tpu.memory_space<vmem>>, vector<1000x1xf32>
    %get3A_2 = arith.constant 0 : index
    %get3A_3 = arith.constant 0 : index
    %get3A_4 = arith.constant 0 : index
    %get3A_5 = vector.load %arg1[%get3A_2, %get3A_3, %get3A_4] : memref<4x1000x128xf32, #tpu.memory_space<vmem>>, vector<1x1000x128xf32>
    %get3A_6 = vector.shape_cast %get3A_5 : vector<1x1000x128xf32> to vector<1000x128xf32>
    %get3A_7 = arith.constant 0 : index
    %get3A_8 = arith.constant 0 : index
    %get3A_9 = arith.constant 0 : index
    %get3A_10 = vector.load %arg2[%get3A_7, %get3A_8, %get3A_9] : memref<4x1000x128xf32, #tpu.memory_space<vmem>>, vector<1x1000x128xf32>
    %get3A_11 = vector.shape_cast %get3A_10 : vector<1x1000x128xf32> to vector<1000x128xf32>
    %add3A = arith.addf %get3A_6, %get3A_11 : vector<1000x128xf32>
    %mul3A = vector.broadcast %get3A_1 : vector<1000x1xf32> to vector<1000x128xf32>
    %mul3A_12 = arith.mulf %add3A, %mul3A : vector<1000x128xf32>
    %get3A_13 = arith.constant 0 : index
    %get3A_14 = arith.constant 0 : index
    %get3A_15 = vector.load %arg5[%get3A_13, %get3A_14] : memref<1x512xf32, #tpu.memory_space<vmem>>, vector<1x128xf32>
    %add3A_16 = vector.broadcast %get3A_15 : vector<1x128xf32> to vector<1000x128xf32>
    %add3A_17 = arith.addf %mul3A_12, %add3A_16 : vector<1000x128xf32>
    %max3A = arith.constant 0.000000e+00 : f32
    %max3A_18 = vector.broadcast %max3A : f32 to vector<1000x128xf32>
    %max3A_19 = arith.maximumf %add3A_17, %max3A_18 : vector<1000x128xf32>
    %get3A_20 = arith.constant 1 : index
    %get3A_21 = arith.constant 0 : index
    %get3A_22 = arith.constant 0 : index
    %get3A_23 = vector.load %arg1[%get3A_20, %get3A_21, %get3A_22] : memref<4x1000x128xf32, #tpu.memory_space<vmem>>, vector<1x1000x128xf32>
    %get3A_24 = vector.shape_cast %get3A_23 : vector<1x1000x128xf32> to vector<1000x128xf32>
    %get3A_25 = arith.constant 1 : index
    %get3A_26 = arith.constant 0 : index
    %get3A_27 = arith.constant 0 : index
    %get3A_28 = vector.load %arg2[%get3A_25, %get3A_26, %get3A_27] : memref<4x1000x128xf32, #tpu.memory_space<vmem>>, vector<1x1000x128xf32>
    %get3A_29 = vector.shape_cast %get3A_28 : vector<1x1000x128xf32> to vector<1000x128xf32>
    %add3A_30 = arith.addf %get3A_24, %get3A_29 : vector<1000x128xf32>
    %mul3A_31 = vector.broadcast %get3A_1 : vector<1000x1xf32> to vector<1000x128xf32>
    %mul3A_32 = arith.mulf %add3A_30, %mul3A_31 : vector<1000x128xf32>
    %get3A_33 = arith.constant 0 : index
    %get3A_34 = arith.constant 128 : index
    %get3A_35 = vector.load %arg5[%get3A_33, %get3A_34] : memref<1x512xf32, #tpu.memory_space<vmem>>, vector<1x128xf32>
    %add3A_36 = vector.broadcast %get3A_35 : vector<1x128xf32> to vector<1000x128xf32>
    %add3A_37 = arith.addf %mul3A_32, %add3A_36 : vector<1000x128xf32>
    %max3A_38 = arith.constant 0.000000e+00 : f32
    %max3A_39 = vector.broadcast %max3A_38 : f32 to vector<1000x128xf32>
    %max3A_40 = arith.maximumf %add3A_37, %max3A_39 : vector<1000x128xf32>
    %get3A_41 = arith.constant 2 : index
    %get3A_42 = arith.constant 0 : index
    %get3A_43 = arith.constant 0 : index
    %get3A_44 = vector.load %arg1[%get3A_41, %get3A_42, %get3A_43] : memref<4x1000x128xf32, #tpu.memory_space<vmem>>, vector<1x1000x128xf32>
    %get3A_45 = vector.shape_cast %get3A_44 : vector<1x1000x128xf32> to vector<1000x128xf32>
    %get3A_46 = arith.constant 2 : index
    %get3A_47 = arith.constant 0 : index
    %get3A_48 = arith.constant 0 : index
    %get3A_49 = vector.load %arg2[%get3A_46, %get3A_47, %get3A_48] : memref<4x1000x128xf32, #tpu.memory_space<vmem>>, vector<1x1000x128xf32>
    %get3A_50 = vector.shape_cast %get3A_49 : vector<1x1000x128xf32> to vector<1000x128xf32>
    %add3A_51 = arith.addf %get3A_45, %get3A_50 : vector<1000x128xf32>
    %mul3A_52 = vector.broadcast %get3A_1 : vector<1000x1xf32> to vector<1000x128xf32>
    %mul3A_53 = arith.mulf %add3A_51, %mul3A_52 : vector<1000x128xf32>
    %get3A_54 = arith.constant 0 : index
    %get3A_55 = arith.constant 256 : index
    %get3A_56 = vector.load %arg5[%get3A_54, %get3A_55] : memref<1x512xf32, #tpu.memory_space<vmem>>, vector<1x128xf32>
    %add3A_57 = vector.broadcast %get3A_56 : vector<1x128xf32> to vector<1000x128xf32>
    %add3A_58 = arith.addf %mul3A_53, %add3A_57 : vector<1000x128xf32>
    %max3A_59 = arith.constant 0.000000e+00 : f32
    %max3A_60 = vector.broadcast %max3A_59 : f32 to vector<1000x128xf32>
    %max3A_61 = arith.maximumf %add3A_58, %max3A_60 : vector<1000x128xf32>
    %get3A_62 = arith.constant 3 : index
    %get3A_63 = arith.constant 0 : index
    %get3A_64 = arith.constant 0 : index
    %get3A_65 = vector.load %arg1[%get3A_62, %get3A_63, %get3A_64] : memref<4x1000x128xf32, #tpu.memory_space<vmem>>, vector<1x1000x128xf32>
    %get3A_66 = vector.shape_cast %get3A_65 : vector<1x1000x128xf32> to vector<1000x128xf32>
    %get3A_67 = arith.constant 3 : index
    %get3A_68 = arith.constant 0 : index
    %get3A_69 = arith.constant 0 : index
    %get3A_70 = vector.load %arg2[%get3A_67, %get3A_68, %get3A_69] : memref<4x1000x128xf32, #tpu.memory_space<vmem>>, vector<1x1000x128xf32>
    %get3A_71 = vector.shape_cast %get3A_70 : vector<1x1000x128xf32> to vector<1000x128xf32>
    %add3A_72 = arith.addf %get3A_66, %get3A_71 : vector<1000x128xf32>
    %mul3A_73 = vector.broadcast %get3A_1 : vector<1000x1xf32> to vector<1000x128xf32>
    %mul3A_74 = arith.mulf %add3A_72, %mul3A_73 : vector<1000x128xf32>
    %get3A_75 = arith.constant 0 : index
    %get3A_76 = arith.constant 384 : index
    %get3A_77 = vector.load %arg5[%get3A_75, %get3A_76] : memref<1x512xf32, #tpu.memory_space<vmem>>, vector<1x128xf32>
    %add3A_78 = vector.broadcast %get3A_77 : vector<1x128xf32> to vector<1000x128xf32>
    %add3A_79 = arith.addf %mul3A_74, %add3A_78 : vector<1000x128xf32>
    %max3A_80 = arith.constant 0.000000e+00 : f32
    %max3A_81 = vector.broadcast %max3A_80 : f32 to vector<1000x128xf32>
    %max3A_82 = arith.maximumf %add3A_79, %max3A_81 : vector<1000x128xf32>
    %concatenate3A = tpu.concatenate %max3A_19, %max3A_40, %max3A_61, %max3A_82 in 1 : vector<1000x128xf32>, vector<1000x128xf32>, vector<1000x128xf32>, vector<1000x128xf32> -> vector<1000x512xf32>
    %get3A_83 = arith.constant 0 : index
    %get3A_84 = arith.constant 0 : index
    %get3A_85 = vector.load %arg4[%get3A_83, %get3A_84] : memref<512x128xf32, #tpu.memory_space<vmem>>, vector<512x128xf32>
    %dot_general3A = arith.constant dense<0.000000e+00> : vector<1000x128xf32>
    %dot_general3A_86 = tpu.matmul %concatenate3A, %get3A_85, %dot_general3A {dimension_numbers = #tpu.dot_dimension_numbers<[1], [0], [0], [1], [0, 0, 1, 1], [], []>, transpose_lhs_hint = false} : vector<1000x512xf32>, vector<512x128xf32>, vector<1000x128xf32> -> vector<1000x128xf32>
    %mul3A_87 = vector.broadcast %get3A_1 : vector<1000x1xf32> to vector<1000x128xf32>
    %mul3A_88 = arith.mulf %dot_general3A_86, %mul3A_87 : vector<1000x128xf32>
    %swap3A = arith.constant 0 : index
    %swap3A_89 = arith.constant 0 : index
    %swap3A_90 = arith.constant 0 : index
    %swap3A_91 = vector.load %arg6[%swap3A, %swap3A_89, %swap3A_90] : memref<2x1000x128xf32, #tpu.memory_space<vmem>>, vector<1x1000x128xf32>
    %swap3A_92 = vector.shape_cast %swap3A_91 : vector<1x1000x128xf32> to vector<1000x128xf32>
    %swap3A_93 = vector.shape_cast %mul3A_88 : vector<1000x128xf32> to vector<1x1000x128xf32>
    tpu.vector_store %arg6[%swap3A, %swap3A_89, %swap3A_90], %swap3A_93 {strides = array<i32>} : memref<2x1000x128xf32, #tpu.memory_space<vmem>>, vector<1x1000x128xf32>,
    %mul3A_94 = vector.broadcast %get3A_1 : vector<1000x1xf32> to vector<1000x128xf32>
    %mul3A_95 = arith.mulf %dot_general3A_86, %mul3A_94 : vector<1000x128xf32>
    %swap3A_96 = arith.constant 1 : index
    %swap3A_97 = arith.constant 0 : index
    %swap3A_98 = arith.constant 0 : index
    %swap3A_99 = vector.load %arg6[%swap3A_96, %swap3A_97, %swap3A_98] : memref<2x1000x128xf32, #tpu.memory_space<vmem>>, vector<1x1000x128xf32>
    %swap3A_100 = vector.shape_cast %swap3A_99 : vector<1x1000x128xf32> to vector<1000x128xf32>
    %swap3A_101 = vector.shape_cast %mul3A_95 : vector<1000x128xf32> to vector<1x1000x128xf32>
    tpu.vector_store %arg6[%swap3A_96, %swap3A_97, %swap3A_98], %swap3A_101 {strides = array<i32>} : memref<2x1000x128xf32, #tpu.memory_space<vmem>>, vector<1x1000x128xf32>,
    return
  }
  func.func @transform_0(%arg0: i32) -> (i32, i32, i32) {
    %c0_i32 = arith.constant 0 : i32
    %c0_i32_0 = arith.constant 0 : i32
    %c0_i32_1 = arith.constant 0 : i32
    return %c0_i32, %arg0, %c0_i32_0 : i32, i32, i32
  }
  func.func @transform_1(%arg0: i32) -> (i32, i32, i32) {
    %c0_i32 = arith.constant 0 : i32
    %c0_i32_0 = arith.constant 0 : i32
    %c0_i32_1 = arith.constant 0 : i32
    return %c0_i32, %arg0, %c0_i32_0 : i32, i32, i32
  }
  func.func @transform_2(%arg0: i32) -> (i32, i32) {
    %c0_i32 = arith.constant 0 : i32
    %c0_i32_0 = arith.constant 0 : i32
    return %arg0, %c0_i32 : i32, i32
  }
  func.func @transform_3(%arg0: i32) -> (i32, i32) {
    %c0_i32 = arith.constant 0 : i32
    %c0_i32_0 = arith.constant 0 : i32
    %c0_i32_1 = arith.constant 0 : i32
    return %c0_i32, %c0_i32_0 : i32, i32
  }
  func.func @transform_4(%arg0: i32) -> (i32, i32) {
    %c0_i32 = arith.constant 0 : i32
    %c0_i32_0 = arith.constant 0 : i32
    %c0_i32_1 = arith.constant 0 : i32
    return %c0_i32, %c0_i32_0 : i32, i32
  }
  func.func @transform_5(%arg0: i32) -> (i32, i32, i32) {
    %c0_i32 = arith.constant 0 : i32
    %c0_i32_0 = arith.constant 0 : i32
    %c0_i32_1 = arith.constant 0 : i32
    return %c0_i32, %arg0, %c0_i32_0 : i32, i32, i32
  }
}

module attributes {stable_mosaic.version = 14 : i64} {
  func.func @_k6_body(%arg0: i32, %arg1: memref<1x1000x128xf32, #tpu.memory_space<vmem>>, %arg2: memref<1x1000x128xf32, #tpu.memory_space<vmem>>, %arg3: memref<1x1000x128xf32, #tpu.memory_space<vmem>>, %arg4: memref<1000x1xf32, #tpu.memory_space<vmem>>, %arg5: memref<1x128xf32, #tpu.memory_space<vmem>>, %arg6: memref<1000x1xf32, #tpu.memory_space<vmem>>, %arg7: memref<1000x1xf32, #tpu.memory_space<vmem>>) attributes {dimension_semantics = [#tpu.dimension_semantics<arbitrary>], iteration_bounds = array<i64: 10>, scalar_prefetch = 0 : i64, scratch_operands = 0 : i64, tpu.core_type = #tpu.core_type<tc>, window_params = [{transform_indices = @transform_0, window_bounds = array<i64: 1, 1000, 128>}, {transform_indices = @transform_1, window_bounds = array<i64: 1, 1000, 128>}, {transform_indices = @transform_2, window_bounds = array<i64: 1, 1000, 128>}, {transform_indices = @transform_3, window_bounds = array<i64: 1000, 1>}, {pipeline_mode = #tpu.pipeline_mode<synchronous>, transform_indices = @transform_4, window_bounds = array<i64: 1, 128>}, {transform_indices = @transform_5, window_bounds = array<i64: 1000, 1>}, {transform_indices = @transform_6, window_bounds = array<i64: 1000, 1>}]} {
    %get3A = arith.constant 0 : index
    %get3A_0 = arith.constant 0 : index
    %get3A_1 = arith.constant 0 : index
    %get3A_2 = vector.load %arg1[%get3A, %get3A_0, %get3A_1] : memref<1x1000x128xf32, #tpu.memory_space<vmem>>, vector<1x1000x128xf32>
    %get3A_3 = vector.shape_cast %get3A_2 : vector<1x1000x128xf32> to vector<1000x128xf32>
    %get3A_4 = arith.constant 0 : index
    %get3A_5 = arith.constant 0 : index
    %get3A_6 = arith.constant 0 : index
    %get3A_7 = vector.load %arg2[%get3A_4, %get3A_5, %get3A_6] : memref<1x1000x128xf32, #tpu.memory_space<vmem>>, vector<1x1000x128xf32>
    %get3A_8 = vector.shape_cast %get3A_7 : vector<1x1000x128xf32> to vector<1000x128xf32>
    %add3A = arith.addf %get3A_3, %get3A_8 : vector<1000x128xf32>
    %get3A_9 = arith.constant 0 : index
    %get3A_10 = arith.constant 0 : index
    %get3A_11 = arith.constant 0 : index
    %get3A_12 = vector.load %arg3[%get3A_9, %get3A_10, %get3A_11] : memref<1x1000x128xf32, #tpu.memory_space<vmem>>, vector<1x1000x128xf32>
    %get3A_13 = vector.shape_cast %get3A_12 : vector<1x1000x128xf32> to vector<1000x128xf32>
    %add3A_14 = arith.addf %add3A, %get3A_13 : vector<1000x128xf32>
    %get3A_15 = arith.constant 0 : index
    %get3A_16 = arith.constant 0 : index
    %get3A_17 = vector.load %arg4[%get3A_15, %get3A_16] : memref<1000x1xf32, #tpu.memory_space<vmem>>, vector<1000x1xf32>
    %mul3A = vector.broadcast %get3A_17 : vector<1000x1xf32> to vector<1000x128xf32>
    %mul3A_18 = arith.mulf %add3A_14, %mul3A : vector<1000x128xf32>
    %get3A_19 = arith.constant 0 : index
    %get3A_20 = arith.constant 0 : index
    %get3A_21 = vector.load %arg5[%get3A_19, %get3A_20] : memref<1x128xf32, #tpu.memory_space<vmem>>, vector<1x128xf32>
    %add3A_22 = vector.broadcast %get3A_21 : vector<1x128xf32> to vector<1000x128xf32>
    %add3A_23 = arith.addf %mul3A_18, %add3A_22 : vector<1000x128xf32>
    %slice3A = vector.extract_strided_slice %add3A_23 {offsets = [0, 0], sizes = [1000, 1], strides = [1, 1]} : vector<1000x128xf32> to vector<1000x1xf32>
    %swap3A = arith.constant 0 : index
    %swap3A_24 = arith.constant 0 : index
    %swap3A_25 = vector.load %arg6[%swap3A, %swap3A_24] : memref<1000x1xf32, #tpu.memory_space<vmem>>, vector<1000x1xf32>
    tpu.vector_store %arg6[%swap3A, %swap3A_24], %slice3A {strides = array<i32>} : memref<1000x1xf32, #tpu.memory_space<vmem>>, vector<1000x1xf32>,
    %slice3A_26 = vector.extract_strided_slice %add3A_23 {offsets = [0, 1], sizes = [1000, 1], strides = [1, 1]} : vector<1000x128xf32> to vector<1000x1xf32>
    %swap3A_27 = arith.constant 0 : index
    %swap3A_28 = arith.constant 0 : index
    %swap3A_29 = vector.load %arg7[%swap3A_27, %swap3A_28] : memref<1000x1xf32, #tpu.memory_space<vmem>>, vector<1000x1xf32>
    tpu.vector_store %arg7[%swap3A_27, %swap3A_28], %slice3A_26 {strides = array<i32>} : memref<1000x1xf32, #tpu.memory_space<vmem>>, vector<1000x1xf32>,
    return
  }
  func.func @transform_0(%arg0: i32) -> (i32, i32, i32) {
    %c0_i32 = arith.constant 0 : i32
    %c0_i32_0 = arith.constant 0 : i32
    %c0_i32_1 = arith.constant 0 : i32
    return %c0_i32, %arg0, %c0_i32_0 : i32, i32, i32
  }
  func.func @transform_1(%arg0: i32) -> (i32, i32, i32) {
    %c1_i32 = arith.constant 1 : i32
    %c0_i32 = arith.constant 0 : i32
    %c0_i32_0 = arith.constant 0 : i32
    return %c1_i32, %arg0, %c0_i32 : i32, i32, i32
  }
  func.func @transform_2(%arg0: i32) -> (i32, i32, i32) {
    %c0_i32 = arith.constant 0 : i32
    %c0_i32_0 = arith.constant 0 : i32
    %c0_i32_1 = arith.constant 0 : i32
    return %c0_i32, %arg0, %c0_i32_0 : i32, i32, i32
  }
  func.func @transform_3(%arg0: i32) -> (i32, i32) {
    %c0_i32 = arith.constant 0 : i32
    %c0_i32_0 = arith.constant 0 : i32
    return %arg0, %c0_i32 : i32, i32
  }
  func.func @transform_4(%arg0: i32) -> (i32, i32) {
    %c0_i32 = arith.constant 0 : i32
    %c0_i32_0 = arith.constant 0 : i32
    %c0_i32_1 = arith.constant 0 : i32
    return %c0_i32, %c0_i32_0 : i32, i32
  }
  func.func @transform_5(%arg0: i32) -> (i32, i32) {
    %c0_i32 = arith.constant 0 : i32
    %c0_i32_0 = arith.constant 0 : i32
    return %arg0, %c0_i32 : i32, i32
  }
  func.func @transform_6(%arg0: i32) -> (i32, i32) {
    %c0_i32 = arith.constant 0 : i32
    %c0_i32_0 = arith.constant 0 : i32
    return %arg0, %c0_i32 : i32, i32
  }
}

</mosaic_0001>

<sc_bundles>
// kernel: kernel.11.cloned.1.call-start
scs
__scs_entry_jumppad:
0x0: {  	(pc) =	sbr.rel $0x88, $3  }
0x1: {  	(tag) =	ssettag $0x0;
	lr =	simm.s32 $0x1  }
0x2: {  	[smem:$0x3F97] =	sst lr;
	_ =	strace $0xD0000000  }
0x3: {  	_ = 	snop  }
0x4: {  	_ = 	snop  }
0x5: {  	_ = 	snop  }
0x6: {  	_ = 	snop  }
0x7: {  	_ = 	snop  }
__scs_overlays_trampoline_lowered:
0x8: {  	[smem:$0x3FA6] =	sst s0  }
0x9: {  	[smem:$0x3FA7] =	sst s1  }
0xa: {  	[smem:$0x3FA8] =	sst s2  }
0xb: {  	[smem:$0x3FA9] =	sst s3  }
0xc: {  	[smem:$0x3FAA] =	sst s4  }
0xd: {  	[smem:$0x3FAB] =	sst s5  }
0xe: {  	[smem:$0x3FAC] =	sst s6  }
0xf: {  	[smem:$0x3FAD] =	sst s7  }
0x10: {  	[smem:$0x3FAE] =	sst s8  }
0x11: {  	[smem:$0x3FAF] =	sst s9;
	s0 =	simm.s32 @!p0 $0x0  }
0x12: {  	s1 =	sld [smem:$0x3F95];
	s0 =	simm.s32 @p0 $0x1  }
0x13: {  	[smem:$0x3FB0] =	sst s0;
	s0 =	simm.s32 @!p1 $0x0  }
0x14: {  	s2 =	sld [smem:$0x3F94];
	s0 =	simm.s32 @p1 $0x1  }
0x15: {  	[smem:$0x3FB1] =	sst s0;
	s0 =	simm.s32 @!p2 $0x0  }
0x16: {  	s3 =	sld [smem:$0x3FDB];
	s0 =	simm.s32 @p2 $0x1  }
0x17: {  	s4 =	simm.s32 $0x1BF5;
	[smem:$0x3FB3] =	sst s0  }
0x18: {  	s0 =	sld [smem:$0x3F96];
	_ =	swait.ge [sflag:s4], $0x0  }
0x19: {  	s7 =	sld [smem:$0x3F97]  }
0x1a: {  	s8 =	sadd.s32 $0xFFFFE003, lr  }
0x1b: {  	s9 =	sadd.s32 $0xFFFFFEF7, lr;
	s5 =	simm.s32 $0xFFFFFFFF;
	p2 =	slt.u32 s8, $0xFFFFF086  }
0x1c: {  	p1 =	slt.u32 s9, $0xF7A;
	s5 =	simm.s32 @!p2 $0x0  }
0x1d: {  	s5 =	simm.s32 @p1 $0x1;
	p0 =	seq.s32 s7, s2  }
0x1e: {  	s7 =	smul.u32 @!p0 $0xF7A, s2;
	p2 =	seq.s32 @!p0 s5, $0x0  }
0x1f: {  	s9 =	smul.u32 $0xF7A, s1;
	s8 =	simm.s32 @!p0 $0x1BF5;
	p2 =	por !p2, p0  }
0x20: {  	[sflag:s8] =	ssyncset.s32 @!p0 $0xFFFFF086;
	s6 =	sadd.s32 @!p0 s3, s7;
	s7 =	simm.s32 @!p0 $0x108  }
0x21: {  	s3 =	sadd.s32 s3, s9;
	s6 =	sadd.s32 @!p0 $0x88, s6;
	s7 =	simm.s32 @p2 $0x1082  }
0x22: {  	[simem:s7], [sflag:s8] =	dma.local @!p0 [hbm:s6], $0xF7A  }
0x23: {  	s9 =	sor.u32 $0xD0000000, s2;
	s6 =	simm.s32 $0x108;
	_ =	swait.ge @!p0 [sflag:s8], $0x0  }
0x24: {  	s3 =	sadd.s32 $0x88, s3;
	s6 =	simm.s32 @!p1 $0x1082;
	[sflag:s4] =	ssyncset.s32 $0xFFFFF086  }
0x25: {  	[simem:s6], [sflag:s4] =	dma.local [hbm:s3], $0xF7A  }
0x26: {  	[smem:$0x3F97] =	sst s1;
	(tag) =	ssettag s2;
	_ =	strace s9  }
0x27: {  	s1 =	sld [smem:$0x3FA7]  }
0x28: {  	s2 =	sld [smem:$0x3FA8]  }
0x29: {  	s4 =	sld [smem:$0x3FAA]  }
0x2a: {  	p0 =	seq.s32 s5, $0x0;
	s5 =	sld [smem:$0x3FAB]  }
0x2b: {  	s6 =	sld [smem:$0x3FAC]  }
0x2c: {  	s7 =	sld [smem:$0x3FAD]  }
0x2d: {  	s3 =	simm.s32 $0x108;
	s8 =	sld [smem:$0x3FAE]  }
0x2e: {  	s3 =	simm.s32 @!p0 $0x1082;
	s9 =	sld [smem:$0x3FAF]  }
0x2f: {  	lr =	sadd.s32 s0, s3;
	s0 =	sld [smem:$0x3FA6]  }
0x30: {  	s3 =	sld [smem:$0x3FA9]  }
0x31: {  	[smem:$0x3FB2] =	sst s10  }
0x32: {  	s10 =	sld [smem:$0x3FB0];
	_ =	sdelay $0x3  }
0x33: {  	p0 =	seq.s32 s10, $0x1;
	s10 =	sld [smem:$0x3FB2];
	_ =	sdelay $0x3  }
0x34: {  	[smem:$0x3FB2] =	sst s10  }
0x35: {  	s10 =	sld [smem:$0x3FB1];
	_ =	sdelay $0x3  }
0x36: {  	p1 =	seq.s32 s10, $0x1;
	s10 =	sld [smem:$0x3FB2];
	_ =	sdelay $0x3  }
0x37: {  	[smem:$0x3FB2] =	sst s10  }
0x38: {  	s10 =	sld [smem:$0x3FB3]  }
0x39: {  	_ = 	snop;
	(pc) =	sbr.ind lr, $3  }
0x3a: {  	_ = 	snop  }
0x3b: {  	_ = 	snop  }
0x3c: {  	p2 =	seq.s32 s10, $0x1;
	s10 =	sld [smem:$0x3FB2]  }
0x3d: {  	_ =	shalt  }
0x3e: {  	_ =	shalt  }
0x3f: {  	_ =	shalt  }
0x40: {  	_ =	shalt  }
0x41: {  	_ =	shalt  }
0x42: {  	_ =	shalt  }
0x43: {  	_ =	shalt  }
0x44: {  	_ =	shalt  }
0x45: {  	_ =	shalt  }
0x46: {  	_ =	shalt  }
0x47: {  	_ =	shalt  }
0x48: {  	_ =	shalt  }
0x49: {  	_ =	shalt  }
0x4a: {  	_ =	shalt  }
0x4b: {  	_ =	shalt  }
0x4c: {  	_ =	shalt  }
0x4d: {  	_ =	shalt  }
0x4e: {  	_ =	shalt  }
0x4f: {  	_ =	shalt  }
0x50: {  	_ =	shalt  }
0x51: {  	_ =	shalt  }
0x52: {  	_ =	shalt  }
0x53: {  	_ =	shalt  }
0x54: {  	_ =	shalt  }
0x55: {  	_ =	shalt  }
0x56: {  	_ =	shalt  }
0x57: {  	_ =	shalt  }
0x58: {  	_ =	shalt  }
0x59: {  	_ =	shalt  }
0x5a: {  	_ =	shalt  }
0x5b: {  	_ =	shalt  }
0x5c: {  	_ =	shalt  }
0x5d: {  	_ =	shalt  }
0x5e: {  	_ =	shalt  }
0x5f: {  	_ =	shalt  }
0x60: {  	_ =	shalt  }
0x61: {  	_ =	shalt  }
0x62: {  	_ =	shalt  }
0x63: {  	_ =	shalt  }
0x64: {  	_ =	shalt  }
0x65: {  	_ =	shalt  }
0x66: {  	_ =	shalt  }
0x67: {  	_ =	shalt  }
0x68: {  	_ =	shalt  }
0x69: {  	_ =	shalt  }
0x6a: {  	_ =	shalt  }
0x6b: {  	_ =	shalt  }
0x6c: {  	_ =	shalt  }
0x6d: {  	_ =	shalt  }
0x6e: {  	_ =	shalt  }
0x6f: {  	_ =	shalt  }
0x70: {  	_ =	shalt  }
0x71: {  	_ =	shalt  }
0x72: {  	_ =	shalt  }
0x73: {  	_ =	shalt  }
0x74: {  	_ =	shalt  }
0x75: {  	_ =	shalt  }
0x76: {  	_ =	shalt  }
0x77: {  	_ =	shalt  }
0x78: {  	_ =	shalt  }
0x79: {  	_ =	shalt  }
0x7a: {  	_ =	shalt  }
0x7b: {  	_ =	shalt  }
0x7c: {  	_ =	shalt  }
0x7d: {  	_ =	shalt  }
0x7e: {  	_ =	shalt  }
0x7f: {  	_ =	shalt  }
0x80: {  	_ =	shalt  }
0x81: {  	_ =	shalt  }
0x82: {  	_ =	shalt  }
0x83: {  	_ =	shalt  }
0x84: {  	_ =	shalt  }
0x85: {  	_ =	shalt  }
0x86: {  	_ =	shalt  }
0x87: {  	_ =	shalt  }
.Lfunc_end0:
.L_simem_size_0:
called_computation.1_lowered:
.L_overlay_start_0:
0x88: {  	s2 =	sld [smem:$0x3FD9]  }
0x89: {  	s3 =	sld [smem:$0x3FFE];
	_ =	sdelay $0x1  }
0x8a: {  	s1 =	srdreg.scid  }
0x8b: {  	s0 =	sand.u32 $0x1, s1  }
0x8c: {  	s16 =	sshll.u32 s0, $0xA;
	s2 =	sadd.s32 s3, s2  }
0x8d: {  	s2 =	sadd.s32 s2, s16  }
0x8e: {  	[smem:$0x3FBE] =	sst s2  }
0x8f: {  	_ = 	snop  }
0x90: {  	(tm) =	ssettm $0x1  }
0x91: {  	s17 =	sld [smem:$0x3FFB];
	_ =	sdelay $0x3  }
0x92: {  	_ =	strace s17  }
0x93: {  	s2 =	sld [smem:$0x3FFC];
	_ =	sdelay $0x3  }
0x94: {  	_ =	strace s2  }
0x95: {  	s2 =	sld [smem:$0x3FFD];
	_ =	sdelay $0x3  }
0x96: {  	_ =	strace s2  }
0x97: {  	_ =	strace $0x8FFFFFFF  }
0x98: {  	s18 =	sld [smem:$0x3FDB];
	_ =	sdelay $0x1  }
0x99: {  	s19 =	simm.s32 $_scs_section_size  }
0x9a: {  	s4 =	simm.s32 $_size__tile_overlayer_lowered;
	s5 =	simm.s32 $_tile_overlayer_lowered  }
0x9b: {  	s22 =	simm.s32 $0x1BFF;
	s21 =	sshll.u32 s5, $0x1;
	s2 =	sadd.s32 s19, s18  }
0x9c: {  	s6 =	simm.s32 $0x0;
	s20 =	sshll.u32 s4, $0x1;
	s4 =	sadd.s32 s21, s2  }
0x9d: {  	[timem:s6], [sflag:s22] =	dma.local [hbm:s4], s20  }
0x9e: {  	_ =	swait.ge [sflag:s22], s20  }
0x9f: {  	s3 =	ssub.s32 $0x0, s20;
	[sflag:s22] =	ssyncset.done $0x0  }
0xa0: {  	[sflag:s22] =	ssyncadd.s32 s3;
	_ =	sdelay $0x1  }
0xa1: {  	s23 =	simm.s32 $0x1B8B  }
0xa2: {  	_ =	swait.ge [sflag:s23], $0x1  }
0xa3: {  	[sflag:s23] =	ssyncset.done $0x0  }
0xa4: {  	s25 =	simm.s32 $0x1B8E;
	s24 =	sld [smem:$0x3FFE];
	[sflag:s23] =	ssyncadd.s32 $0xFFFFFFFF  }
0xa5: {  	s26 =	simm.s32 $execute0_lowered;
	[smem:$0x3FD2] =	sst s25  }
0xa6: {  	s4 =	sshll.u32 s26, $0x1;
	_ =	strace $0x80000049;
	[dreg:$0x1] =	wrdreg $0xFFFFFFFF  }
0xa7: {  	s28 =	simm.s32 $_size_execute0_lowered;
	s2 =	sadd.s32 s2, s4;
	[dreg:$0x0] =	wrdreg $0x0  }
0xa8: {  	s4 =	sshll.u32 s28, $0x1;
	[dreg:$0x2] =	wrdreg s2  }
0xa9: {  	[dreg:$0x3] =	wrdreg s4  }
0xaa: {  	[dreg:$0x4] =	wrdreg $0xC0  }
0xab: {  	_ =	task [dreg:s6], $0x5FFFF  }
0xac: {  	[dreg:$0x1] =	wrdreg $0xFFFFFFFF  }
0xad: {  	[dreg:$0x0] =	wrdreg $0x60  }
0xae: {  	[dreg:$0x2] =	wrdreg s24  }
0xaf: {  	[dreg:$0x3] =	wrdreg $0xA8000  }
0xb0: {  	[dreg:$0x4] =	wrdreg $0x9  }
0xb1: {  	_ =	task.clear_ibuf [dreg:s6], $0x5FFFF;
	_ =	strace $0x90000049  }
0xb2: {  	s29 =	simm.s32 $0x9;
	_ =	strace $0x8000004B  }
0xb3: {  	_ =	swait.ge [sflag:s29], $0x1  }
0xb4: {  	[sflag:s29] =	ssyncadd.s32 $0xFFFFFFFF  }
0xb5: {  	_ =	strace $0x9000004B  }
0xb6: {  	_ =	sfence  }
0xb7: {  	s30 =	sld [smem:$0x0];
	_ =	sdelay $0x2  }
0xb8: {  	s31 =	sshll.u32 s1, $0xD;
	s1 =	sshrl.u32 s1, $0x2  }
0xb9: {  	s3 =	sand.u32 $0x4000, s31;
	s1 =	sadd.s32 s1, s30  }
0xba: {  	s0 =	sor.u32 s3, s0;
	s1 =	sshll.u32 s1, $0x11  }
0xbb: {  	s0 =	sor.u32 s1, s0  }
0xbc: {  	s0 =	sadd.s32 $0x8F2B, s0  }
0xbd: {  	[sflag:s0] =	ssyncadd.remote.s32 $0x1  }
0xbe: {  	_ =	sfence.sel $0xFFFF  }
0xbf: {  	[dreg:$0x0] =	wrdreg $0xFFFFFFFF;
	(pc) =	sbr.abs _section_cstart, $3  }
0xc0: {  	[dreg:$0x1] =	wrdreg $0xFFFFFFFF  }
0xc1: {  	_ =	task.clear_ibuf [dreg:s6], $0x2FFFF;
	_ =	strace $0x9FFFFFFF  }
0xc2: {  	(tm) =	ssettm $0x7FFFFFFF  }
0xc3: {  	_ =	shalt  }
tec
execute0_lowered:
.L_overlay_start_1:
0x0: {  	(tag) =	ssettag $0x1  }
0x1: {  	s5 =	rddreg [dreg:$0x0]  }
0x2: {  	s1 =	rddreg [dreg:$0x1]  }
0x3: {  	s0 =	rddreg [dreg:$0x2]  }
0x4: {  	s2 =	simm.s32 $0x0;
	s4 =	srdreg.scid;
	s3 =	stileid.u32  }
0x5: {  	s18 =	simm.s32 $0x6800;
	s19 =	simm.s32 $0x1;
	s20 =	simm.s32 $0x2  }
0x6: {  	s21 =	simm.s32 $0x3;
	s22 =	simm.s32 $0x4;
	s28 =	simm.s32 $0x0  }
0x7: {  	[smem:$0x7FF] =	sst s2;
	s11 =	sadd.s32 $0x5F600, s5;
	s9 =	sadd.s32 $0x7600, s5  }
0x8: {  	s10 =	sadd.s32 $0x2600, s5;
	s6 =	sand.u32 $0x1, s4;
	s8 =	smul.u32 $0x50000, s3  }
0x9: {  	s4 =	sadd.s32 $0xCE00, s5;
	s12 =	sadd.s32 $0xFF600, s5;
	s13 =	smul.u32 $0x500, s3  }
0xa: {  	s26 =	sshll.u32 s3, $0x6;
	_ =	strace $0x8000004A;
	s16 =	smul.u32 $0x50000, s6  }
0xb: {  	s7 =	ssub.s32 $0x2, s6;
	s5 =	sor.u32 $0x1C05, s26;
	s17 =	smul.u32 $0x280000, s6  }
0xc: {  	s26 =	simm.s32 $0x2780;
	s24 =	sshrl.u32 s7, $0x1;
	s25 =	sshrl.u32 s8, $0x2  }
0xd: {  	s6 =	sadd.s32 s9, s13;
	s14 =	ssub.s32 s7, s24;
	s24 =	smul.u32 $0x2800, s3  }
0xe: {  	s15 =	sadd.s32 s25, s1;
	s7 =	sadd.s32 s10, s13;
	s8 =	sadd.s32 s11, s16  }
0xf: {  	s17 =	sshrl.u32 s17, $0x3;
	s23 =	sadd.s32 s12, s16;
	s16 =	simm.s32 $0x80  }
0x10: {  	s31 =	sadd.s32 $0x28000, s17;
	s13 =	sshrl.u32 s15, $0x3;
	s15 =	simm.s32 $0x1400  }
0x11: {  	s17 =	simm.s32 $0x2800;
	s29 =	sshrl.u32 s24, $0x3;
	s11 =	sadd.s32 s11, s31  }
0x12: {  	s25 =	sadd.s32 s12, s31;
	s12 =	smax.u32 s14, $0x1;
	s14 =	simm.s32 $0x5  }
0x13: {  	s23 =	sadd.s32 s24, s23;
	s30 =	sadd.s32 $0x280, s29;
	s24 =	sadd.s32 s24, s25  }
0x14: {  	s25 =	simm.s32 $0x2700;
	s9 =	sadd.s32 s9, s30;
	s10 =	sadd.s32 s10, s30  }
.LBB2_1:
0x15: {  	[spmem:s13], [sflag:s5] =	dma.local [hbm:s4], $0x2800  }
0x16: {  	_ =	swait.ge [sflag:s14], $0x2800  }
0x17: {  	[sflag:s14] =	ssyncset.done $0x0  }
0x18: {  	[sflag:s14] =	ssyncadd.s32 $0xFFFFD800  }
0x19: {  	[bflag:$0x0] =	sbarrier.arrive $0xFFFF  }
0x1a: {  	[tilespmem:s2], [sflag:$0x5] =	stream.linear.gather [hbm4b:s6+s2], $0x1400, $0x38;
	[tilespmem:$0x1E800] =	vst v63  }
0x1b: {  	_ =	swait.ge [sflag:s14], $0x1400  }
0x1c: {  	[sflag:s14] =	ssyncset.done $0x0  }
0x1d: {  	[sflag:s14] =	ssyncadd.s32 $0xFFFFEC00  }
0x1e: {  	[tilespmem:s15], [sflag:$0x5] =	stream.linear.gather [hbm4b:s7+s2], $0x1400, $0x38;
	[tilespmem:$0x1E800] =	vst v63  }
0x1f: {  	_ =	swait.ge [sflag:s14], $0x1400  }
0x20: {  	[sflag:s14] =	ssyncset.done $0x0  }
0x21: {  	[sflag:s14] =	ssyncadd.s32 $0xFFFFEC00  }
0x22: {  	[tilespmem:s17], [sflag:$0x1] =	stream.indirect.gather [hbm4b:s8+s16], $0x80, s2, s16, $0xb8;
	[tilespmem:$0x1E800] =	vst v63  }
0x23: {  	_ = 	snop  }
0x24: {  	[tilespmem:s18], [sflag:$0x2] =	stream.indirect.gather [hbm4b:s8+s16], $0x80, s16, s16, $0xb8;
	[tilespmem:$0x1E800] =	vst v63  }
0x25: {  	_ =	swait.ge [sflag:s19], $0x4000  }
0x26: {  	[sflag:s19] =	ssyncset.done $0x0  }
0x27: {  	s29 =	simm.s32 $0x1400;
	[sflag:s19] =	ssyncadd.s32 $0xFFFFC000  }
0x28: {  	[spmem:s1] =	stream.indirect.scatter.add.f32 [tilespmem:s17], [sflag:$0x3], $0x80, s29, s16, $0xb8;
	[tilespmem:$0x1E800] =	vst v63  }
0x29: {  	_ =	swait.ge [sflag:s20], $0x4000  }
0x2a: {  	[sflag:s20] =	ssyncset.done $0x0  }
0x2b: {  	s29 =	simm.s32 $0x1480;
	[sflag:s20] =	ssyncadd.s32 $0xFFFFC000  }
0x2c: {  	[spmem:s1] =	stream.indirect.scatter.add.f32 [tilespmem:s18], [sflag:$0x4], $0x80, s29, s16, $0xb8;
	[tilespmem:$0x1E800] =	vst v63  }
0x2d: {  	_ =	swait.ge [sflag:s21], $0x4000  }
0x2e: {  	[sflag:s21] =	ssyncset.done $0x0  }
0x2f: {  	s29 =	simm.s32 $0x100;
	[sflag:s21] =	ssyncadd.s32 $0xFFFFC000  }
0x30: {  	[tilespmem:s17], [sflag:$0x1] =	stream.indirect.gather [hbm4b:s8+s16], $0x80, s29, s16, $0xb8;
	[tilespmem:$0x1E800] =	vst v63  }
0x31: {  	_ =	swait.ge [sflag:s22], $0x4000  }
0x32: {  	[sflag:s22] =	ssyncset.done $0x0  }
0x33: {  	s30 =	simm.s32 $0x180;
	s29 =	simm.s32 $0x400;
	[sflag:s22] =	ssyncadd.s32 $0xFFFFC000  }
.LBB2_2:
0x34: {  	[tilespmem:s18], [sflag:$0x2] =	stream.indirect.gather [hbm4b:s8+s16], $0x80, s30, s16, $0xb8;
	[tilespmem:$0x1E800] =	vst v63  }
0x35: {  	s30 =	smov.u32 s29  }
0x36: {  	p0 =	sne.s32 s29, $0x4800;
	s29 =	sadd.s32 $0x400, s29;
	_ =	swait.ge [sflag:s19], $0x4000  }
0x37: {  	s30 =	sshra.s32 s30, $0x2;
	[sflag:s19] =	ssyncset.done $0x0  }
0x38: {  	s31 =	sadd.s32 $0x1400, s30;
	[sflag:s19] =	ssyncadd.s32 $0xFFFFC000  }
0x39: {  	[spmem:s1] =	stream.indirect.scatter.add.f32 [tilespmem:s17], [sflag:$0x3], $0x80, s31, s16, $0xb8;
	[tilespmem:$0x1E800] =	vst v63  }
0x3a: {  	_ =	swait.ge [sflag:s20], $0x4000  }
0x3b: {  	[sflag:s20] =	ssyncset.done $0x0  }
0x3c: {  	s31 =	sadd.s32 $0x1480, s30;
	[sflag:s20] =	ssyncadd.s32 $0xFFFFC000  }
0x3d: {  	[spmem:s1] =	stream.indirect.scatter.add.f32 [tilespmem:s18], [sflag:$0x4], $0x80, s31, s16, $0xb8;
	[tilespmem:$0x1E800] =	vst v63  }
0x3e: {  	_ =	swait.ge [sflag:s21], $0x4000  }
0x3f: {  	[sflag:s21] =	ssyncset.done $0x0  }
.Ltmp0:
0x40: {  	s31 =	sadd.s32 $0x100, s30;
	[sflag:s21] =	ssyncadd.s32 $0xFFFFC000;
	(pc) =	sbr.rel @p0 .LBB2_2-.Ltmp0, $4  }
0x41: {  	[tilespmem:s17], [sflag:$0x1] =	stream.indirect.gather [hbm4b:s8+s16], $0x80, s31, s16, $0xb8;
	[tilespmem:$0x1E800] =	vst v63  }
0x42: {  	_ =	swait.ge [sflag:s22], $0x4000  }
0x43: {  	[sflag:s22] =	ssyncset.done $0x0  }
0x44: {  	s30 =	sadd.s32 $0x180, s30;
	[sflag:s22] =	ssyncadd.s32 $0xFFFFC000  }
0x45: {  	[tilespmem:s18], [sflag:$0x2] =	stream.indirect.gather [hbm4b:s8+s16], $0x80, s30, s16, $0xb8;
	[tilespmem:$0x1E800] =	vst v63  }
0x46: {  	_ =	swait.ge [sflag:s19], $0x4000  }
0x47: {  	[sflag:s19] =	ssyncset.done $0x0  }
0x48: {  	[sflag:s19] =	ssyncadd.s32 $0xFFFFC000  }
0x49: {  	[spmem:s1] =	stream.indirect.scatter.add.f32 [tilespmem:s17], [sflag:$0x3], $0x80, s25, s16, $0xb8;
	[tilespmem:$0x1E800] =	vst v63  }
0x4a: {  	_ =	swait.ge [sflag:s20], $0x4000  }
0x4b: {  	[sflag:s20] =	ssyncset.done $0x0  }
0x4c: {  	[sflag:s20] =	ssyncadd.s32 $0xFFFFC000  }
0x4d: {  	[spmem:s1] =	stream.indirect.scatter.add.f32 [tilespmem:s18], [sflag:$0x4], $0x80, s26, s16, $0xb8;
	[tilespmem:$0x1E800] =	vst v63  }
0x4e: {  	_ =	swait.ge [sflag:s21], $0x4000  }
0x4f: {  	[sflag:s21] =	ssyncset.done $0x0  }
0x50: {  	[sflag:s21] =	ssyncadd.s32 $0xFFFFC000  }
0x51: {  	_ =	swait.ge [sflag:s22], $0x4000  }
0x52: {  	[sflag:s22] =	ssyncset.done $0x0  }
0x53: {  	s29 =	simm.s32 $0x0;
	[sflag:s22] =	ssyncadd.s32 $0xFFFFC000  }
0x54: {  	[tilespmem:s29], [sflag:$0x5] =	stream.linear.gather [hbm4b:s9+s29], $0x1400, $0x38;
	[tilespmem:$0x1E800] =	vst v63  }
0x55: {  	_ =	swait.ge [sflag:s14], $0x1400  }
0x56: {  	[sflag:s14] =	ssyncset.done $0x0  }
0x57: {  	[sflag:s14] =	ssyncadd.s32 $0xFFFFEC00  }
0x58: {  	[tilespmem:s15], [sflag:$0x5] =	stream.linear.gather [hbm4b:s10+s29], $0x1400, $0x38;
	[tilespmem:$0x1E800] =	vst v63  }
0x59: {  	_ =	swait.ge [sflag:s14], $0x1400  }
0x5a: {  	[sflag:s14] =	ssyncset.done $0x0  }
0x5b: {  	[sflag:s14] =	ssyncadd.s32 $0xFFFFEC00  }
0x5c: {  	[tilespmem:s17], [sflag:$0x1] =	stream.indirect.gather [hbm4b:s8+s16], $0x80, s29, s16, $0xb8;
	[tilespmem:$0x1E800] =	vst v63  }
0x5d: {  	_ = 	snop  }
0x5e: {  	[tilespmem:s18], [sflag:$0x2] =	stream.indirect.gather [hbm4b:s8+s16], $0x80, s16, s16, $0xb8;
	[tilespmem:$0x1E800] =	vst v63  }
0x5f: {  	_ =	swait.ge [sflag:s19], $0x4000  }
0x60: {  	[sflag:s19] =	ssyncset.done $0x0  }
0x61: {  	s29 =	simm.s32 $0x1400;
	[sflag:s19] =	ssyncadd.s32 $0xFFFFC000  }
0x62: {  	[spmem:s1] =	stream.indirect.scatter.add.f32 [tilespmem:s17], [sflag:$0x3], $0x80, s29, s16, $0xb8;
	[tilespmem:$0x1E800] =	vst v63  }
0x63: {  	_ =	swait.ge [sflag:s20], $0x4000  }
0x64: {  	[sflag:s20] =	ssyncset.done $0x0  }
0x65: {  	s29 =	simm.s32 $0x1480;
	[sflag:s20] =	ssyncadd.s32 $0xFFFFC000  }
0x66: {  	[spmem:s1] =	stream.indirect.scatter.add.f32 [tilespmem:s18], [sflag:$0x4], $0x80, s29, s16, $0xb8;
	[tilespmem:$0x1E800] =	vst v63  }
0x67: {  	_ =	swait.ge [sflag:s21], $0x4000  }
0x68: {  	[sflag:s21] =	ssyncset.done $0x0  }
0x69: {  	s29 =	simm.s32 $0x100;
	[sflag:s21] =	ssyncadd.s32 $0xFFFFC000  }
0x6a: {  	[tilespmem:s17], [sflag:$0x1] =	stream.indirect.gather [hbm4b:s8+s16], $0x80, s29, s16, $0xb8;
	[tilespmem:$0x1E800] =	vst v63  }
0x6b: {  	_ =	swait.ge [sflag:s22], $0x4000  }
0x6c: {  	[sflag:s22] =	ssyncset.done $0x0  }
0x6d: {  	s30 =	simm.s32 $0x180;
	s29 =	simm.s32 $0x400;
	[sflag:s22] =	ssyncadd.s32 $0xFFFFC000  }
.LBB2_4:
0x6e: {  	[tilespmem:s18], [sflag:$0x2] =	stream.indirect.gather [hbm4b:s8+s16], $0x80, s30, s16, $0xb8;
	[tilespmem:$0x1E800] =	vst v63  }
0x6f: {  	s30 =	smov.u32 s29  }
0x70: {  	p0 =	sne.s32 s29, $0x4800;
	s29 =	sadd.s32 $0x400, s29;
	_ =	swait.ge [sflag:s19], $0x4000  }
0x71: {  	s30 =	sshra.s32 s30, $0x2;
	[sflag:s19] =	ssyncset.done $0x0  }
0x72: {  	s31 =	sadd.s32 $0x1400, s30;
	[sflag:s19] =	ssyncadd.s32 $0xFFFFC000  }
0x73: {  	[spmem:s1] =	stream.indirect.scatter.add.f32 [tilespmem:s17], [sflag:$0x3], $0x80, s31, s16, $0xb8;
	[tilespmem:$0x1E800] =	vst v63  }
0x74: {  	_ =	swait.ge [sflag:s20], $0x4000  }
0x75: {  	[sflag:s20] =	ssyncset.done $0x0  }
0x76: {  	s31 =	sadd.s32 $0x1480, s30;
	[sflag:s20] =	ssyncadd.s32 $0xFFFFC000  }
0x77: {  	[spmem:s1] =	stream.indirect.scatter.add.f32 [tilespmem:s18], [sflag:$0x4], $0x80, s31, s16, $0xb8;
	[tilespmem:$0x1E800] =	vst v63  }
0x78: {  	_ =	swait.ge [sflag:s21], $0x4000  }
0x79: {  	[sflag:s21] =	ssyncset.done $0x0  }
.Ltmp1:
0x7a: {  	s31 =	sadd.s32 $0x100, s30;
	[sflag:s21] =	ssyncadd.s32 $0xFFFFC000;
	(pc) =	sbr.rel @p0 .LBB2_4-.Ltmp1, $4  }
0x7b: {  	[tilespmem:s17], [sflag:$0x1] =	stream.indirect.gather [hbm4b:s8+s16], $0x80, s31, s16, $0xb8;
	[tilespmem:$0x1E800] =	vst v63  }
0x7c: {  	_ =	swait.ge [sflag:s22], $0x4000  }
0x7d: {  	[sflag:s22] =	ssyncset.done $0x0  }
0x7e: {  	s30 =	sadd.s32 $0x180, s30;
	[sflag:s22] =	ssyncadd.s32 $0xFFFFC000  }
0x7f: {  	[tilespmem:s18], [sflag:$0x2] =	stream.indirect.gather [hbm4b:s8+s16], $0x80, s30, s16, $0xb8;
	[tilespmem:$0x1E800] =	vst v63  }
0x80: {  	_ =	swait.ge [sflag:s19], $0x4000  }
0x81: {  	[sflag:s19] =	ssyncset.done $0x0  }
0x82: {  	[sflag:s19] =	ssyncadd.s32 $0xFFFFC000  }
0x83: {  	[spmem:s1] =	stream.indirect.scatter.add.f32 [tilespmem:s17], [sflag:$0x3], $0x80, s25, s16, $0xb8;
	[tilespmem:$0x1E800] =	vst v63  }
0x84: {  	_ =	swait.ge [sflag:s20], $0x4000  }
0x85: {  	[sflag:s20] =	ssyncset.done $0x0  }
0x86: {  	[sflag:s20] =	ssyncadd.s32 $0xFFFFC000  }
0x87: {  	[spmem:s1] =	stream.indirect.scatter.add.f32 [tilespmem:s18], [sflag:$0x4], $0x80, s26, s16, $0xb8;
	[tilespmem:$0x1E800] =	vst v63  }
0x88: {  	_ =	swait.ge [sflag:s21], $0x4000  }
0x89: {  	[sflag:s21] =	ssyncset.done $0x0  }
0x8a: {  	[sflag:s21] =	ssyncadd.s32 $0xFFFFC000  }
0x8b: {  	_ =	swait.ge [sflag:s22], $0x4000  }
0x8c: {  	[sflag:s22] =	ssyncset.done $0x0  }
0x8d: {  	[sflag:s22] =	ssyncadd.s32 $0xFFFFC000  }
0x8e: {  	[bflag:$0x0] =	sbarrier.arrive $0xFFFF  }
0x8f: {  	[hbm:s23], [sflag:s5] =	dma.local [spmem:s13], $0x2800  }
0x90: {  	_ =	swait.ge [sflag:s14], $0x2800  }
0x91: {  	[sflag:s14] =	ssyncset.done $0x0  }
0x92: {  	[sflag:s14] =	ssyncadd.s32 $0xFFFFD800  }
0x93: {  	[bflag:$0x0] =	sbarrier.arrive $0xFFFF  }
0x94: {  	[spmem:s13], [sflag:s5] =	dma.local [hbm:s4], $0x2800  }
0x95: {  	_ =	swait.ge [sflag:s14], $0x2800  }
0x96: {  	[sflag:s14] =	ssyncset.done $0x0  }
0x97: {  	[sflag:s14] =	ssyncadd.s32 $0xFFFFD800  }
0x98: {  	s29 =	simm.s32 $0x0;
	[bflag:$0x0] =	sbarrier.arrive $0xFFFF  }
0x99: {  	[tilespmem:s29], [sflag:$0x5] =	stream.linear.gather [hbm4b:s6+s29], $0x1400, $0x38;
	[tilespmem:$0x1E800] =	vst v63  }
0x9a: {  	_ =	swait.ge [sflag:s14], $0x1400  }
0x9b: {  	[sflag:s14] =	ssyncset.done $0x0  }
0x9c: {  	[sflag:s14] =	ssyncadd.s32 $0xFFFFEC00  }
0x9d: {  	[tilespmem:s15], [sflag:$0x5] =	stream.linear.gather [hbm4b:s7+s29], $0x1400, $0x38;
	[tilespmem:$0x1E800] =	vst v63  }
0x9e: {  	_ =	swait.ge [sflag:s14], $0x1400  }
0x9f: {  	[sflag:s14] =	ssyncset.done $0x0  }
0xa0: {  	[sflag:s14] =	ssyncadd.s32 $0xFFFFEC00  }
0xa1: {  	[tilespmem:s17], [sflag:$0x1] =	stream.indirect.gather [hbm4b:s11+s16], $0x80, s29, s16, $0xb8;
	[tilespmem:$0x1E800] =	vst v63  }
0xa2: {  	_ = 	snop  }
0xa3: {  	[tilespmem:s18], [sflag:$0x2] =	stream.indirect.gather [hbm4b:s11+s16], $0x80, s16, s16, $0xb8;
	[tilespmem:$0x1E800] =	vst v63  }
0xa4: {  	_ =	swait.ge [sflag:s19], $0x4000  }
0xa5: {  	[sflag:s19] =	ssyncset.done $0x0  }
0xa6: {  	s29 =	simm.s32 $0x1400;
	[sflag:s19] =	ssyncadd.s32 $0xFFFFC000  }
0xa7: {  	[spmem:s1] =	stream.indirect.scatter.add.f32 [tilespmem:s17], [sflag:$0x3], $0x80, s29, s16, $0xb8;
	[tilespmem:$0x1E800] =	vst v63  }
0xa8: {  	_ =	swait.ge [sflag:s20], $0x4000  }
0xa9: {  	[sflag:s20] =	ssyncset.done $0x0  }
0xaa: {  	s29 =	simm.s32 $0x1480;
	[sflag:s20] =	ssyncadd.s32 $0xFFFFC000  }
0xab: {  	[spmem:s1] =	stream.indirect.scatter.add.f32 [tilespmem:s18], [sflag:$0x4], $0x80, s29, s16, $0xb8;
	[tilespmem:$0x1E800] =	vst v63  }
0xac: {  	_ =	swait.ge [sflag:s21], $0x4000  }
0xad: {  	[sflag:s21] =	ssyncset.done $0x0  }
0xae: {  	s29 =	simm.s32 $0x100;
	[sflag:s21] =	ssyncadd.s32 $0xFFFFC000  }
0xaf: {  	[tilespmem:s17], [sflag:$0x1] =	stream.indirect.gather [hbm4b:s11+s16], $0x80, s29, s16, $0xb8;
	[tilespmem:$0x1E800] =	vst v63  }
0xb0: {  	_ =	swait.ge [sflag:s22], $0x4000  }
0xb1: {  	[sflag:s22] =	ssyncset.done $0x0  }
0xb2: {  	s30 =	simm.s32 $0x180;
	s29 =	simm.s32 $0x400;
	[sflag:s22] =	ssyncadd.s32 $0xFFFFC000  }
.LBB2_6:
0xb3: {  	[tilespmem:s18], [sflag:$0x2] =	stream.indirect.gather [hbm4b:s11+s16], $0x80, s30, s16, $0xb8;
	[tilespmem:$0x1E800] =	vst v63  }
0xb4: {  	s30 =	smov.u32 s29  }
0xb5: {  	p0 =	sne.s32 s29, $0x4800;
	s29 =	sadd.s32 $0x400, s29;
	_ =	swait.ge [sflag:s19], $0x4000  }
0xb6: {  	s30 =	sshra.s32 s30, $0x2;
	[sflag:s19] =	ssyncset.done $0x0  }
0xb7: {  	s31 =	sadd.s32 $0x1400, s30;
	[sflag:s19] =	ssyncadd.s32 $0xFFFFC000  }
0xb8: {  	[spmem:s1] =	stream.indirect.scatter.add.f32 [tilespmem:s17], [sflag:$0x3], $0x80, s31, s16, $0xb8;
	[tilespmem:$0x1E800] =	vst v63  }
0xb9: {  	_ =	swait.ge [sflag:s20], $0x4000  }
0xba: {  	[sflag:s20] =	ssyncset.done $0x0  }
0xbb: {  	s31 =	sadd.s32 $0x1480, s30;
	[sflag:s20] =	ssyncadd.s32 $0xFFFFC000  }
0xbc: {  	[spmem:s1] =	stream.indirect.scatter.add.f32 [tilespmem:s18], [sflag:$0x4], $0x80, s31, s16, $0xb8;
	[tilespmem:$0x1E800] =	vst v63  }
0xbd: {  	_ =	swait.ge [sflag:s21], $0x4000  }
0xbe: {  	[sflag:s21] =	ssyncset.done $0x0  }
.Ltmp2:
0xbf: {  	s31 =	sadd.s32 $0x100, s30;
	[sflag:s21] =	ssyncadd.s32 $0xFFFFC000;
	(pc) =	sbr.rel @p0 .LBB2_6-.Ltmp2, $4  }
0xc0: {  	[tilespmem:s17], [sflag:$0x1] =	stream.indirect.gather [hbm4b:s11+s16], $0x80, s31, s16, $0xb8;
	[tilespmem:$0x1E800] =	vst v63  }
0xc1: {  	_ =	swait.ge [sflag:s22], $0x4000  }
0xc2: {  	[sflag:s22] =	ssyncset.done $0x0  }
0xc3: {  	s30 =	sadd.s32 $0x180, s30;
	[sflag:s22] =	ssyncadd.s32 $0xFFFFC000  }
0xc4: {  	[tilespmem:s18], [sflag:$0x2] =	stream.indirect.gather [hbm4b:s11+s16], $0x80, s30, s16, $0xb8;
	[tilespmem:$0x1E800] =	vst v63  }
0xc5: {  	_ =	swait.ge [sflag:s19], $0x4000  }
0xc6: {  	[sflag:s19] =	ssyncset.done $0x0  }
0xc7: {  	[sflag:s19] =	ssyncadd.s32 $0xFFFFC000  }
0xc8: {  	[spmem:s1] =	stream.indirect.scatter.add.f32 [tilespmem:s17], [sflag:$0x3], $0x80, s25, s16, $0xb8;
	[tilespmem:$0x1E800] =	vst v63  }
0xc9: {  	_ =	swait.ge [sflag:s20], $0x4000  }
0xca: {  	[sflag:s20] =	ssyncset.done $0x0  }
0xcb: {  	[sflag:s20] =	ssyncadd.s32 $0xFFFFC000  }
0xcc: {  	[spmem:s1] =	stream.indirect.scatter.add.f32 [tilespmem:s18], [sflag:$0x4], $0x80, s26, s16, $0xb8;
	[tilespmem:$0x1E800] =	vst v63  }
0xcd: {  	_ =	swait.ge [sflag:s21], $0x4000  }
0xce: {  	[sflag:s21] =	ssyncset.done $0x0  }
0xcf: {  	[sflag:s21] =	ssyncadd.s32 $0xFFFFC000  }
0xd0: {  	_ =	swait.ge [sflag:s22], $0x4000  }
0xd1: {  	[sflag:s22] =	ssyncset.done $0x0  }
0xd2: {  	s29 =	simm.s32 $0x0;
	[sflag:s22] =	ssyncadd.s32 $0xFFFFC000  }
0xd3: {  	[tilespmem:s29], [sflag:$0x5] =	stream.linear.gather [hbm4b:s9+s29], $0x1400, $0x38;
	[tilespmem:$0x1E800] =	vst v63  }
0xd4: {  	_ =	swait.ge [sflag:s14], $0x1400  }
0xd5: {  	[sflag:s14] =	ssyncset.done $0x0  }
0xd6: {  	[sflag:s14] =	ssyncadd.s32 $0xFFFFEC00  }
0xd7: {  	[tilespmem:s15], [sflag:$0x5] =	stream.linear.gather [hbm4b:s10+s29], $0x1400, $0x38;
	[tilespmem:$0x1E800] =	vst v63  }
0xd8: {  	_ =	swait.ge [sflag:s14], $0x1400  }
0xd9: {  	[sflag:s14] =	ssyncset.done $0x0  }
0xda: {  	[sflag:s14] =	ssyncadd.s32 $0xFFFFEC00  }
0xdb: {  	[tilespmem:s17], [sflag:$0x1] =	stream.indirect.gather [hbm4b:s11+s16], $0x80, s29, s16, $0xb8;
	[tilespmem:$0x1E800] =	vst v63  }
0xdc: {  	_ = 	snop  }
0xdd: {  	[tilespmem:s18], [sflag:$0x2] =	stream.indirect.gather [hbm4b:s11+s16], $0x80, s16, s16, $0xb8;
	[tilespmem:$0x1E800] =	vst v63  }
0xde: {  	_ =	swait.ge [sflag:s19], $0x4000  }
0xdf: {  	[sflag:s19] =	ssyncset.done $0x0  }
0xe0: {  	s29 =	simm.s32 $0x1400;
	[sflag:s19] =	ssyncadd.s32 $0xFFFFC000  }
0xe1: {  	[spmem:s1] =	stream.indirect.scatter.add.f32 [tilespmem:s17], [sflag:$0x3], $0x80, s29, s16, $0xb8;
	[tilespmem:$0x1E800] =	vst v63  }
0xe2: {  	_ =	swait.ge [sflag:s20], $0x4000  }
0xe3: {  	[sflag:s20] =	ssyncset.done $0x0  }
0xe4: {  	s29 =	simm.s32 $0x1480;
	[sflag:s20] =	ssyncadd.s32 $0xFFFFC000  }
0xe5: {  	[spmem:s1] =	stream.indirect.scatter.add.f32 [tilespmem:s18], [sflag:$0x4], $0x80, s29, s16, $0xb8;
	[tilespmem:$0x1E800] =	vst v63  }
0xe6: {  	_ =	swait.ge [sflag:s21], $0x4000  }
0xe7: {  	[sflag:s21] =	ssyncset.done $0x0  }
0xe8: {  	s29 =	simm.s32 $0x100;
	[sflag:s21] =	ssyncadd.s32 $0xFFFFC000  }
0xe9: {  	[tilespmem:s17], [sflag:$0x1] =	stream.indirect.gather [hbm4b:s11+s16], $0x80, s29, s16, $0xb8;
	[tilespmem:$0x1E800] =	vst v63  }
0xea: {  	_ =	swait.ge [sflag:s22], $0x4000  }
0xeb: {  	[sflag:s22] =	ssyncset.done $0x0  }
0xec: {  	s30 =	simm.s32 $0x180;
	s29 =	simm.s32 $0x400;
	[sflag:s22] =	ssyncadd.s32 $0xFFFFC000  }
.LBB2_8:
0xed: {  	[tilespmem:s18], [sflag:$0x2] =	stream.indirect.gather [hbm4b:s11+s16], $0x80, s30, s16, $0xb8;
	[tilespmem:$0x1E800] =	vst v63  }
0xee: {  	s30 =	smov.u32 s29  }
0xef: {  	p0 =	sne.s32 s29, $0x4800;
	s29 =	sadd.s32 $0x400, s29;
	_ =	swait.ge [sflag:s19], $0x4000  }
0xf0: {  	s30 =	sshra.s32 s30, $0x2;
	[sflag:s19] =	ssyncset.done $0x0  }
0xf1: {  	s31 =	sadd.s32 $0x1400, s30;
	[sflag:s19] =	ssyncadd.s32 $0xFFFFC000  }
0xf2: {  	[spmem:s1] =	stream.indirect.scatter.add.f32 [tilespmem:s17], [sflag:$0x3], $0x80, s31, s16, $0xb8;
	[tilespmem:$0x1E800] =	vst v63  }
0xf3: {  	_ =	swait.ge [sflag:s20], $0x4000  }
0xf4: {  	[sflag:s20] =	ssyncset.done $0x0  }
0xf5: {  	s31 =	sadd.s32 $0x1480, s30;
	[sflag:s20] =	ssyncadd.s32 $0xFFFFC000  }
0xf6: {  	[spmem:s1] =	stream.indirect.scatter.add.f32 [tilespmem:s18], [sflag:$0x4], $0x80, s31, s16, $0xb8;
	[tilespmem:$0x1E800] =	vst v63  }
0xf7: {  	_ =	swait.ge [sflag:s21], $0x4000  }
0xf8: {  	[sflag:s21] =	ssyncset.done $0x0  }
.Ltmp3:
0xf9: {  	s31 =	sadd.s32 $0x100, s30;
	[sflag:s21] =	ssyncadd.s32 $0xFFFFC000;
	(pc) =	sbr.rel @p0 .LBB2_8-.Ltmp3, $4  }
0xfa: {  	[tilespmem:s17], [sflag:$0x1] =	stream.indirect.gather [hbm4b:s11+s16], $0x80, s31, s16, $0xb8;
	[tilespmem:$0x1E800] =	vst v63  }
0xfb: {  	_ =	swait.ge [sflag:s22], $0x4000  }
0xfc: {  	[sflag:s22] =	ssyncset.done $0x0  }
0xfd: {  	s30 =	sadd.s32 $0x180, s30;
	[sflag:s22] =	ssyncadd.s32 $0xFFFFC000  }
0xfe: {  	[tilespmem:s18], [sflag:$0x2] =	stream.indirect.gather [hbm4b:s11+s16], $0x80, s30, s16, $0xb8;
	[tilespmem:$0x1E800] =	vst v63  }
0xff: {  	_ =	swait.ge [sflag:s19], $0x4000  }
0x100: {  	[sflag:s19] =	ssyncset.done $0x0  }
0x101: {  	[sflag:s19] =	ssyncadd.s32 $0xFFFFC000  }
0x102: {  	[spmem:s1] =	stream.indirect.scatter.add.f32 [tilespmem:s17], [sflag:$0x3], $0x80, s25, s16, $0xb8;
	[tilespmem:$0x1E800] =	vst v63  }
0x103: {  	_ =	swait.ge [sflag:s20], $0x4000  }
0x104: {  	[sflag:s20] =	ssyncset.done $0x0  }
0x105: {  	[sflag:s20] =	ssyncadd.s32 $0xFFFFC000  }
0x106: {  	[spmem:s1] =	stream.indirect.scatter.add.f32 [tilespmem:s18], [sflag:$0x4], $0x80, s26, s16, $0xb8;
	[tilespmem:$0x1E800] =	vst v63  }
0x107: {  	_ =	swait.ge [sflag:s21], $0x4000  }
0x108: {  	[sflag:s21] =	ssyncset.done $0x0  }
0x109: {  	[sflag:s21] =	ssyncadd.s32 $0xFFFFC000  }
0x10a: {  	_ =	swait.ge [sflag:s22], $0x4000  }
0x10b: {  	[sflag:s22] =	ssyncset.done $0x0  }
0x10c: {  	s28 =	sadd.s32 $0x1, s28;
	[sflag:s22] =	ssyncadd.s32 $0xFFFFC000  }
0x10d: {  	p0 =	sne.s32 s28, s12;
	[bflag:$0x0] =	sbarrier.arrive $0xFFFF  }
0x10e: {  	[hbm:s24], [sflag:s5] =	dma.local [spmem:s13], $0x2800  }
.Ltmp4:
0x10f: {  	_ =	swait.ge [sflag:s14], $0x2800;
	(pc) =	sbr.rel @p0 .LBB2_1-.Ltmp4, $3  }
0x110: {  	[sflag:s14] =	ssyncset.done $0x0  }
0x111: {  	[sflag:s14] =	ssyncadd.s32 $0xFFFFD800  }
0x112: {  	[bflag:$0x0] =	sbarrier.arrive $0xFFFF;
	_ =	sdelay $0x1  }
0x113: {  	_ =	sfence.sel $0x180000  }
0x114: {  	[bflag:$0x0] =	sbarrier.arrive $0xFFFF  }
0x115: {  	p0 =	sne.s32 s3, $0x0;
	_ =	strace $0x9000004A  }
0x116: {  	s0 =	sadd.s32 @!p0 $0x100000, s0;
	[bflag:$0x2] =	sbarrier.arrive $0xFFFF  }
0x117: {  	[sflag:s0] =	ssyncadd.tile.s32 @!p0 $0x1;
	_ =	shalt  }
.Lfunc_end2:
_tile_overlayer_lowered:
.L_overlay_start_2:
0x118: {  	(tag) =	ssettag $0x2  }
0x119: {  	s0 =	rddreg [dreg:$0x0];
	s2 =	stileid.u32  }
0x11a: {  	s1 =	rddreg [dreg:$0x1];
	p0 =	sne.s32 s2, $0x0  }
0x11b: {  	s3 =	rddreg [dreg:$0x2];
	[bflag:$0x3] =	sbarrier.arrive $0xFFFF;
	s2 =	simm.s32 @!p0 $0x1C05  }
0x11c: {  	[timem:s3], [sflag:s2] =	dma.local @!p0 [hbm:s0], s1  }
0x11d: {  	s0 =	simm.s32 @!p0 $0x5  }
0x11e: {  	_ =	swait.ge @!p0 [sflag:s0], s1  }
0x11f: {  	s1 =	ssub.s32 @!p0 $0x0, s1;
	[sflag:s0] =	ssyncset.done @!p0 $0x0  }
0x120: {  	[sflag:s0] =	ssyncadd.s32 @!p0 s1  }
0x121: {  	[bflag:$0x3] =	sbarrier.arrive $0xFFFF  }
0x122: {  	_ =	shalt  }

// kernel: kernel.14.cloned.1.call-start
scs
__scs_entry_jumppad:
0x0: {  	(pc) =	sbr.rel $0x88, $3  }
0x1: {  	(tag) =	ssettag $0x0;
	lr =	simm.s32 $0x1  }
0x2: {  	[smem:$0x3F97] =	sst lr;
	_ =	strace $0xD0000000  }
0x3: {  	_ = 	snop  }
0x4: {  	_ = 	snop  }
0x5: {  	_ = 	snop  }
0x6: {  	_ = 	snop  }
0x7: {  	_ = 	snop  }
__scs_overlays_trampoline_lowered:
0x8: {  	[smem:$0x3FA6] =	sst s0  }
0x9: {  	[smem:$0x3FA7] =	sst s1  }
0xa: {  	[smem:$0x3FA8] =	sst s2  }
0xb: {  	[smem:$0x3FA9] =	sst s3  }
0xc: {  	[smem:$0x3FAA] =	sst s4  }
0xd: {  	[smem:$0x3FAB] =	sst s5  }
0xe: {  	[smem:$0x3FAC] =	sst s6  }
0xf: {  	[smem:$0x3FAD] =	sst s7  }
0x10: {  	[smem:$0x3FAE] =	sst s8  }
0x11: {  	[smem:$0x3FAF] =	sst s9;
	s0 =	simm.s32 @!p0 $0x0  }
0x12: {  	s1 =	sld [smem:$0x3F95];
	s0 =	simm.s32 @p0 $0x1  }
0x13: {  	[smem:$0x3FB0] =	sst s0;
	s0 =	simm.s32 @!p1 $0x0  }
0x14: {  	s2 =	sld [smem:$0x3F94];
	s0 =	simm.s32 @p1 $0x1  }
0x15: {  	[smem:$0x3FB1] =	sst s0;
	s0 =	simm.s32 @!p2 $0x0  }
0x16: {  	s3 =	sld [smem:$0x3FDB];
	s0 =	simm.s32 @p2 $0x1  }
0x17: {  	s4 =	simm.s32 $0x1BF5;
	[smem:$0x3FB3] =	sst s0  }
0x18: {  	s0 =	sld [smem:$0x3F96];
	_ =	swait.ge [sflag:s4], $0x0  }
0x19: {  	s7 =	sld [smem:$0x3F97]  }
0x1a: {  	s8 =	sadd.s32 $0xFFFFE003, lr  }
0x1b: {  	s9 =	sadd.s32 $0xFFFFFEF7, lr;
	s5 =	simm.s32 $0xFFFFFFFF;
	p2 =	slt.u32 s8, $0xFFFFF086  }
0x1c: {  	p1 =	slt.u32 s9, $0xF7A;
	s5 =	simm.s32 @!p2 $0x0  }
0x1d: {  	s5 =	simm.s32 @p1 $0x1;
	p0 =	seq.s32 s7, s2  }
0x1e: {  	s7 =	smul.u32 @!p0 $0xF7A, s2;
	p2 =	seq.s32 @!p0 s5, $0x0  }
0x1f: {  	s9 =	smul.u32 $0xF7A, s1;
	s8 =	simm.s32 @!p0 $0x1BF5;
	p2 =	por !p2, p0  }
0x20: {  	[sflag:s8] =	ssyncset.s32 @!p0 $0xFFFFF086;
	s6 =	sadd.s32 @!p0 s3, s7;
	s7 =	simm.s32 @!p0 $0x108  }
0x21: {  	s3 =	sadd.s32 s3, s9;
	s6 =	sadd.s32 @!p0 $0x88, s6;
	s7 =	simm.s32 @p2 $0x1082  }
0x22: {  	[simem:s7], [sflag:s8] =	dma.local @!p0 [hbm:s6], $0xF7A  }
0x23: {  	s9 =	sor.u32 $0xD0000000, s2;
	s6 =	simm.s32 $0x108;
	_ =	swait.ge @!p0 [sflag:s8], $0x0  }
0x24: {  	s3 =	sadd.s32 $0x88, s3;
	s6 =	simm.s32 @!p1 $0x1082;
	[sflag:s4] =	ssyncset.s32 $0xFFFFF086  }
0x25: {  	[simem:s6], [sflag:s4] =	dma.local [hbm:s3], $0xF7A  }
0x26: {  	[smem:$0x3F97] =	sst s1;
	(tag) =	ssettag s2;
	_ =	strace s9  }
0x27: {  	s1 =	sld [smem:$0x3FA7]  }
0x28: {  	s2 =	sld [smem:$0x3FA8]  }
0x29: {  	s4 =	sld [smem:$0x3FAA]  }
0x2a: {  	p0 =	seq.s32 s5, $0x0;
	s5 =	sld [smem:$0x3FAB]  }
0x2b: {  	s6 =	sld [smem:$0x3FAC]  }
0x2c: {  	s7 =	sld [smem:$0x3FAD]  }
0x2d: {  	s3 =	simm.s32 $0x108;
	s8 =	sld [smem:$0x3FAE]  }
0x2e: {  	s3 =	simm.s32 @!p0 $0x1082;
	s9 =	sld [smem:$0x3FAF]  }
0x2f: {  	lr =	sadd.s32 s0, s3;
	s0 =	sld [smem:$0x3FA6]  }
0x30: {  	s3 =	sld [smem:$0x3FA9]  }
0x31: {  	[smem:$0x3FB2] =	sst s10  }
0x32: {  	s10 =	sld [smem:$0x3FB0];
	_ =	sdelay $0x3  }
0x33: {  	p0 =	seq.s32 s10, $0x1;
	s10 =	sld [smem:$0x3FB2];
	_ =	sdelay $0x3  }
0x34: {  	[smem:$0x3FB2] =	sst s10  }
0x35: {  	s10 =	sld [smem:$0x3FB1];
	_ =	sdelay $0x3  }
0x36: {  	p1 =	seq.s32 s10, $0x1;
	s10 =	sld [smem:$0x3FB2];
	_ =	sdelay $0x3  }
0x37: {  	[smem:$0x3FB2] =	sst s10  }
0x38: {  	s10 =	sld [smem:$0x3FB3]  }
0x39: {  	_ = 	snop;
	(pc) =	sbr.ind lr, $3  }
0x3a: {  	_ = 	snop  }
0x3b: {  	_ = 	snop  }
0x3c: {  	p2 =	seq.s32 s10, $0x1;
	s10 =	sld [smem:$0x3FB2]  }
0x3d: {  	_ =	shalt  }
0x3e: {  	_ =	shalt  }
0x3f: {  	_ =	shalt  }
0x40: {  	_ =	shalt  }
0x41: {  	_ =	shalt  }
0x42: {  	_ =	shalt  }
0x43: {  	_ =	shalt  }
0x44: {  	_ =	shalt  }
0x45: {  	_ =	shalt  }
0x46: {  	_ =	shalt  }
0x47: {  	_ =	shalt  }
0x48: {  	_ =	shalt  }
0x49: {  	_ =	shalt  }
0x4a: {  	_ =	shalt  }
0x4b: {  	_ =	shalt  }
0x4c: {  	_ =	shalt  }
0x4d: {  	_ =	shalt  }
0x4e: {  	_ =	shalt  }
0x4f: {  	_ =	shalt  }
0x50: {  	_ =	shalt  }
0x51: {  	_ =	shalt  }
0x52: {  	_ =	shalt  }
0x53: {  	_ =	shalt  }
0x54: {  	_ =	shalt  }
0x55: {  	_ =	shalt  }
0x56: {  	_ =	shalt  }
0x57: {  	_ =	shalt  }
0x58: {  	_ =	shalt  }
0x59: {  	_ =	shalt  }
0x5a: {  	_ =	shalt  }
0x5b: {  	_ =	shalt  }
0x5c: {  	_ =	shalt  }
0x5d: {  	_ =	shalt  }
0x5e: {  	_ =	shalt  }
0x5f: {  	_ =	shalt  }
0x60: {  	_ =	shalt  }
0x61: {  	_ =	shalt  }
0x62: {  	_ =	shalt  }
0x63: {  	_ =	shalt  }
0x64: {  	_ =	shalt  }
0x65: {  	_ =	shalt  }
0x66: {  	_ =	shalt  }
0x67: {  	_ =	shalt  }
0x68: {  	_ =	shalt  }
0x69: {  	_ =	shalt  }
0x6a: {  	_ =	shalt  }
0x6b: {  	_ =	shalt  }
0x6c: {  	_ =	shalt  }
0x6d: {  	_ =	shalt  }
0x6e: {  	_ =	shalt  }
0x6f: {  	_ =	shalt  }
0x70: {  	_ =	shalt  }
0x71: {  	_ =	shalt  }
0x72: {  	_ =	shalt  }
0x73: {  	_ =	shalt  }
0x74: {  	_ =	shalt  }
0x75: {  	_ =	shalt  }
0x76: {  	_ =	shalt  }
0x77: {  	_ =	shalt  }
0x78: {  	_ =	shalt  }
0x79: {  	_ =	shalt  }
0x7a: {  	_ =	shalt  }
0x7b: {  	_ =	shalt  }
0x7c: {  	_ =	shalt  }
0x7d: {  	_ =	shalt  }
0x7e: {  	_ =	shalt  }
0x7f: {  	_ =	shalt  }
0x80: {  	_ =	shalt  }
0x81: {  	_ =	shalt  }
0x82: {  	_ =	shalt  }
0x83: {  	_ =	shalt  }
0x84: {  	_ =	shalt  }
0x85: {  	_ =	shalt  }
0x86: {  	_ =	shalt  }
0x87: {  	_ =	shalt  }
.Lfunc_end0:
.L_simem_size_0:
called_computation.2_lowered:
.L_overlay_start_0:
0x88: {  	s2 =	sld [smem:$0x3FD9]  }
0x89: {  	s3 =	sld [smem:$0x3FFE];
	_ =	sdelay $0x1  }
0x8a: {  	s1 =	srdreg.scid  }
0x8b: {  	s0 =	sand.u32 $0x1, s1  }
0x8c: {  	s16 =	sshll.u32 s0, $0xA;
	s2 =	sadd.s32 s3, s2  }
0x8d: {  	s2 =	sadd.s32 s2, s16  }
0x8e: {  	[smem:$0x3FBE] =	sst s2  }
0x8f: {  	_ = 	snop  }
0x90: {  	(tm) =	ssettm $0x1  }
0x91: {  	s17 =	sld [smem:$0x3FFB];
	_ =	sdelay $0x3  }
0x92: {  	_ =	strace s17  }
0x93: {  	s2 =	sld [smem:$0x3FFC];
	_ =	sdelay $0x3  }
0x94: {  	_ =	strace s2  }
0x95: {  	s2 =	sld [smem:$0x3FFD];
	_ =	sdelay $0x3  }
0x96: {  	_ =	strace s2  }
0x97: {  	_ =	strace $0x8FFFFFFF  }
0x98: {  	s18 =	sld [smem:$0x3FDB];
	_ =	sdelay $0x1  }
0x99: {  	s19 =	simm.s32 $_scs_section_size  }
0x9a: {  	s4 =	simm.s32 $_size__tile_overlayer_lowered;
	s5 =	simm.s32 $_tile_overlayer_lowered  }
0x9b: {  	s22 =	simm.s32 $0x1BFF;
	s21 =	sshll.u32 s5, $0x1;
	s2 =	sadd.s32 s19, s18  }
0x9c: {  	s6 =	simm.s32 $0x0;
	s20 =	sshll.u32 s4, $0x1;
	s4 =	sadd.s32 s21, s2  }
0x9d: {  	[timem:s6], [sflag:s22] =	dma.local [hbm:s4], s20  }
0x9e: {  	_ =	swait.ge [sflag:s22], s20  }
0x9f: {  	s3 =	ssub.s32 $0x0, s20;
	[sflag:s22] =	ssyncset.done $0x0  }
0xa0: {  	[sflag:s22] =	ssyncadd.s32 s3;
	_ =	sdelay $0x1  }
0xa1: {  	s23 =	simm.s32 $0x1B8B  }
0xa2: {  	_ =	swait.ge [sflag:s23], $0x1  }
0xa3: {  	[sflag:s23] =	ssyncset.done $0x0  }
0xa4: {  	s25 =	simm.s32 $0x1B8E;
	s24 =	sld [smem:$0x3FFE];
	[sflag:s23] =	ssyncadd.s32 $0xFFFFFFFF  }
0xa5: {  	s26 =	simm.s32 $execute0_lowered;
	[smem:$0x3FD2] =	sst s25  }
0xa6: {  	s4 =	sshll.u32 s26, $0x1;
	_ =	strace $0x8000004C;
	[dreg:$0x1] =	wrdreg $0xFFFFFFFF  }
0xa7: {  	s28 =	simm.s32 $_size_execute0_lowered;
	s2 =	sadd.s32 s2, s4;
	[dreg:$0x0] =	wrdreg $0x0  }
0xa8: {  	s4 =	sshll.u32 s28, $0x1;
	[dreg:$0x2] =	wrdreg s2  }
0xa9: {  	[dreg:$0x3] =	wrdreg s4  }
0xaa: {  	[dreg:$0x4] =	wrdreg $0xC0  }
0xab: {  	_ =	task [dreg:s6], $0x5FFFF  }
0xac: {  	[dreg:$0x1] =	wrdreg $0xFFFFFFFF  }
0xad: {  	[dreg:$0x0] =	wrdreg $0x60  }
0xae: {  	[dreg:$0x2] =	wrdreg s24  }
0xaf: {  	[dreg:$0x3] =	wrdreg $0xA8000  }
0xb0: {  	[dreg:$0x4] =	wrdreg $0x9  }
0xb1: {  	_ =	task.clear_ibuf [dreg:s6], $0x5FFFF;
	_ =	strace $0x9000004C  }
0xb2: {  	s29 =	simm.s32 $0x9;
	_ =	strace $0x8000004E  }
0xb3: {  	_ =	swait.ge [sflag:s29], $0x1  }
0xb4: {  	[sflag:s29] =	ssyncadd.s32 $0xFFFFFFFF  }
0xb5: {  	_ =	strace $0x9000004E  }
0xb6: {  	_ =	sfence  }
0xb7: {  	s30 =	sld [smem:$0x0];
	_ =	sdelay $0x2  }
0xb8: {  	s31 =	sshll.u32 s1, $0xD;
	s1 =	sshrl.u32 s1, $0x2  }
0xb9: {  	s3 =	sand.u32 $0x4000, s31;
	s1 =	sadd.s32 s1, s30  }
0xba: {  	s0 =	sor.u32 s3, s0;
	s1 =	sshll.u32 s1, $0x11  }
0xbb: {  	s0 =	sor.u32 s1, s0  }
0xbc: {  	s0 =	sadd.s32 $0x8F2B, s0  }
0xbd: {  	[sflag:s0] =	ssyncadd.remote.s32 $0x1  }
0xbe: {  	_ =	sfence.sel $0xFFFF  }
0xbf: {  	[dreg:$0x0] =	wrdreg $0xFFFFFFFF;
	(pc) =	sbr.abs _section_cstart, $3  }
0xc0: {  	[dreg:$0x1] =	wrdreg $0xFFFFFFFF  }
0xc1: {  	_ =	task.clear_ibuf [dreg:s6], $0x2FFFF;
	_ =	strace $0x9FFFFFFF  }
0xc2: {  	(tm) =	ssettm $0x7FFFFFFF  }
0xc3: {  	_ =	shalt  }
tec
execute0_lowered:
.L_overlay_start_1:
0x0: {  	(tag) =	ssettag $0x1  }
0x1: {  	s5 =	rddreg [dreg:$0x0];
	s0 =	srdreg.scid  }
0x2: {  	s2 =	rddreg [dreg:$0x1];
	s1 =	stileid.u32;
	s3 =	simm.s32 $0x0  }
0x3: {  	s13 =	simm.s32 $0x80;
	s14 =	simm.s32 $0x2800;
	s15 =	simm.s32 $0x6800  }
0x4: {  	s16 =	simm.s32 $0x1;
	s17 =	simm.s32 $0x2;
	s7 =	smul.u32 $0x28, s1  }
0x5: {  	s18 =	simm.s32 $0x3;
	s19 =	simm.s32 $0x4;
	s9 =	smul.u32 $0x50000, s1  }
0x6: {  	s20 =	simm.s32 $0x2700;
	s6 =	sand.u32 $0x1, s0;
	s23 =	smul.u32 $0x2800, s1  }
0x7: {  	s21 =	simm.s32 $0x2780;
	s0 =	rddreg [dreg:$0x2];
	s4 =	smul.u32 $0x280, s6  }
0x8: {  	[smem:$0x7FF] =	sst s3;
	s31 =	sshll.u32 s1, $0x6;
	s8 =	smul.u32 $0x27100, s6  }
0x9: {  	_ =	strace $0x8000004D;
	s26 =	smul.u32 $0x28000, s6;
	s6 =	ssub.s32 $0x2, s6  }
0xa: {  	s28 =	sshrl.u32 s6, $0x1;
	s29 =	sshrl.u32 s9, $0x2;
	s4 =	sadd.s32 s7, s4  }
0xb: {  	s8 =	sadd.s32 s8, s5;
	s11 =	sadd.s32 s26, s5;
	s30 =	ssub.s32 s6, s28  }
0xc: {  	s12 =	sadd.s32 s29, s2;
	s4 =	sshll.u32 s4, $0x4;
	s8 =	sadd.s32 $0xF600, s8  }
0xd: {  	s22 =	sadd.s32 $0x5D800, s11;
	s9 =	smax.u32 s30, $0x1;
	s11 =	simm.s32 $0x5  }
0xe: {  	s10 =	sadd.s32 s4, s5;
	s4 =	sadd.s32 $0xCE00, s5;
	s5 =	sor.u32 $0x1C05, s31  }
0xf: {  	s22 =	sadd.s32 s23, s22;
	s23 =	simm.s32 $0x0;
	s6 =	sadd.s32 $0x7600, s10  }
0x10: {  	s7 =	sadd.s32 $0x2600, s10;
	s10 =	sshrl.u32 s12, $0x3;
	s12 =	simm.s32 $0x1400  }
.LBB2_1:
0x11: {  	[spmem:s10], [sflag:s5] =	dma.local [hbm:s4], $0x2800  }
0x12: {  	_ =	swait.ge [sflag:s11], $0x2800  }
0x13: {  	[sflag:s11] =	ssyncset.done $0x0  }
0x14: {  	[sflag:s11] =	ssyncadd.s32 $0xFFFFD800  }
0x15: {  	[bflag:$0x0] =	sbarrier.arrive $0xFFFF  }
0x16: {  	[tilespmem:s3], [sflag:$0x5] =	stream.linear.gather [hbm4b:s6+s3], $0x1400, $0x38;
	[tilespmem:$0x1E800] =	vst v63  }
0x17: {  	_ =	swait.ge [sflag:s11], $0x1400  }
0x18: {  	[sflag:s11] =	ssyncset.done $0x0  }
0x19: {  	[sflag:s11] =	ssyncadd.s32 $0xFFFFEC00  }
0x1a: {  	[tilespmem:s12], [sflag:$0x5] =	stream.linear.gather [hbm4b:s7+s3], $0x1400, $0x38;
	[tilespmem:$0x1E800] =	vst v63  }
0x1b: {  	_ =	swait.ge [sflag:s11], $0x1400  }
0x1c: {  	[sflag:s11] =	ssyncset.done $0x0  }
0x1d: {  	[sflag:s11] =	ssyncadd.s32 $0xFFFFEC00  }
0x1e: {  	[tilespmem:s14], [sflag:$0x1] =	stream.indirect.gather [hbm4b:s8+s13], $0x80, s3, s13, $0xb8;
	[tilespmem:$0x1E800] =	vst v63  }
0x1f: {  	_ = 	snop  }
0x20: {  	[tilespmem:s15], [sflag:$0x2] =	stream.indirect.gather [hbm4b:s8+s13], $0x80, s13, s13, $0xb8;
	[tilespmem:$0x1E800] =	vst v63  }
0x21: {  	_ =	swait.ge [sflag:s16], $0x4000  }
0x22: {  	[sflag:s16] =	ssyncset.done $0x0  }
0x23: {  	s24 =	simm.s32 $0x1400;
	[sflag:s16] =	ssyncadd.s32 $0xFFFFC000  }
0x24: {  	[spmem:s2] =	stream.indirect.scatter.add.f32 [tilespmem:s14], [sflag:$0x3], $0x80, s24, s13, $0xb8;
	[tilespmem:$0x1E800] =	vst v63  }
0x25: {  	_ =	swait.ge [sflag:s17], $0x4000  }
0x26: {  	[sflag:s17] =	ssyncset.done $0x0  }
0x27: {  	s30 =	simm.s32 $0x1480;
	[sflag:s17] =	ssyncadd.s32 $0xFFFFC000  }
0x28: {  	[spmem:s2] =	stream.indirect.scatter.add.f32 [tilespmem:s15], [sflag:$0x4], $0x80, s30, s13, $0xb8;
	[tilespmem:$0x1E800] =	vst v63  }
0x29: {  	_ =	swait.ge [sflag:s18], $0x4000  }
0x2a: {  	[sflag:s18] =	ssyncset.done $0x0  }
0x2b: {  	s31 =	simm.s32 $0x100;
	[sflag:s18] =	ssyncadd.s32 $0xFFFFC000  }
0x2c: {  	[tilespmem:s14], [sflag:$0x1] =	stream.indirect.gather [hbm4b:s8+s13], $0x80, s31, s13, $0xb8;
	[tilespmem:$0x1E800] =	vst v63  }
0x2d: {  	_ =	swait.ge [sflag:s19], $0x4000  }
0x2e: {  	[sflag:s19] =	ssyncset.done $0x0  }
0x2f: {  	s25 =	simm.s32 $0x180;
	s24 =	simm.s32 $0x400;
	[sflag:s19] =	ssyncadd.s32 $0xFFFFC000  }
.LBB2_2:
0x30: {  	[tilespmem:s15], [sflag:$0x2] =	stream.indirect.gather [hbm4b:s8+s13], $0x80, s25, s13, $0xb8;
	[tilespmem:$0x1E800] =	vst v63  }
0x31: {  	s25 =	smov.u32 s24  }
0x32: {  	p0 =	sne.s32 s24, $0x4800;
	s24 =	sadd.s32 $0x400, s24;
	_ =	swait.ge [sflag:s16], $0x4000  }
0x33: {  	s25 =	sshra.s32 s25, $0x2;
	[sflag:s16] =	ssyncset.done $0x0  }
0x34: {  	s26 =	sadd.s32 $0x1400, s25;
	[sflag:s16] =	ssyncadd.s32 $0xFFFFC000  }
0x35: {  	[spmem:s2] =	stream.indirect.scatter.add.f32 [tilespmem:s14], [sflag:$0x3], $0x80, s26, s13, $0xb8;
	[tilespmem:$0x1E800] =	vst v63  }
0x36: {  	_ =	swait.ge [sflag:s17], $0x4000  }
0x37: {  	[sflag:s17] =	ssyncset.done $0x0  }
0x38: {  	s26 =	sadd.s32 $0x1480, s25;
	[sflag:s17] =	ssyncadd.s32 $0xFFFFC000  }
0x39: {  	[spmem:s2] =	stream.indirect.scatter.add.f32 [tilespmem:s15], [sflag:$0x4], $0x80, s26, s13, $0xb8;
	[tilespmem:$0x1E800] =	vst v63  }
0x3a: {  	_ =	swait.ge [sflag:s18], $0x4000  }
0x3b: {  	[sflag:s18] =	ssyncset.done $0x0  }
.Ltmp0:
0x3c: {  	s26 =	sadd.s32 $0x100, s25;
	[sflag:s18] =	ssyncadd.s32 $0xFFFFC000;
	(pc) =	sbr.rel @p0 .LBB2_2-.Ltmp0, $4  }
0x3d: {  	[tilespmem:s14], [sflag:$0x1] =	stream.indirect.gather [hbm4b:s8+s13], $0x80, s26, s13, $0xb8;
	[tilespmem:$0x1E800] =	vst v63  }
0x3e: {  	_ =	swait.ge [sflag:s19], $0x4000  }
0x3f: {  	[sflag:s19] =	ssyncset.done $0x0  }
0x40: {  	s25 =	sadd.s32 $0x180, s25;
	[sflag:s19] =	ssyncadd.s32 $0xFFFFC000  }
0x41: {  	[tilespmem:s15], [sflag:$0x2] =	stream.indirect.gather [hbm4b:s8+s13], $0x80, s25, s13, $0xb8;
	[tilespmem:$0x1E800] =	vst v63  }
0x42: {  	_ =	swait.ge [sflag:s16], $0x4000  }
0x43: {  	[sflag:s16] =	ssyncset.done $0x0  }
0x44: {  	[sflag:s16] =	ssyncadd.s32 $0xFFFFC000  }
0x45: {  	[spmem:s2] =	stream.indirect.scatter.add.f32 [tilespmem:s14], [sflag:$0x3], $0x80, s20, s13, $0xb8;
	[tilespmem:$0x1E800] =	vst v63  }
0x46: {  	_ =	swait.ge [sflag:s17], $0x4000  }
0x47: {  	[sflag:s17] =	ssyncset.done $0x0  }
0x48: {  	[sflag:s17] =	ssyncadd.s32 $0xFFFFC000  }
0x49: {  	[spmem:s2] =	stream.indirect.scatter.add.f32 [tilespmem:s15], [sflag:$0x4], $0x80, s21, s13, $0xb8;
	[tilespmem:$0x1E800] =	vst v63  }
0x4a: {  	_ =	swait.ge [sflag:s18], $0x4000  }
0x4b: {  	[sflag:s18] =	ssyncset.done $0x0  }
0x4c: {  	[sflag:s18] =	ssyncadd.s32 $0xFFFFC000  }
0x4d: {  	_ =	swait.ge [sflag:s19], $0x4000  }
0x4e: {  	s23 =	sadd.s32 $0x1, s23;
	[sflag:s19] =	ssyncset.done $0x0  }
0x4f: {  	p0 =	sne.s32 s23, s9;
	[sflag:s19] =	ssyncadd.s32 $0xFFFFC000  }
.Ltmp1:
0x50: {  	[bflag:$0x0] =	sbarrier.arrive $0xFFFF;
	(pc) =	sbr.rel @p0 .LBB2_1-.Ltmp1, $4  }
0x51: {  	[hbm:s22], [sflag:s5] =	dma.local [spmem:s10], $0x2800  }
0x52: {  	_ =	swait.ge [sflag:s11], $0x2800  }
0x53: {  	[sflag:s11] =	ssyncset.done $0x0  }
0x54: {  	[sflag:s11] =	ssyncadd.s32 $0xFFFFD800  }
0x55: {  	_ =	sfence.sel $0x180000  }
0x56: {  	[bflag:$0x0] =	sbarrier.arrive $0xFFFF  }
0x57: {  	p0 =	sne.s32 s1, $0x0;
	_ =	strace $0x9000004D  }
0x58: {  	s0 =	sadd.s32 @!p0 $0x100000, s0;
	[bflag:$0x2] =	sbarrier.arrive $0xFFFF  }
0x59: {  	[sflag:s0] =	ssyncadd.tile.s32 @!p0 $0x1;
	_ =	shalt  }
.Lfunc_end2:
_tile_overlayer_lowered:
.L_overlay_start_2:
0x5a: {  	(tag) =	ssettag $0x2  }
0x5b: {  	s0 =	rddreg [dreg:$0x0];
	s2 =	stileid.u32  }
0x5c: {  	s1 =	rddreg [dreg:$0x1];
	p0 =	sne.s32 s2, $0x0  }
0x5d: {  	s3 =	rddreg [dreg:$0x2];
	[bflag:$0x3] =	sbarrier.arrive $0xFFFF;
	s2 =	simm.s32 @!p0 $0x1C05  }
0x5e: {  	[timem:s3], [sflag:s2] =	dma.local @!p0 [hbm:s0], s1  }
0x5f: {  	s0 =	simm.s32 @!p0 $0x5  }
0x60: {  	_ =	swait.ge @!p0 [sflag:s0], s1  }
0x61: {  	s1 =	ssub.s32 @!p0 $0x0, s1;
	[sflag:s0] =	ssyncset.done @!p0 $0x0  }
0x62: {  	[sflag:s0] =	ssyncadd.s32 @!p0 s1  }
0x63: {  	[bflag:$0x3] =	sbarrier.arrive $0xFFFF  }
0x64: {  	_ =	shalt  }

// kernel: kernel.8.cloned.1.call-start
scs
__scs_entry_jumppad:
0x0: {  	(pc) =	sbr.rel $0x88, $3  }
0x1: {  	(tag) =	ssettag $0x0;
	lr =	simm.s32 $0x1  }
0x2: {  	[smem:$0x3F97] =	sst lr;
	_ =	strace $0xD0000000  }
0x3: {  	_ = 	snop  }
0x4: {  	_ = 	snop  }
0x5: {  	_ = 	snop  }
0x6: {  	_ = 	snop  }
0x7: {  	_ = 	snop  }
__scs_overlays_trampoline_lowered:
0x8: {  	[smem:$0x3FA6] =	sst s0  }
0x9: {  	[smem:$0x3FA7] =	sst s1  }
0xa: {  	[smem:$0x3FA8] =	sst s2  }
0xb: {  	[smem:$0x3FA9] =	sst s3  }
0xc: {  	[smem:$0x3FAA] =	sst s4  }
0xd: {  	[smem:$0x3FAB] =	sst s5  }
0xe: {  	[smem:$0x3FAC] =	sst s6  }
0xf: {  	[smem:$0x3FAD] =	sst s7  }
0x10: {  	[smem:$0x3FAE] =	sst s8  }
0x11: {  	[smem:$0x3FAF] =	sst s9;
	s0 =	simm.s32 @!p0 $0x0  }
0x12: {  	s1 =	sld [smem:$0x3F95];
	s0 =	simm.s32 @p0 $0x1  }
0x13: {  	[smem:$0x3FB0] =	sst s0;
	s0 =	simm.s32 @!p1 $0x0  }
0x14: {  	s2 =	sld [smem:$0x3F94];
	s0 =	simm.s32 @p1 $0x1  }
0x15: {  	[smem:$0x3FB1] =	sst s0;
	s0 =	simm.s32 @!p2 $0x0  }
0x16: {  	s3 =	sld [smem:$0x3FDB];
	s0 =	simm.s32 @p2 $0x1  }
0x17: {  	s4 =	simm.s32 $0x1BF5;
	[smem:$0x3FB3] =	sst s0  }
0x18: {  	s0 =	sld [smem:$0x3F96];
	_ =	swait.ge [sflag:s4], $0x0  }
0x19: {  	s7 =	sld [smem:$0x3F97]  }
0x1a: {  	s8 =	sadd.s32 $0xFFFFE003, lr  }
0x1b: {  	s9 =	sadd.s32 $0xFFFFFEF7, lr;
	s5 =	simm.s32 $0xFFFFFFFF;
	p2 =	slt.u32 s8, $0xFFFFF086  }
0x1c: {  	p1 =	slt.u32 s9, $0xF7A;
	s5 =	simm.s32 @!p2 $0x0  }
0x1d: {  	s5 =	simm.s32 @p1 $0x1;
	p0 =	seq.s32 s7, s2  }
0x1e: {  	s7 =	smul.u32 @!p0 $0xF7A, s2;
	p2 =	seq.s32 @!p0 s5, $0x0  }
0x1f: {  	s9 =	smul.u32 $0xF7A, s1;
	s8 =	simm.s32 @!p0 $0x1BF5;
	p2 =	por !p2, p0  }
0x20: {  	[sflag:s8] =	ssyncset.s32 @!p0 $0xFFFFF086;
	s6 =	sadd.s32 @!p0 s3, s7;
	s7 =	simm.s32 @!p0 $0x108  }
0x21: {  	s3 =	sadd.s32 s3, s9;
	s6 =	sadd.s32 @!p0 $0x88, s6;
	s7 =	simm.s32 @p2 $0x1082  }
0x22: {  	[simem:s7], [sflag:s8] =	dma.local @!p0 [hbm:s6], $0xF7A  }
0x23: {  	s9 =	sor.u32 $0xD0000000, s2;
	s6 =	simm.s32 $0x108;
	_ =	swait.ge @!p0 [sflag:s8], $0x0  }
0x24: {  	s3 =	sadd.s32 $0x88, s3;
	s6 =	simm.s32 @!p1 $0x1082;
	[sflag:s4] =	ssyncset.s32 $0xFFFFF086  }
0x25: {  	[simem:s6], [sflag:s4] =	dma.local [hbm:s3], $0xF7A  }
0x26: {  	[smem:$0x3F97] =	sst s1;
	(tag) =	ssettag s2;
	_ =	strace s9  }
0x27: {  	s1 =	sld [smem:$0x3FA7]  }
0x28: {  	s2 =	sld [smem:$0x3FA8]  }
0x29: {  	s4 =	sld [smem:$0x3FAA]  }
0x2a: {  	p0 =	seq.s32 s5, $0x0;
	s5 =	sld [smem:$0x3FAB]  }
0x2b: {  	s6 =	sld [smem:$0x3FAC]  }
0x2c: {  	s7 =	sld [smem:$0x3FAD]  }
0x2d: {  	s3 =	simm.s32 $0x108;
	s8 =	sld [smem:$0x3FAE]  }
0x2e: {  	s3 =	simm.s32 @!p0 $0x1082;
	s9 =	sld [smem:$0x3FAF]  }
0x2f: {  	lr =	sadd.s32 s0, s3;
	s0 =	sld [smem:$0x3FA6]  }
0x30: {  	s3 =	sld [smem:$0x3FA9]  }
0x31: {  	[smem:$0x3FB2] =	sst s10  }
0x32: {  	s10 =	sld [smem:$0x3FB0];
	_ =	sdelay $0x3  }
0x33: {  	p0 =	seq.s32 s10, $0x1;
	s10 =	sld [smem:$0x3FB2];
	_ =	sdelay $0x3  }
0x34: {  	[smem:$0x3FB2] =	sst s10  }
0x35: {  	s10 =	sld [smem:$0x3FB1];
	_ =	sdelay $0x3  }
0x36: {  	p1 =	seq.s32 s10, $0x1;
	s10 =	sld [smem:$0x3FB2];
	_ =	sdelay $0x3  }
0x37: {  	[smem:$0x3FB2] =	sst s10  }
0x38: {  	s10 =	sld [smem:$0x3FB3]  }
0x39: {  	_ = 	snop;
	(pc) =	sbr.ind lr, $3  }
0x3a: {  	_ = 	snop  }
0x3b: {  	_ = 	snop  }
0x3c: {  	p2 =	seq.s32 s10, $0x1;
	s10 =	sld [smem:$0x3FB2]  }
0x3d: {  	_ =	shalt  }
0x3e: {  	_ =	shalt  }
0x3f: {  	_ =	shalt  }
0x40: {  	_ =	shalt  }
0x41: {  	_ =	shalt  }
0x42: {  	_ =	shalt  }
0x43: {  	_ =	shalt  }
0x44: {  	_ =	shalt  }
0x45: {  	_ =	shalt  }
0x46: {  	_ =	shalt  }
0x47: {  	_ =	shalt  }
0x48: {  	_ =	shalt  }
0x49: {  	_ =	shalt  }
0x4a: {  	_ =	shalt  }
0x4b: {  	_ =	shalt  }
0x4c: {  	_ =	shalt  }
0x4d: {  	_ =	shalt  }
0x4e: {  	_ =	shalt  }
0x4f: {  	_ =	shalt  }
0x50: {  	_ =	shalt  }
0x51: {  	_ =	shalt  }
0x52: {  	_ =	shalt  }
0x53: {  	_ =	shalt  }
0x54: {  	_ =	shalt  }
0x55: {  	_ =	shalt  }
0x56: {  	_ =	shalt  }
0x57: {  	_ =	shalt  }
0x58: {  	_ =	shalt  }
0x59: {  	_ =	shalt  }
0x5a: {  	_ =	shalt  }
0x5b: {  	_ =	shalt  }
0x5c: {  	_ =	shalt  }
0x5d: {  	_ =	shalt  }
0x5e: {  	_ =	shalt  }
0x5f: {  	_ =	shalt  }
0x60: {  	_ =	shalt  }
0x61: {  	_ =	shalt  }
0x62: {  	_ =	shalt  }
0x63: {  	_ =	shalt  }
0x64: {  	_ =	shalt  }
0x65: {  	_ =	shalt  }
0x66: {  	_ =	shalt  }
0x67: {  	_ =	shalt  }
0x68: {  	_ =	shalt  }
0x69: {  	_ =	shalt  }
0x6a: {  	_ =	shalt  }
0x6b: {  	_ =	shalt  }
0x6c: {  	_ =	shalt  }
0x6d: {  	_ =	shalt  }
0x6e: {  	_ =	shalt  }
0x6f: {  	_ =	shalt  }
0x70: {  	_ =	shalt  }
0x71: {  	_ =	shalt  }
0x72: {  	_ =	shalt  }
0x73: {  	_ =	shalt  }
0x74: {  	_ =	shalt  }
0x75: {  	_ =	shalt  }
0x76: {  	_ =	shalt  }
0x77: {  	_ =	shalt  }
0x78: {  	_ =	shalt  }
0x79: {  	_ =	shalt  }
0x7a: {  	_ =	shalt  }
0x7b: {  	_ =	shalt  }
0x7c: {  	_ =	shalt  }
0x7d: {  	_ =	shalt  }
0x7e: {  	_ =	shalt  }
0x7f: {  	_ =	shalt  }
0x80: {  	_ =	shalt  }
0x81: {  	_ =	shalt  }
0x82: {  	_ =	shalt  }
0x83: {  	_ =	shalt  }
0x84: {  	_ =	shalt  }
0x85: {  	_ =	shalt  }
0x86: {  	_ =	shalt  }
0x87: {  	_ =	shalt  }
.Lfunc_end0:
.L_simem_size_0:
called_computation_lowered:
.L_overlay_start_0:
0x88: {  	s2 =	sld [smem:$0x3FD9]  }
0x89: {  	s3 =	sld [smem:$0x3FFE];
	_ =	sdelay $0x1  }
0x8a: {  	s1 =	srdreg.scid  }
0x8b: {  	s0 =	sand.u32 $0x1, s1  }
0x8c: {  	s16 =	sshll.u32 s0, $0xA;
	s2 =	sadd.s32 s3, s2  }
0x8d: {  	s2 =	sadd.s32 s2, s16  }
0x8e: {  	[smem:$0x3FBE] =	sst s2  }
0x8f: {  	_ = 	snop  }
0x90: {  	(tm) =	ssettm $0x1  }
0x91: {  	s17 =	sld [smem:$0x3FFB];
	_ =	sdelay $0x3  }
0x92: {  	_ =	strace s17  }
0x93: {  	s2 =	sld [smem:$0x3FFC];
	_ =	sdelay $0x3  }
0x94: {  	_ =	strace s2  }
0x95: {  	s2 =	sld [smem:$0x3FFD];
	_ =	sdelay $0x3  }
0x96: {  	_ =	strace s2  }
0x97: {  	_ =	strace $0x8FFFFFFF  }
0x98: {  	s18 =	sld [smem:$0x3FDB];
	_ =	sdelay $0x1  }
0x99: {  	s19 =	simm.s32 $_scs_section_size  }
0x9a: {  	s4 =	simm.s32 $_size__tile_overlayer_lowered;
	s5 =	simm.s32 $_tile_overlayer_lowered  }
0x9b: {  	s22 =	simm.s32 $0x1BFF;
	s21 =	sshll.u32 s5, $0x1;
	s2 =	sadd.s32 s19, s18  }
0x9c: {  	s6 =	simm.s32 $0x0;
	s20 =	sshll.u32 s4, $0x1;
	s4 =	sadd.s32 s21, s2  }
0x9d: {  	[timem:s6], [sflag:s22] =	dma.local [hbm:s4], s20  }
0x9e: {  	_ =	swait.ge [sflag:s22], s20  }
0x9f: {  	s3 =	ssub.s32 $0x0, s20;
	[sflag:s22] =	ssyncset.done $0x0  }
0xa0: {  	[sflag:s22] =	ssyncadd.s32 s3;
	_ =	sdelay $0x1  }
0xa1: {  	s23 =	simm.s32 $0x1B8B  }
0xa2: {  	_ =	swait.ge [sflag:s23], $0x1  }
0xa3: {  	[sflag:s23] =	ssyncset.done $0x0  }
0xa4: {  	s25 =	simm.s32 $0x1B8E;
	s24 =	sld [smem:$0x3FFE];
	[sflag:s23] =	ssyncadd.s32 $0xFFFFFFFF  }
0xa5: {  	s26 =	simm.s32 $execute0_lowered;
	[smem:$0x3FD2] =	sst s25  }
0xa6: {  	s4 =	sshll.u32 s26, $0x1;
	_ =	strace $0x80000046;
	[dreg:$0x1] =	wrdreg $0xFFFFFFFF  }
0xa7: {  	s28 =	simm.s32 $_size_execute0_lowered;
	s2 =	sadd.s32 s2, s4;
	[dreg:$0x0] =	wrdreg $0x0  }
0xa8: {  	s4 =	sshll.u32 s28, $0x1;
	[dreg:$0x2] =	wrdreg s2  }
0xa9: {  	[dreg:$0x3] =	wrdreg s4  }
0xaa: {  	[dreg:$0x4] =	wrdreg $0xC0  }
0xab: {  	_ =	task [dreg:s6], $0x5FFFF  }
0xac: {  	[dreg:$0x1] =	wrdreg $0xFFFFFFFF  }
0xad: {  	[dreg:$0x0] =	wrdreg $0x60  }
0xae: {  	[dreg:$0x2] =	wrdreg s24  }
0xaf: {  	[dreg:$0x3] =	wrdreg $0x54000  }
0xb0: {  	[dreg:$0x4] =	wrdreg $0x9  }
0xb1: {  	_ =	task.clear_ibuf [dreg:s6], $0x5FFFF;
	_ =	strace $0x90000046  }
0xb2: {  	s29 =	simm.s32 $0x9;
	_ =	strace $0x80000048  }
0xb3: {  	_ =	swait.ge [sflag:s29], $0x1  }
0xb4: {  	[sflag:s29] =	ssyncadd.s32 $0xFFFFFFFF  }
0xb5: {  	_ =	strace $0x90000048  }
0xb6: {  	_ =	sfence  }
0xb7: {  	s30 =	sld [smem:$0x0];
	_ =	sdelay $0x2  }
0xb8: {  	s31 =	sshll.u32 s1, $0xD;
	s1 =	sshrl.u32 s1, $0x2  }
0xb9: {  	s3 =	sand.u32 $0x4000, s31;
	s1 =	sadd.s32 s1, s30  }
0xba: {  	s0 =	sor.u32 s3, s0;
	s1 =	sshll.u32 s1, $0x11  }
0xbb: {  	s0 =	sor.u32 s1, s0  }
0xbc: {  	s0 =	sadd.s32 $0x8F2B, s0  }
0xbd: {  	[sflag:s0] =	ssyncadd.remote.s32 $0x1  }
0xbe: {  	_ =	sfence.sel $0xFFFF  }
0xbf: {  	[dreg:$0x0] =	wrdreg $0xFFFFFFFF;
	(pc) =	sbr.abs _section_cstart, $3  }
0xc0: {  	[dreg:$0x1] =	wrdreg $0xFFFFFFFF  }
0xc1: {  	_ =	task.clear_ibuf [dreg:s6], $0x2FFFF;
	_ =	strace $0x9FFFFFFF  }
0xc2: {  	(tm) =	ssettm $0x7FFFFFFF  }
0xc3: {  	_ =	shalt  }
tec
execute0_lowered:
.L_overlay_start_1:
0x0: {  	(tag) =	ssettag $0x1  }
0x1: {  	s0 =	srdreg.scid  }
0x2: {  	s1 =	rddreg [dreg:$0x0];
	s9 =	stileid.u32  }
0x3: {  	s2 =	rddreg [dreg:$0x1];
	s3 =	simm.s32 $0x0;
	s12 =	simm.s32 $0x80  }
0x4: {  	s16 =	simm.s32 $0xC00;
	s17 =	simm.s32 $0xC80;
	s18 =	simm.s32 $0xD00  }
0x5: {  	s19 =	simm.s32 $0xD80;
	s20 =	simm.s32 $0xE00;
	s21 =	simm.s32 $0xE80  }
0x6: {  	s22 =	simm.s32 $0xF00;
	s23 =	simm.s32 $0xF80;
	s28 =	simm.s32 $0x1100  }
0x7: {  	s29 =	simm.s32 $0x1180;
	s30 =	simm.s32 $0x1200;
	s5 =	smul.u32 $0x280, s9  }
0x8: {  	s31 =	simm.s32 $0x1280;
	s14 =	simm.s32 $0x0;
	s8 =	smul.u32 $0x50000, s9  }
0x9: {  	s0 =	sand.u32 $0x1, s0;
	[smem:$0x7FF] =	sst s3;
	s13 =	smul.u32 $0x2800, s9  }
0xa: {  	s26 =	sshll.u32 s9, $0x6;
	s9 =	simm.s32 $0x1400;
	s4 =	smul.u32 $0x2800, s0  }
0xb: {  	_ =	strace $0x80000047;
	s7 =	smul.u32 $0x28000, s0;
	s0 =	ssub.s32 $0x2, s0  }
0xc: {  	s10 =	sor.u32 $0x1C02, s26;
	s26 =	simm.s32 $0x1080;
	s24 =	sshrl.u32 s0, $0x1  }
0xd: {  	s25 =	sshrl.u32 s8, $0x2;
	s8 =	simm.s32 $0x2;
	s4 =	sadd.s32 s5, s4  }
0xe: {  	s5 =	sadd.s32 $0xCE00, s1;
	s0 =	ssub.s32 s0, s24;
	s11 =	sadd.s32 s25, s2  }
0xf: {  	s25 =	simm.s32 $0x1000;
	s6 =	sadd.s32 s4, s1;
	s4 =	sadd.s32 $0xC600, s1  }
0x10: {  	s1 =	sadd.s32 s7, s1;
	s7 =	smax.u32 s0, $0x1;
	s11 =	sshrl.u32 s11, $0x3  }
0x11: {  	s0 =	simm.s32 $0x1380;
	s6 =	sadd.s32 $0x2600, s6;
	s1 =	sadd.s32 $0xF600, s1  }
0x12: {  	s24 =	sadd.s32 s13, s1;
	s1 =	simm.s32 $0x1300;
	s13 =	simm.s32 $0x1  }
.LBB2_1:
0x13: {  	[tilespmem:s3], [sflag:$0x2] =	stream.linear.gather [hbm4b:s6+s3], $0x1400, $0x38;
	[tilespmem:$0x19400] =	vst v63  }
0x14: {  	_ =	swait.ge [sflag:s8], $0x1400  }
0x15: {  	[sflag:s8] =	ssyncset.done $0x0  }
0x16: {  	[sflag:s8] =	ssyncadd.s32 $0xFFFFEC00  }
0x17: {  	[tilespmem:s9], [sflag:$0x2] =	stream.linear.gather [hbm4b:s4+s3], $0x4000, $0x38;
	[tilespmem:$0x19400] =	vst v63  }
0x18: {  	_ =	swait.ge [sflag:s8], $0x4000  }
0x19: {  	[sflag:s8] =	ssyncset.done $0x0  }
0x1a: {  	[sflag:s8] =	ssyncadd.s32 $0xFFFFC000  }
0x1b: {  	[spmem:s11], [sflag:s10] =	dma.local [hbm:s5], $0x2800  }
0x1c: {  	_ =	swait.ge [sflag:s8], $0x2800  }
0x1d: {  	[sflag:s8] =	ssyncset.done $0x0  }
0x1e: {  	[sflag:s8] =	ssyncadd.s32 $0xFFFFD800  }
0x1f: {  	[bflag:$0x0] =	sbarrier.arrive $0xFFFF  }
0x20: {  	[spmem:s2] =	stream.indirect.scatter.add.f32 [tilespmem:s9], [sflag:$0x1], $0x80, s3, s12, $0xb8;
	[tilespmem:$0x19400] =	vst v63  }
0x21: {  	_ = 	snop  }
0x22: {  	[spmem:s2] =	stream.indirect.scatter.add.f32 [tilespmem:s9], [sflag:$0x1], $0x80, s12, s12, $0xb8;
	[tilespmem:$0x19400] =	vst v63  }
0x23: {  	s15 =	simm.s32 $0x100  }
0x24: {  	[spmem:s2] =	stream.indirect.scatter.add.f32 [tilespmem:s9], [sflag:$0x1], $0x80, s15, s12, $0xb8;
	[tilespmem:$0x19400] =	vst v63  }
0x25: {  	s15 =	simm.s32 $0x180  }
0x26: {  	[spmem:s2] =	stream.indirect.scatter.add.f32 [tilespmem:s9], [sflag:$0x1], $0x80, s15, s12, $0xb8;
	[tilespmem:$0x19400] =	vst v63  }
0x27: {  	s15 =	simm.s32 $0x200  }
0x28: {  	[spmem:s2] =	stream.indirect.scatter.add.f32 [tilespmem:s9], [sflag:$0x1], $0x80, s15, s12, $0xb8;
	[tilespmem:$0x19400] =	vst v63  }
0x29: {  	s15 =	simm.s32 $0x280  }
0x2a: {  	[spmem:s2] =	stream.indirect.scatter.add.f32 [tilespmem:s9], [sflag:$0x1], $0x80, s15, s12, $0xb8;
	[tilespmem:$0x19400] =	vst v63  }
0x2b: {  	s15 =	simm.s32 $0x300  }
0x2c: {  	[spmem:s2] =	stream.indirect.scatter.add.f32 [tilespmem:s9], [sflag:$0x1], $0x80, s15, s12, $0xb8;
	[tilespmem:$0x19400] =	vst v63  }
0x2d: {  	s15 =	simm.s32 $0x380  }
0x2e: {  	[spmem:s2] =	stream.indirect.scatter.add.f32 [tilespmem:s9], [sflag:$0x1], $0x80, s15, s12, $0xb8;
	[tilespmem:$0x19400] =	vst v63  }
0x2f: {  	s15 =	simm.s32 $0x400  }
0x30: {  	[spmem:s2] =	stream.indirect.scatter.add.f32 [tilespmem:s9], [sflag:$0x1], $0x80, s15, s12, $0xb8;
	[tilespmem:$0x19400] =	vst v63  }
0x31: {  	s15 =	simm.s32 $0x480  }
0x32: {  	[spmem:s2] =	stream.indirect.scatter.add.f32 [tilespmem:s9], [sflag:$0x1], $0x80, s15, s12, $0xb8;
	[tilespmem:$0x19400] =	vst v63  }
0x33: {  	s15 =	simm.s32 $0x500  }
0x34: {  	[spmem:s2] =	stream.indirect.scatter.add.f32 [tilespmem:s9], [sflag:$0x1], $0x80, s15, s12, $0xb8;
	[tilespmem:$0x19400] =	vst v63  }
0x35: {  	s15 =	simm.s32 $0x580  }
0x36: {  	[spmem:s2] =	stream.indirect.scatter.add.f32 [tilespmem:s9], [sflag:$0x1], $0x80, s15, s12, $0xb8;
	[tilespmem:$0x19400] =	vst v63  }
0x37: {  	s15 =	simm.s32 $0x600  }
0x38: {  	[spmem:s2] =	stream.indirect.scatter.add.f32 [tilespmem:s9], [sflag:$0x1], $0x80, s15, s12, $0xb8;
	[tilespmem:$0x19400] =	vst v63  }
0x39: {  	s15 =	simm.s32 $0x680  }
0x3a: {  	[spmem:s2] =	stream.indirect.scatter.add.f32 [tilespmem:s9], [sflag:$0x1], $0x80, s15, s12, $0xb8;
	[tilespmem:$0x19400] =	vst v63  }
0x3b: {  	s15 =	simm.s32 $0x700  }
0x3c: {  	[spmem:s2] =	stream.indirect.scatter.add.f32 [tilespmem:s9], [sflag:$0x1], $0x80, s15, s12, $0xb8;
	[tilespmem:$0x19400] =	vst v63  }
0x3d: {  	s15 =	simm.s32 $0x780  }
0x3e: {  	[spmem:s2] =	stream.indirect.scatter.add.f32 [tilespmem:s9], [sflag:$0x1], $0x80, s15, s12, $0xb8;
	[tilespmem:$0x19400] =	vst v63  }
0x3f: {  	s15 =	simm.s32 $0x800  }
0x40: {  	[spmem:s2] =	stream.indirect.scatter.add.f32 [tilespmem:s9], [sflag:$0x1], $0x80, s15, s12, $0xb8;
	[tilespmem:$0x19400] =	vst v63  }
0x41: {  	s15 =	simm.s32 $0x880  }
0x42: {  	[spmem:s2] =	stream.indirect.scatter.add.f32 [tilespmem:s9], [sflag:$0x1], $0x80, s15, s12, $0xb8;
	[tilespmem:$0x19400] =	vst v63  }
0x43: {  	s15 =	simm.s32 $0x900  }
0x44: {  	[spmem:s2] =	stream.indirect.scatter.add.f32 [tilespmem:s9], [sflag:$0x1], $0x80, s15, s12, $0xb8;
	[tilespmem:$0x19400] =	vst v63  }
0x45: {  	s15 =	simm.s32 $0x980  }
0x46: {  	[spmem:s2] =	stream.indirect.scatter.add.f32 [tilespmem:s9], [sflag:$0x1], $0x80, s15, s12, $0xb8;
	[tilespmem:$0x19400] =	vst v63  }
0x47: {  	s15 =	simm.s32 $0xA00  }
0x48: {  	[spmem:s2] =	stream.indirect.scatter.add.f32 [tilespmem:s9], [sflag:$0x1], $0x80, s15, s12, $0xb8;
	[tilespmem:$0x19400] =	vst v63  }
0x49: {  	s15 =	simm.s32 $0xA80  }
0x4a: {  	[spmem:s2] =	stream.indirect.scatter.add.f32 [tilespmem:s9], [sflag:$0x1], $0x80, s15, s12, $0xb8;
	[tilespmem:$0x19400] =	vst v63  }
0x4b: {  	s15 =	simm.s32 $0xB00  }
0x4c: {  	[spmem:s2] =	stream.indirect.scatter.add.f32 [tilespmem:s9], [sflag:$0x1], $0x80, s15, s12, $0xb8;
	[tilespmem:$0x19400] =	vst v63  }
0x4d: {  	s15 =	simm.s32 $0xB80  }
0x4e: {  	[spmem:s2] =	stream.indirect.scatter.add.f32 [tilespmem:s9], [sflag:$0x1], $0x80, s15, s12, $0xb8;
	[tilespmem:$0x19400] =	vst v63  }
0x4f: {  	_ = 	snop  }
0x50: {  	[spmem:s2] =	stream.indirect.scatter.add.f32 [tilespmem:s9], [sflag:$0x1], $0x80, s16, s12, $0xb8;
	[tilespmem:$0x19400] =	vst v63  }
0x51: {  	_ = 	snop  }
0x52: {  	[spmem:s2] =	stream.indirect.scatter.add.f32 [tilespmem:s9], [sflag:$0x1], $0x80, s17, s12, $0xb8;
	[tilespmem:$0x19400] =	vst v63  }
0x53: {  	_ = 	snop  }
0x54: {  	[spmem:s2] =	stream.indirect.scatter.add.f32 [tilespmem:s9], [sflag:$0x1], $0x80, s18, s12, $0xb8;
	[tilespmem:$0x19400] =	vst v63  }
0x55: {  	_ = 	snop  }
0x56: {  	[spmem:s2] =	stream.indirect.scatter.add.f32 [tilespmem:s9], [sflag:$0x1], $0x80, s19, s12, $0xb8;
	[tilespmem:$0x19400] =	vst v63  }
0x57: {  	_ = 	snop  }
0x58: {  	[spmem:s2] =	stream.indirect.scatter.add.f32 [tilespmem:s9], [sflag:$0x1], $0x80, s20, s12, $0xb8;
	[tilespmem:$0x19400] =	vst v63  }
0x59: {  	_ = 	snop  }
0x5a: {  	[spmem:s2] =	stream.indirect.scatter.add.f32 [tilespmem:s9], [sflag:$0x1], $0x80, s21, s12, $0xb8;
	[tilespmem:$0x19400] =	vst v63  }
0x5b: {  	_ = 	snop  }
0x5c: {  	[spmem:s2] =	stream.indirect.scatter.add.f32 [tilespmem:s9], [sflag:$0x1], $0x80, s22, s12, $0xb8;
	[tilespmem:$0x19400] =	vst v63  }
0x5d: {  	_ = 	snop  }
0x5e: {  	[spmem:s2] =	stream.indirect.scatter.add.f32 [tilespmem:s9], [sflag:$0x1], $0x80, s23, s12, $0xb8;
	[tilespmem:$0x19400] =	vst v63  }
0x5f: {  	_ = 	snop  }
0x60: {  	[spmem:s2] =	stream.indirect.scatter.add.f32 [tilespmem:s9], [sflag:$0x1], $0x80, s25, s12, $0xb8;
	[tilespmem:$0x19400] =	vst v63  }
0x61: {  	_ = 	snop  }
0x62: {  	[spmem:s2] =	stream.indirect.scatter.add.f32 [tilespmem:s9], [sflag:$0x1], $0x80, s26, s12, $0xb8;
	[tilespmem:$0x19400] =	vst v63  }
0x63: {  	_ = 	snop  }
0x64: {  	[spmem:s2] =	stream.indirect.scatter.add.f32 [tilespmem:s9], [sflag:$0x1], $0x80, s28, s12, $0xb8;
	[tilespmem:$0x19400] =	vst v63  }
0x65: {  	_ = 	snop  }
0x66: {  	[spmem:s2] =	stream.indirect.scatter.add.f32 [tilespmem:s9], [sflag:$0x1], $0x80, s29, s12, $0xb8;
	[tilespmem:$0x19400] =	vst v63  }
0x67: {  	_ = 	snop  }
0x68: {  	[spmem:s2] =	stream.indirect.scatter.add.f32 [tilespmem:s9], [sflag:$0x1], $0x80, s30, s12, $0xb8;
	[tilespmem:$0x19400] =	vst v63  }
0x69: {  	_ = 	snop  }
0x6a: {  	[spmem:s2] =	stream.indirect.scatter.add.f32 [tilespmem:s9], [sflag:$0x1], $0x80, s31, s12, $0xb8;
	[tilespmem:$0x19400] =	vst v63  }
0x6b: {  	_ = 	snop  }
0x6c: {  	[spmem:s2] =	stream.indirect.scatter.add.f32 [tilespmem:s9], [sflag:$0x1], $0x80, s1, s12, $0xb8;
	[tilespmem:$0x19400] =	vst v63  }
0x6d: {  	_ = 	snop  }
0x6e: {  	[spmem:s2] =	stream.indirect.scatter.add.f32 [tilespmem:s9], [sflag:$0x1], $0x80, s0, s12, $0xb8;
	[tilespmem:$0x19400] =	vst v63  }
0x6f: {  	_ =	swait.ge [sflag:s13], $0x4000  }
0x70: {  	s15 =	simm.s32 $0x27;
	[sflag:s13] =	ssyncset.done $0x0  }
.LBB2_2:
0x71: {  	p0 =	sne.s32 s15, $0x1;
	s15 =	sadd.s32 $0xFFFFFFFF, s15;
	[sflag:s13] =	ssyncadd.s32 $0xFFFFC000  }
.Ltmp0:
0x72: {  	(pc) =	sbr.rel @p0 .LBB2_2-.Ltmp0, $3  }
0x73: {  	_ =	sdelay $0x1  }
0x74: {  	_ =	swait.ge [sflag:s13], $0x4000  }
0x75: {  	[sflag:s13] =	ssyncset.done $0x0  }
0x76: {  	s14 =	sadd.s32 $0x1, s14  }
0x77: {  	[sflag:s13] =	ssyncadd.s32 $0xFFFFC000;
	p0 =	sne.s32 s14, s7  }
.Ltmp1:
0x78: {  	[bflag:$0x0] =	sbarrier.arrive $0xFFFF;
	(pc) =	sbr.rel @p0 .LBB2_1-.Ltmp1, $4  }
0x79: {  	[hbm:s24], [sflag:s10] =	dma.local [spmem:s11], $0x2800  }
0x7a: {  	_ =	swait.ge [sflag:s8], $0x2800  }
0x7b: {  	[sflag:s8] =	ssyncset.done $0x0  }
0x7c: {  	[sflag:s8] =	ssyncadd.s32 $0xFFFFD800  }
0x7d: {  	_ =	sfence.sel $0x180000  }
0x7e: {  	[bflag:$0x0] =	sbarrier.arrive $0xFFFF  }
0x7f: {  	_ =	strace $0x90000047  }
0x80: {  	s0 =	stileid.u32;
	[bflag:$0x2] =	sbarrier.arrive $0xFFFF  }
0x81: {  	p0 =	sne.s32 s0, $0x0;
	s0 =	rddreg [dreg:$0x2]  }
0x82: {  	s0 =	sadd.s32 @!p0 $0x100000, s0  }
0x83: {  	[sflag:s0] =	ssyncadd.tile.s32 @!p0 $0x1;
	_ =	shalt  }
.Lfunc_end2:
_tile_overlayer_lowered:
.L_overlay_start_2:
0x84: {  	(tag) =	ssettag $0x2  }
0x85: {  	s0 =	rddreg [dreg:$0x0];
	s2 =	stileid.u32  }
0x86: {  	s1 =	rddreg [dreg:$0x1];
	p0 =	sne.s32 s2, $0x0  }
0x87: {  	s3 =	rddreg [dreg:$0x2];
	[bflag:$0x3] =	sbarrier.arrive $0xFFFF;
	s2 =	simm.s32 @!p0 $0x1C02  }
0x88: {  	[timem:s3], [sflag:s2] =	dma.local @!p0 [hbm:s0], s1  }
0x89: {  	s0 =	simm.s32 @!p0 $0x2  }
0x8a: {  	_ =	swait.ge @!p0 [sflag:s0], s1  }
0x8b: {  	s1 =	ssub.s32 @!p0 $0x0, s1;
	[sflag:s0] =	ssyncset.done @!p0 $0x0  }
0x8c: {  	[sflag:s0] =	ssyncadd.s32 @!p0 s1  }
0x8d: {  	[bflag:$0x3] =	sbarrier.arrive $0xFFFF  }
0x8e: {  	_ =	shalt  }

</sc_bundles>
